<compile_context>
chip_gen: v7x
topology: tpu7x:2x2x1
jax: 0.10.2.dev20260603
libtpu: 0.0.44.dev20260713+nightly
codegen_flags: <defaults>
</compile_context>

<pallas_src>
import functools

import jax
import jax.numpy as jnp
from jax import lax
from jax.experimental import pallas as pl
from jax.experimental.pallas import tpu as pltpu, tpu_sc as plsc

L = 16
NC = 2
NS = 16
NW = NC * NS
CA = 64
W = 512
BN = 4096


def _sqrt16(v):
    i = plsc.bitcast(v, jnp.int32)
    i = jnp.int32(0x5F3759DF) - (i >> 1)
    y = plsc.bitcast(i, jnp.float32)
    vh = v * jnp.float32(0.5)
    for _ in range(4):
        y = y * (jnp.float32(1.5) - vh * y * y)
    return v * y


def _build_body(aug_ref, locs_ref, cs_ref, out_ref):
    x = aug_ref[...].reshape(496, BN)
    xl = locs_ref[...]
    xc = cs_ref[0:1, :].astype(jnp.float32)
    pad = jnp.zeros((5, BN), jnp.float32)
    full = jnp.concatenate([x, xl, xc, pad], axis=0)
    out_ref[:, :504] = jnp.transpose(full)
    out_ref[:, 504:] = jnp.zeros((BN, 8), jnp.float32)


def _unpack_body(in_ref, out_ref):
    x = in_ref[...]
    out_ref[...] = jnp.transpose(x[:, :496]).reshape(31, 16, BN)


def _body(NREP, N, M1, B_PER_W,
          aug_hbm, bidx_hbm,
          augout, lxout, lyout, scout,
          idx_v, hidx_v, hnn_v, d16_v, nnwin_v,
          hrow_v, hnnrow_v, aug_v, nn_v2, lx_v, ly_v, sc_v, gsem, osem, nsem):
    wid = lax.axis_index("s") * NC + lax.axis_index("c")
    base = wid * B_PER_W
    lane = lax.iota(jnp.int32, L)
    cx = jnp.full((L,), 496, jnp.int32)
    cy = jnp.full((L,), 497, jnp.int32)
    cn = jnp.full((L,), 498, jnp.int32)

    pltpu.sync_copy(bidx_hbm.at[pl.ds(base, B_PER_W)], idx_v)

    hidx = jnp.where(lane == 1, 5, jnp.where(lane == 0, 1, lane + L + wid * L))
    hidx_v[...] = hidx
    pltpu.sync_copy(aug_hbm.at[hidx_v], hrow_v)
    hx = plsc.load_gather(hrow_v, [lane, cx])
    hy = plsc.load_gather(hrow_v, [lane, cy])
    hnn_v[...] = plsc.load_gather(hrow_v, [lane, cn]).astype(jnp.int32)
    pltpu.sync_copy(aug_hbm.at[hnn_v], hnnrow_v)
    dx = hx - plsc.load_gather(hnnrow_v, [lane, cx])
    dy = hy - plsc.load_gather(hnnrow_v, [lane, cy])
    d16_v[...] = dx * dx + dy * dy
    d16 = d16_v[...]
    d1 = d16[0]
    d5 = d16[1]

    def process(pb, t):
        rows_ref = aug_v.at[pb]
        for j in range(CA // L):
            rows = lane + j * L
            nnwin_v[pl.ds(j * L, L)] = plsc.load_gather(
                rows_ref, [rows, cn]).astype(jnp.int32)
        g = pltpu.make_async_copy(aug_hbm.at[nnwin_v], nn_v2, nsem)
        g.start()
        g.wait()
        for j in range(CA // L):
            rows = lane + j * L
            ax = plsc.load_gather(rows_ref, [rows, cx])
            ay = plsc.load_gather(rows_ref, [rows, cy])
            dx = ax - plsc.load_gather(nn_v2, [rows, cx])
            dy = ay - plsc.load_gather(nn_v2, [rows, cy])
            d = dx * dx + dy * dy
            sc = _sqrt16(d * d5) / d1
            o = t * CA + j * L
            bi = idx_v[pl.ds(o, L)]
            sc_v[pl.ds(o, L)] = jnp.where(bi == 0, jnp.float32(1.0), sc)
            lx_v[pl.ds(o, L)] = ax
            ly_v[pl.ds(o, L)] = ay

    nwin = B_PER_W // CA
    gathers = [None, None]
    writes = [None, None]
    for t in range(nwin):
        b = t % 2
        if writes[b] is not None:
            writes[b].wait()
        g = pltpu.make_async_copy(
            aug_hbm.at[idx_v.at[pl.ds(t * CA, CA)]], aug_v.at[b], gsem.at[b])
        g.start()
        gathers[b] = g
        if t >= 1:
            pb = 1 - b
            gathers[pb].wait()
            process(pb, t - 1)
            w = pltpu.make_async_copy(
                aug_v.at[pb], augout.at[pl.ds(base + (t - 1) * CA, CA)],
                osem.at[pb])
            w.start()
            writes[pb] = w
    lb = (nwin - 1) % 2
    gathers[lb].wait()
    process(lb, nwin - 1)
    w = pltpu.make_async_copy(
        aug_v.at[lb], augout.at[pl.ds(base + (nwin - 1) * CA, CA)], osem.at[lb])
    w.start()
    writes[lb] = w
    pltpu.sync_copy(sc_v, scout.at[pl.ds(base, B_PER_W)])
    pltpu.sync_copy(lx_v, lxout.at[pl.ds(base, B_PER_W)])
    pltpu.sync_copy(ly_v, lyout.at[pl.ds(base, B_PER_W)])
    writes[0].wait()
    writes[1].wait()


def kernel(locs, response, augmented_response, conditioning_sets, batch_idx):
    del response
    N, _ = locs.shape
    NREP, _, M1 = augmented_response.shape
    B = batch_idx.shape[0]
    B_PER_W = B // NW

    aug_t = augmented_response.transpose(2, 0, 1)
    locs_t = locs.T
    cs_t = conditioning_sets.T

    aug_p = pl.pallas_call(
        _build_body,
        grid=(pl.cdiv(N, BN),),
        in_specs=[
            pl.BlockSpec((M1, NREP, BN), lambda i: (0, 0, i)),
            pl.BlockSpec((2, BN), lambda i: (0, i)),
            pl.BlockSpec((8, BN), lambda i: (0, i)),
        ],
        out_specs=pl.BlockSpec((BN, W), lambda i: (i, 0)),
        out_shape=jax.ShapeDtypeStruct((N, W), jnp.float32),
    )(aug_t, locs_t, cs_t)

    mesh = plsc.VectorSubcoreMesh(core_axis_name="c", subcore_axis_name="s")
    body = functools.partial(_body, NREP, N, M1, B_PER_W)
    augout, lx, ly, scales_b = pl.kernel(
        body,
        mesh=mesh,
        compiler_params=pltpu.CompilerParams(needs_layout_passes=False),
        out_type=[
            jax.ShapeDtypeStruct((B, W), jnp.float32),
            jax.ShapeDtypeStruct((B,), jnp.float32),
            jax.ShapeDtypeStruct((B,), jnp.float32),
            jax.ShapeDtypeStruct((B,), jnp.float32),
        ],
        scratch_types=[
            pltpu.VMEM((B_PER_W,), jnp.int32),
            pltpu.VMEM((L,), jnp.int32),
            pltpu.VMEM((L,), jnp.int32),
            pltpu.VMEM((L,), jnp.float32),
            pltpu.VMEM((CA,), jnp.int32),
            pltpu.VMEM((L, W), jnp.float32),
            pltpu.VMEM((L, W), jnp.float32),
            pltpu.VMEM((2, CA, W), jnp.float32),
            pltpu.VMEM((CA, W), jnp.float32),
            pltpu.VMEM((B_PER_W,), jnp.float32),
            pltpu.VMEM((B_PER_W,), jnp.float32),
            pltpu.VMEM((B_PER_W,), jnp.float32),
            pltpu.SemaphoreType.DMA((2,)),
            pltpu.SemaphoreType.DMA((2,)),
            pltpu.SemaphoreType.DMA,
        ],
    )(aug_p, batch_idx)

    locs_b = jnp.stack([lx, ly], axis=1)
    aug_n = pl.pallas_call(
        _unpack_body,
        grid=(B // BN,),
        in_specs=[pl.BlockSpec((BN, W), lambda i: (i, 0))],
        out_specs=pl.BlockSpec((M1, NREP, BN), lambda i: (0, 0, i)),
        out_shape=jax.ShapeDtypeStruct((M1, NREP, B), jnp.float32),
    )(augout)
    aug_b = aug_n.transpose(1, 2, 0)
    return locs_b, aug_b, scales_b

# --- scband reference (transcript-rebuilt; emitter-appended) ---
"""Pipeline reference for scband-augment-data-54443005444889 (READ-ONLY COPY).

The authoritative reference and input builder live on the scoring server;
editing this copy changes nothing except your own understanding.
"""

import jax, jax.numpy as jnp
import numpy as np

N = 50000
D = 2
NREP = 16
M = 30
B = 8192


def setup_inputs(seed: int = 0) -> dict:
    key = jax.random.key(seed)
    k1, k2, k3, k4, k5 = jax.random.split(key, 5)
    locs = jax.random.normal(k1, (N, D), dtype=jnp.float32)
    response = jax.random.normal(k2, (NREP, N), dtype=jnp.float32)
    augmented_response = jax.random.normal(k3, (NREP, N, M + 1), dtype=jnp.float32)
    conditioning_sets = jax.random.randint(k4, (N, M), 0, N, dtype=jnp.int32)
    batch_idx = jax.random.randint(k5, (B,), 0, N, dtype=jnp.int32)
    return {
        "locs": locs,
        "response": response,
        "augmented_response": augmented_response,
        "conditioning_sets": conditioning_sets,
        "batch_idx": batch_idx,
    }


def _compute_scale(locs, conditioning_sets):
    # scal_i = || locs[i] - locs[NN[i, 0]] ||  for i = 1..N-1
    nn0 = conditioning_sets[1:, 0]
    diff = locs[1:, :] - jnp.take(locs, nn0, axis=0)
    scal = jnp.sqrt(jnp.sum(jnp.square(diff), axis=1))
    # prepend scal[0]^2 / scal[4]
    head = (jnp.square(scal[0]) / scal[4])[None]
    scal = jnp.concatenate([head, scal], axis=0)
    scal = scal / scal[0]
    return scal


def reference(locs, response, augmented_response, conditioning_sets, batch_idx):
    # AugmentData.forward: compute scales, then gather batch.
    scales = _compute_scale(locs, conditioning_sets)
    locs_b = jnp.take(locs, batch_idx, axis=0)
    aug_b = jnp.take(augmented_response, batch_idx, axis=1)
    scales_b = jnp.take(scales, batch_idx, axis=0)
    # AugmentedData tensor fields: locs, augmented_response, scales
    return (locs_b, aug_b, scales_b)


if False:  # reference __main__ guard neutralized (emitter)
    out = reference(**setup_inputs())
    print([o.shape for o in out])

if __name__ == "__main__":
    import jax
    _d = setup_inputs()
    print(jax.jit(kernel)(*tuple(_d.values())))

</pallas_src>

<mosaic_0001>
#map = affine_map<(d0, d1) -> (0, 0)>
#map1 = affine_map<(d0, d1) -> (0)>
module attributes {stable_mosaic.version = 14 : i64} {
  func.func @_body(%arg0: i32, %arg1: i32, %arg2: memref<50000x512xf32, #tpu.memory_space<hbm>>, %arg3: memref<8192xi32, #tpu.memory_space<hbm>>, %arg4: memref<8192x512xf32, #tpu.memory_space<hbm>>, %arg5: memref<8192xf32, #tpu.memory_space<hbm>>, %arg6: memref<8192xf32, #tpu.memory_space<hbm>>, %arg7: memref<8192xf32, #tpu.memory_space<hbm>>, %arg8: memref<256xi32, #tpu.memory_space<vmem>>, %arg9: memref<16xi32, #tpu.memory_space<vmem>>, %arg10: memref<16xi32, #tpu.memory_space<vmem>>, %arg11: memref<16xf32, #tpu.memory_space<vmem>>, %arg12: memref<64xi32, #tpu.memory_space<vmem>>, %arg13: memref<16x512xf32, #tpu.memory_space<vmem>>, %arg14: memref<16x512xf32, #tpu.memory_space<vmem>>, %arg15: memref<2x64x512xf32, #tpu.memory_space<vmem>>, %arg16: memref<64x512xf32, #tpu.memory_space<vmem>>, %arg17: memref<256xf32, #tpu.memory_space<vmem>>, %arg18: memref<256xf32, #tpu.memory_space<vmem>>, %arg19: memref<256xf32, #tpu.memory_space<vmem>>, %arg20: memref<2x!tpu.dma_semaphore, #tpu.memory_space<semaphore_mem>>, %arg21: memref<2x!tpu.dma_semaphore, #tpu.memory_space<semaphore_mem>>, %arg22: memref<!tpu.dma_semaphore, #tpu.memory_space<semaphore_mem>>) attributes {dimension_semantics = [#tpu.dimension_semantics<core_parallel>, #tpu.dimension_semantics<subcore_parallel>], iteration_bounds = array<i64: 2, 16>, scalar_prefetch = 0 : i64, scratch_operands = 15 : i64, tpu.core_type = #tpu.core_type<sc_vector_subcore>, window_params = [{transform_indices = #map}, {transform_indices = #map1}, {transform_indices = #map}, {transform_indices = #map1}, {transform_indices = #map1}, {transform_indices = #map1}]} {
    %mul3A = arith.constant 2 : i32
    %mul3A_0 = arith.muli %arg1, %mul3A : i32
    %add3A = arith.addi %mul3A_0, %arg0 : i32
    %mul3A_1 = arith.constant 256 : i32
    %mul3A_2 = arith.muli %add3A, %mul3A_1 : i32
    %iota3A = tpu.iota {dimensions = array<i32: 0>} : vector<16xi32>
    %broadcast_in_dim3A = arith.constant 496 : i32
    %broadcast_in_dim3A_3 = vector.broadcast %broadcast_in_dim3A : i32 to vector<16xi32>
    %broadcast_in_dim3A_4 = arith.constant 497 : i32
    %broadcast_in_dim3A_5 = vector.broadcast %broadcast_in_dim3A_4 : i32 to vector<16xi32>
    %broadcast_in_dim3A_6 = arith.constant 498 : i32
    %broadcast_in_dim3A_7 = vector.broadcast %broadcast_in_dim3A_6 : i32 to vector<16xi32>
    "tpu.region"() ({
      %run_scoped3A = tpu.sem_alloc : memref<!tpu.dma_semaphore, #tpu.memory_space<semaphore_mem>>
      %dma_start3A_1707 = tpu.memref_slice %arg3[%mul3A_2] : memref<8192xi32, #tpu.memory_space<hbm>> -> memref<256xi32, #tpu.memory_space<hbm>>
      %dma_start3A_1708 = tpu.memref_slice %arg3[%mul3A_2] : memref<8192xi32, #tpu.memory_space<hbm>> -> memref<256xi32, #tpu.memory_space<hbm>>
      tpu.enqueue_dma source(%dma_start3A_1708 : memref<256xi32, #tpu.memory_space<hbm>>) target(%arg8 : memref<256xi32, #tpu.memory_space<vmem>>) target_semaphore(%run_scoped3A : memref<!tpu.dma_semaphore, #tpu.memory_space<semaphore_mem>>)
      %dma_wait3A_1709 = tpu.memref_slice %arg3[%mul3A_2] : memref<8192xi32, #tpu.memory_space<hbm>> -> memref<256xi32, #tpu.memory_space<hbm>>
      %dma_wait3A_1710 = tpu.memref_slice %arg3[%mul3A_2] : memref<8192xi32, #tpu.memory_space<hbm>> -> memref<256xi32, #tpu.memory_space<hbm>>
      tpu.wait_dma2 semaphore(%run_scoped3A : memref<!tpu.dma_semaphore, #tpu.memory_space<semaphore_mem>>) src(%dma_wait3A_1710 : memref<256xi32, #tpu.memory_space<hbm>>) dst(%arg8 : memref<256xi32, #tpu.memory_space<vmem>>)
      tpu.yield
    }) : () -> ()
    %eq3A = arith.constant 1 : i32
    %eq3A_8 = vector.broadcast %eq3A : i32 to vector<16xi32>
    %eq3A_9 = arith.cmpi eq, %iota3A, %eq3A_8 : vector<16xi32>
    %eq3A_10 = arith.constant 0 : i32
    %eq3A_11 = vector.broadcast %eq3A_10 : i32 to vector<16xi32>
    %eq3A_12 = arith.cmpi eq, %iota3A, %eq3A_11 : vector<16xi32>
    %add3A_13 = arith.constant 16 : i32
    %add3A_14 = vector.broadcast %add3A_13 : i32 to vector<16xi32>
    %add3A_15 = arith.addi %iota3A, %add3A_14 : vector<16xi32>
    %mul3A_16 = arith.constant 16 : i32
    %mul3A_17 = arith.muli %add3A, %mul3A_16 : i32
    %add3A_18 = vector.broadcast %mul3A_17 : i32 to vector<16xi32>
    %add3A_19 = arith.addi %add3A_15, %add3A_18 : vector<16xi32>
    %jit3A = arith.constant 1 : i32
    %broadcast_in_dim3A_20 = vector.broadcast %jit3A : i32 to vector<16xi32>
    %select_n3A = arith.select %eq3A_12, %broadcast_in_dim3A_20, %add3A_19 : vector<16xi1>, vector<16xi32>
    %jit3A_21 = arith.constant 5 : i32
    %broadcast_in_dim3A_22 = vector.broadcast %jit3A_21 : i32 to vector<16xi32>
    %select_n3A_23 = arith.select %eq3A_9, %broadcast_in_dim3A_22, %select_n3A : vector<16xi1>, vector<16xi32>
    %swap3A = arith.constant 0 : index
    %swap3A_24 = tpu.vector_load %arg9[%swap3A] {strides = array<i32>} : memref<16xi32, #tpu.memory_space<vmem>>, vector<16xi32>,
    tpu.vector_store %arg9[%swap3A], %select_n3A_23 {strides = array<i32>} : memref<16xi32, #tpu.memory_space<vmem>>, vector<16xi32>,
    "tpu.region"() ({
      %run_scoped3A = tpu.sem_alloc : memref<!tpu.dma_semaphore, #tpu.memory_space<semaphore_mem>>
      %dma_start3A_1707 = arith.constant 0 : i32
      %dma_start3A_1708 = arith.constant 0 : i32
      %dma_start3A_1709 = tpu.memref_slice %arg2[%dma_start3A_1707, %dma_start3A_1708] : memref<50000x512xf32, #tpu.memory_space<hbm>> -> memref<50000x512xf32, #tpu.memory_space<hbm>>
      tpu.enqueue_indirect_dma source(%dma_start3A_1709 : memref<50000x512xf32, #tpu.memory_space<hbm>>) target(%arg13 : memref<16x512xf32, #tpu.memory_space<vmem>>) offsets(%arg9 : memref<16xi32, #tpu.memory_space<vmem>>) semaphore(%run_scoped3A : memref<!tpu.dma_semaphore, #tpu.memory_space<semaphore_mem>>)
      %dma_wait3A_1710 = arith.constant 0 : i32
      %dma_wait3A_1711 = arith.constant 0 : i32
      %dma_wait3A_1712 = tpu.memref_slice %arg2[%dma_wait3A_1710, %dma_wait3A_1711] : memref<50000x512xf32, #tpu.memory_space<hbm>> -> memref<50000x512xf32, #tpu.memory_space<hbm>>
      tpu.wait_indirect_dma semaphore(%run_scoped3A : memref<!tpu.dma_semaphore, #tpu.memory_space<semaphore_mem>>) src(%dma_wait3A_1712 : memref<50000x512xf32, #tpu.memory_space<hbm>>) dst(%arg13 : memref<16x512xf32, #tpu.memory_space<vmem>>)
      tpu.yield
    }) : () -> ()
    %gather3A = tpu.vector_load_idx %arg13[%iota3A, %broadcast_in_dim3A_3] : memref<16x512xf32, #tpu.memory_space<vmem>>[vector<16xi32>, vector<16xi32>], vector<16xf32>,
    %gather3A_25 = tpu.vector_load_idx %arg13[%iota3A, %broadcast_in_dim3A_5] : memref<16x512xf32, #tpu.memory_space<vmem>>[vector<16xi32>, vector<16xi32>], vector<16xf32>,
    %gather3A_26 = tpu.vector_load_idx %arg13[%iota3A, %broadcast_in_dim3A_7] : memref<16x512xf32, #tpu.memory_space<vmem>>[vector<16xi32>, vector<16xi32>], vector<16xf32>,
    %convert_element_type3A = arith.fptosi %gather3A_26 : vector<16xf32> to vector<16xi32>
    %swap3A_27 = arith.constant 0 : index
    %swap3A_28 = tpu.vector_load %arg10[%swap3A_27] {strides = array<i32>} : memref<16xi32, #tpu.memory_space<vmem>>, vector<16xi32>,
    tpu.vector_store %arg10[%swap3A_27], %convert_element_type3A {strides = array<i32>} : memref<16xi32, #tpu.memory_space<vmem>>, vector<16xi32>,
    "tpu.region"() ({
      %run_scoped3A = tpu.sem_alloc : memref<!tpu.dma_semaphore, #tpu.memory_space<semaphore_mem>>
      %dma_start3A_1707 = arith.constant 0 : i32
      %dma_start3A_1708 = arith.constant 0 : i32
      %dma_start3A_1709 = tpu.memref_slice %arg2[%dma_start3A_1707, %dma_start3A_1708] : memref<50000x512xf32, #tpu.memory_space<hbm>> -> memref<50000x512xf32, #tpu.memory_space<hbm>>
      tpu.enqueue_indirect_dma source(%dma_start3A_1709 : memref<50000x512xf32, #tpu.memory_space<hbm>>) target(%arg14 : memref<16x512xf32, #tpu.memory_space<vmem>>) offsets(%arg10 : memref<16xi32, #tpu.memory_space<vmem>>) semaphore(%run_scoped3A : memref<!tpu.dma_semaphore, #tpu.memory_space<semaphore_mem>>)
      %dma_wait3A_1710 = arith.constant 0 : i32
      %dma_wait3A_1711 = arith.constant 0 : i32
      %dma_wait3A_1712 = tpu.memref_slice %arg2[%dma_wait3A_1710, %dma_wait3A_1711] : memref<50000x512xf32, #tpu.memory_space<hbm>> -> memref<50000x512xf32, #tpu.memory_space<hbm>>
      tpu.wait_indirect_dma semaphore(%run_scoped3A : memref<!tpu.dma_semaphore, #tpu.memory_space<semaphore_mem>>) src(%dma_wait3A_1712 : memref<50000x512xf32, #tpu.memory_space<hbm>>) dst(%arg14 : memref<16x512xf32, #tpu.memory_space<vmem>>)
      tpu.yield
    }) : () -> ()
    %gather3A_29 = tpu.vector_load_idx %arg14[%iota3A, %broadcast_in_dim3A_3] : memref<16x512xf32, #tpu.memory_space<vmem>>[vector<16xi32>, vector<16xi32>], vector<16xf32>,
    %sub3A = arith.subf %gather3A, %gather3A_29 : vector<16xf32>
    %gather3A_30 = tpu.vector_load_idx %arg14[%iota3A, %broadcast_in_dim3A_5] : memref<16x512xf32, #tpu.memory_space<vmem>>[vector<16xi32>, vector<16xi32>], vector<16xf32>,
    %sub3A_31 = arith.subf %gather3A_25, %gather3A_30 : vector<16xf32>
    %mul3A_32 = arith.mulf %sub3A, %sub3A : vector<16xf32>
    %mul3A_33 = arith.mulf %sub3A_31, %sub3A_31 : vector<16xf32>
    %add3A_34 = arith.addf %mul3A_32, %mul3A_33 : vector<16xf32>
    %swap3A_35 = arith.constant 0 : index
    %swap3A_36 = tpu.vector_load %arg11[%swap3A_35] {strides = array<i32>} : memref<16xf32, #tpu.memory_space<vmem>>, vector<16xf32>,
    tpu.vector_store %arg11[%swap3A_35], %add3A_34 {strides = array<i32>} : memref<16xf32, #tpu.memory_space<vmem>>, vector<16xf32>,
    %get3A = arith.constant 0 : index
    %get3A_37 = tpu.vector_load %arg11[%get3A] {strides = array<i32>} : memref<16xf32, #tpu.memory_space<vmem>>, vector<16xf32>,
    %slice3A = vector.extract_strided_slice %get3A_37 {offsets = [0], sizes = [1], strides = [1]} : vector<16xf32> to vector<1xf32>
    %squeeze3A = vector.extract %slice3A[0] : f32 from vector<1xf32>
    %slice3A_38 = vector.extract_strided_slice %get3A_37 {offsets = [1], sizes = [1], strides = [1]} : vector<16xf32> to vector<1xf32>
    %squeeze3A_39 = vector.extract %slice3A_38[0] : f32 from vector<1xf32>
    %dma_start3A = arith.constant 0 : i32
    %dma_start3A_40 = arith.constant 0 : i32
    %dma_start3A_41 = arith.constant 0 : i32
    %dma_start3A_42 = arith.constant 0 : i32
    %dma_start3A_43 = tpu.memref_slice %arg15[%dma_start3A, %dma_start3A_41, %dma_start3A_42] : memref<2x64x512xf32, #tpu.memory_space<vmem>> -> memref<1x64x512xf32, #tpu.memory_space<vmem>>
    %dma_start3A_44 = tpu.memref_squeeze %dma_start3A_43 : memref<1x64x512xf32, #tpu.memory_space<vmem>> -> memref<64x512xf32, #tpu.memory_space<vmem>>
    %dma_start3A_45 = arith.constant 0 : i32
    %dma_start3A_46 = tpu.memref_slice %arg8[%dma_start3A_45] : memref<256xi32, #tpu.memory_space<vmem>> -> memref<64xi32, #tpu.memory_space<vmem>>
    %dma_start3A_47 = arith.constant 0 : i32
    %dma_start3A_48 = arith.constant 0 : i32
    %dma_start3A_49 = tpu.memref_slice %arg2[%dma_start3A_47, %dma_start3A_48] : memref<50000x512xf32, #tpu.memory_space<hbm>> -> memref<50000x512xf32, #tpu.memory_space<hbm>>
    %dma_start3A_50 = tpu.memref_slice %arg20[%dma_start3A_40] : memref<2x!tpu.dma_semaphore, #tpu.memory_space<semaphore_mem>> -> memref<1x!tpu.dma_semaphore, #tpu.memory_space<semaphore_mem>>
    %dma_start3A_51 = tpu.memref_squeeze %dma_start3A_50 : memref<1x!tpu.dma_semaphore, #tpu.memory_space<semaphore_mem>> -> memref<!tpu.dma_semaphore, #tpu.memory_space<semaphore_mem>>
    tpu.enqueue_indirect_dma source(%dma_start3A_49 : memref<50000x512xf32, #tpu.memory_space<hbm>>) target(%dma_start3A_44 : memref<64x512xf32, #tpu.memory_space<vmem>>) offsets(%dma_start3A_46 : memref<64xi32, #tpu.memory_space<vmem>>) semaphore(%dma_start3A_51 : memref<!tpu.dma_semaphore, #tpu.memory_space<semaphore_mem>>)
    %dma_start3A_52 = arith.constant 1 : i32
    %dma_start3A_53 = arith.constant 1 : i32
    %dma_start3A_54 = arith.constant 0 : i32
    %dma_start3A_55 = arith.constant 0 : i32
    %dma_start3A_56 = tpu.memref_slice %arg15[%dma_start3A_52, %dma_start3A_54, %dma_start3A_55] : memref<2x64x512xf32, #tpu.memory_space<vmem>> -> memref<1x64x512xf32, #tpu.memory_space<vmem>>
    %dma_start3A_57 = tpu.memref_squeeze %dma_start3A_56 : memref<1x64x512xf32, #tpu.memory_space<vmem>> -> memref<64x512xf32, #tpu.memory_space<vmem>>
    %dma_start3A_58 = arith.constant 64 : i32
    %dma_start3A_59 = tpu.memref_slice %arg8[%dma_start3A_58] : memref<256xi32, #tpu.memory_space<vmem>> -> memref<64xi32, #tpu.memory_space<vmem>>
    %dma_start3A_60 = arith.constant 0 : i32
    %dma_start3A_61 = arith.constant 0 : i32
    %dma_start3A_62 = tpu.memref_slice %arg2[%dma_start3A_60, %dma_start3A_61] : memref<50000x512xf32, #tpu.memory_space<hbm>> -> memref<50000x512xf32, #tpu.memory_space<hbm>>
    %dma_start3A_63 = tpu.memref_slice %arg20[%dma_start3A_53] : memref<2x!tpu.dma_semaphore, #tpu.memory_space<semaphore_mem>> -> memref<1x!tpu.dma_semaphore, #tpu.memory_space<semaphore_mem>>
    %dma_start3A_64 = tpu.memref_squeeze %dma_start3A_63 : memref<1x!tpu.dma_semaphore, #tpu.memory_space<semaphore_mem>> -> memref<!tpu.dma_semaphore, #tpu.memory_space<semaphore_mem>>
    tpu.enqueue_indirect_dma source(%dma_start3A_62 : memref<50000x512xf32, #tpu.memory_space<hbm>>) target(%dma_start3A_57 : memref<64x512xf32, #tpu.memory_space<vmem>>) offsets(%dma_start3A_59 : memref<64xi32, #tpu.memory_space<vmem>>) semaphore(%dma_start3A_64 : memref<!tpu.dma_semaphore, #tpu.memory_space<semaphore_mem>>)
    %dma_wait3A = arith.constant 0 : i32
    %dma_wait3A_65 = arith.constant 0 : i32
    %dma_wait3A_66 = arith.constant 0 : i32
    %dma_wait3A_67 = arith.constant 0 : i32
    %dma_wait3A_68 = tpu.memref_slice %arg15[%dma_wait3A, %dma_wait3A_66, %dma_wait3A_67] : memref<2x64x512xf32, #tpu.memory_space<vmem>> -> memref<1x64x512xf32, #tpu.memory_space<vmem>>
    %dma_wait3A_69 = tpu.memref_squeeze %dma_wait3A_68 : memref<1x64x512xf32, #tpu.memory_space<vmem>> -> memref<64x512xf32, #tpu.memory_space<vmem>>
    %dma_wait3A_70 = arith.constant 0 : i32
    %dma_wait3A_71 = tpu.memref_slice %arg8[%dma_wait3A_70] : memref<256xi32, #tpu.memory_space<vmem>> -> memref<64xi32, #tpu.memory_space<vmem>>
    %dma_wait3A_72 = arith.constant 0 : i32
    %dma_wait3A_73 = arith.constant 0 : i32
    %dma_wait3A_74 = tpu.memref_slice %arg2[%dma_wait3A_72, %dma_wait3A_73] : memref<50000x512xf32, #tpu.memory_space<hbm>> -> memref<50000x512xf32, #tpu.memory_space<hbm>>
    %dma_wait3A_75 = tpu.memref_slice %arg20[%dma_wait3A_65] : memref<2x!tpu.dma_semaphore, #tpu.memory_space<semaphore_mem>> -> memref<1x!tpu.dma_semaphore, #tpu.memory_space<semaphore_mem>>
    %dma_wait3A_76 = tpu.memref_squeeze %dma_wait3A_75 : memref<1x!tpu.dma_semaphore, #tpu.memory_space<semaphore_mem>> -> memref<!tpu.dma_semaphore, #tpu.memory_space<semaphore_mem>>
    tpu.wait_indirect_dma semaphore(%dma_wait3A_76 : memref<!tpu.dma_semaphore, #tpu.memory_space<semaphore_mem>>) src(%dma_wait3A_74 : memref<50000x512xf32, #tpu.memory_space<hbm>>) dst(%dma_wait3A_69 : memref<64x512xf32, #tpu.memory_space<vmem>>)
    %add3A_77 = arith.constant 0 : i32
    %add3A_78 = vector.broadcast %add3A_77 : i32 to vector<16xi32>
    %add3A_79 = arith.addi %iota3A, %add3A_78 : vector<16xi32>
    %gather3A_80 = arith.constant 0 : i32
    %gather3A_81 = arith.constant 0 : i32
    %gather3A_82 = arith.constant 0 : i32
    %gather3A_83 = tpu.memref_slice %arg15[%gather3A_80, %gather3A_81, %gather3A_82] : memref<2x64x512xf32, #tpu.memory_space<vmem>> -> memref<1x64x512xf32, #tpu.memory_space<vmem>>
    %gather3A_84 = tpu.memref_squeeze %gather3A_83 : memref<1x64x512xf32, #tpu.memory_space<vmem>> -> memref<64x512xf32, #tpu.memory_space<vmem>>
    %gather3A_85 = tpu.vector_load_idx %gather3A_84[%add3A_79, %broadcast_in_dim3A_7] : memref<64x512xf32, #tpu.memory_space<vmem>>[vector<16xi32>, vector<16xi32>], vector<16xf32>,
    %convert_element_type3A_86 = arith.fptosi %gather3A_85 : vector<16xf32> to vector<16xi32>
    %swap3A_87 = arith.constant 0 : index
    %swap3A_88 = tpu.vector_load %arg12[%swap3A_87] {strides = array<i32>} : memref<64xi32, #tpu.memory_space<vmem>>, vector<16xi32>,
    tpu.vector_store %arg12[%swap3A_87], %convert_element_type3A_86 {strides = array<i32>} : memref<64xi32, #tpu.memory_space<vmem>>, vector<16xi32>,
    %add3A_89 = arith.constant 16 : i32
    %add3A_90 = vector.broadcast %add3A_89 : i32 to vector<16xi32>
    %add3A_91 = arith.addi %iota3A, %add3A_90 : vector<16xi32>
    %gather3A_92 = arith.constant 0 : i32
    %gather3A_93 = arith.constant 0 : i32
    %gather3A_94 = arith.constant 0 : i32
    %gather3A_95 = tpu.memref_slice %arg15[%gather3A_92, %gather3A_93, %gather3A_94] : memref<2x64x512xf32, #tpu.memory_space<vmem>> -> memref<1x64x512xf32, #tpu.memory_space<vmem>>
    %gather3A_96 = tpu.memref_squeeze %gather3A_95 : memref<1x64x512xf32, #tpu.memory_space<vmem>> -> memref<64x512xf32, #tpu.memory_space<vmem>>
    %gather3A_97 = tpu.vector_load_idx %gather3A_96[%add3A_91, %broadcast_in_dim3A_7] : memref<64x512xf32, #tpu.memory_space<vmem>>[vector<16xi32>, vector<16xi32>], vector<16xf32>,
    %convert_element_type3A_98 = arith.fptosi %gather3A_97 : vector<16xf32> to vector<16xi32>
    %swap3A_99 = arith.constant 16 : index
    %swap3A_100 = tpu.vector_load %arg12[%swap3A_99] {strides = array<i32>} : memref<64xi32, #tpu.memory_space<vmem>>, vector<16xi32>,
    tpu.vector_store %arg12[%swap3A_99], %convert_element_type3A_98 {strides = array<i32>} : memref<64xi32, #tpu.memory_space<vmem>>, vector<16xi32>,
    %add3A_101 = arith.constant 32 : i32
    %add3A_102 = vector.broadcast %add3A_101 : i32 to vector<16xi32>
    %add3A_103 = arith.addi %iota3A, %add3A_102 : vector<16xi32>
    %gather3A_104 = arith.constant 0 : i32
    %gather3A_105 = arith.constant 0 : i32
    %gather3A_106 = arith.constant 0 : i32
    %gather3A_107 = tpu.memref_slice %arg15[%gather3A_104, %gather3A_105, %gather3A_106] : memref<2x64x512xf32, #tpu.memory_space<vmem>> -> memref<1x64x512xf32, #tpu.memory_space<vmem>>
    %gather3A_108 = tpu.memref_squeeze %gather3A_107 : memref<1x64x512xf32, #tpu.memory_space<vmem>> -> memref<64x512xf32, #tpu.memory_space<vmem>>
    %gather3A_109 = tpu.vector_load_idx %gather3A_108[%add3A_103, %broadcast_in_dim3A_7] : memref<64x512xf32, #tpu.memory_space<vmem>>[vector<16xi32>, vector<16xi32>], vector<16xf32>,
    %convert_element_type3A_110 = arith.fptosi %gather3A_109 : vector<16xf32> to vector<16xi32>
    %swap3A_111 = arith.constant 32 : index
    %swap3A_112 = tpu.vector_load %arg12[%swap3A_111] {strides = array<i32>} : memref<64xi32, #tpu.memory_space<vmem>>, vector<16xi32>,
    tpu.vector_store %arg12[%swap3A_111], %convert_element_type3A_110 {strides = array<i32>} : memref<64xi32, #tpu.memory_space<vmem>>, vector<16xi32>,
    %add3A_113 = arith.constant 48 : i32
    %add3A_114 = vector.broadcast %add3A_113 : i32 to vector<16xi32>
    %add3A_115 = arith.addi %iota3A, %add3A_114 : vector<16xi32>
    %gather3A_116 = arith.constant 0 : i32
    %gather3A_117 = arith.constant 0 : i32
    %gather3A_118 = arith.constant 0 : i32
    %gather3A_119 = tpu.memref_slice %arg15[%gather3A_116, %gather3A_117, %gather3A_118] : memref<2x64x512xf32, #tpu.memory_space<vmem>> -> memref<1x64x512xf32, #tpu.memory_space<vmem>>
    %gather3A_120 = tpu.memref_squeeze %gather3A_119 : memref<1x64x512xf32, #tpu.memory_space<vmem>> -> memref<64x512xf32, #tpu.memory_space<vmem>>
    %gather3A_121 = tpu.vector_load_idx %gather3A_120[%add3A_115, %broadcast_in_dim3A_7] : memref<64x512xf32, #tpu.memory_space<vmem>>[vector<16xi32>, vector<16xi32>], vector<16xf32>,
    %convert_element_type3A_122 = arith.fptosi %gather3A_121 : vector<16xf32> to vector<16xi32>
    %swap3A_123 = arith.constant 48 : index
    %swap3A_124 = tpu.vector_load %arg12[%swap3A_123] {strides = array<i32>} : memref<64xi32, #tpu.memory_space<vmem>>, vector<16xi32>,
    tpu.vector_store %arg12[%swap3A_123], %convert_element_type3A_122 {strides = array<i32>} : memref<64xi32, #tpu.memory_space<vmem>>, vector<16xi32>,
    %dma_start3A_125 = arith.constant 0 : i32
    %dma_start3A_126 = arith.constant 0 : i32
    %dma_start3A_127 = tpu.memref_slice %arg2[%dma_start3A_125, %dma_start3A_126] : memref<50000x512xf32, #tpu.memory_space<hbm>> -> memref<50000x512xf32, #tpu.memory_space<hbm>>
    tpu.enqueue_indirect_dma source(%dma_start3A_127 : memref<50000x512xf32, #tpu.memory_space<hbm>>) target(%arg16 : memref<64x512xf32, #tpu.memory_space<vmem>>) offsets(%arg12 : memref<64xi32, #tpu.memory_space<vmem>>) semaphore(%arg22 : memref<!tpu.dma_semaphore, #tpu.memory_space<semaphore_mem>>)
    %dma_wait3A_128 = arith.constant 0 : i32
    %dma_wait3A_129 = arith.constant 0 : i32
    %dma_wait3A_130 = tpu.memref_slice %arg2[%dma_wait3A_128, %dma_wait3A_129] : memref<50000x512xf32, #tpu.memory_space<hbm>> -> memref<50000x512xf32, #tpu.memory_space<hbm>>
    tpu.wait_indirect_dma semaphore(%arg22 : memref<!tpu.dma_semaphore, #tpu.memory_space<semaphore_mem>>) src(%dma_wait3A_130 : memref<50000x512xf32, #tpu.memory_space<hbm>>) dst(%arg16 : memref<64x512xf32, #tpu.memory_space<vmem>>)
    %add3A_131 = arith.constant 0 : i32
    %add3A_132 = vector.broadcast %add3A_131 : i32 to vector<16xi32>
    %add3A_133 = arith.addi %iota3A, %add3A_132 : vector<16xi32>
    %gather3A_134 = arith.constant 0 : i32
    %gather3A_135 = arith.constant 0 : i32
    %gather3A_136 = arith.constant 0 : i32
    %gather3A_137 = tpu.memref_slice %arg15[%gather3A_134, %gather3A_135, %gather3A_136] : memref<2x64x512xf32, #tpu.memory_space<vmem>> -> memref<1x64x512xf32, #tpu.memory_space<vmem>>
    %gather3A_138 = tpu.memref_squeeze %gather3A_137 : memref<1x64x512xf32, #tpu.memory_space<vmem>> -> memref<64x512xf32, #tpu.memory_space<vmem>>
    %gather3A_139 = tpu.vector_load_idx %gather3A_138[%add3A_133, %broadcast_in_dim3A_3] : memref<64x512xf32, #tpu.memory_space<vmem>>[vector<16xi32>, vector<16xi32>], vector<16xf32>,
    %gather3A_140 = arith.constant 0 : i32
    %gather3A_141 = arith.constant 0 : i32
    %gather3A_142 = arith.constant 0 : i32
    %gather3A_143 = tpu.memref_slice %arg15[%gather3A_140, %gather3A_141, %gather3A_142] : memref<2x64x512xf32, #tpu.memory_space<vmem>> -> memref<1x64x512xf32, #tpu.memory_space<vmem>>
    %gather3A_144 = tpu.memref_squeeze %gather3A_143 : memref<1x64x512xf32, #tpu.memory_space<vmem>> -> memref<64x512xf32, #tpu.memory_space<vmem>>
    %gather3A_145 = tpu.vector_load_idx %gather3A_144[%add3A_133, %broadcast_in_dim3A_5] : memref<64x512xf32, #tpu.memory_space<vmem>>[vector<16xi32>, vector<16xi32>], vector<16xf32>,
    %gather3A_146 = tpu.vector_load_idx %arg16[%add3A_133, %broadcast_in_dim3A_3] : memref<64x512xf32, #tpu.memory_space<vmem>>[vector<16xi32>, vector<16xi32>], vector<16xf32>,
    %sub3A_147 = arith.subf %gather3A_139, %gather3A_146 : vector<16xf32>
    %gather3A_148 = tpu.vector_load_idx %arg16[%add3A_133, %broadcast_in_dim3A_5] : memref<64x512xf32, #tpu.memory_space<vmem>>[vector<16xi32>, vector<16xi32>], vector<16xf32>,
    %sub3A_149 = arith.subf %gather3A_145, %gather3A_148 : vector<16xf32>
    %mul3A_150 = arith.mulf %sub3A_147, %sub3A_147 : vector<16xf32>
    %mul3A_151 = arith.mulf %sub3A_149, %sub3A_149 : vector<16xf32>
    %add3A_152 = arith.addf %mul3A_150, %mul3A_151 : vector<16xf32>
    %mul3A_153 = vector.broadcast %squeeze3A_39 : f32 to vector<16xf32>
    %mul3A_154 = arith.mulf %add3A_152, %mul3A_153 : vector<16xf32>
    %bitcast3A = vector.bitcast %mul3A_154 : vector<16xf32> to vector<16xi32>
    %shift_right_arithmetic3A = arith.constant 1 : i32
    %shift_right_arithmetic3A_155 = vector.broadcast %shift_right_arithmetic3A : i32 to vector<16xi32>
    %shift_right_arithmetic3A_156 = arith.shrsi %bitcast3A, %shift_right_arithmetic3A_155 : vector<16xi32>
    %sub3A_157 = arith.constant 1597463007 : i32
    %sub3A_158 = vector.broadcast %sub3A_157 : i32 to vector<16xi32>
    %sub3A_159 = arith.subi %sub3A_158, %shift_right_arithmetic3A_156 : vector<16xi32>
    %bitcast3A_160 = vector.bitcast %sub3A_159 : vector<16xi32> to vector<16xf32>
    %mul3A_161 = arith.constant 5.000000e-01 : f32
    %mul3A_162 = vector.broadcast %mul3A_161 : f32 to vector<16xf32>
    %mul3A_163 = arith.mulf %mul3A_154, %mul3A_162 : vector<16xf32>
    %mul3A_164 = arith.mulf %mul3A_163, %bitcast3A_160 : vector<16xf32>
    %mul3A_165 = arith.mulf %mul3A_164, %bitcast3A_160 : vector<16xf32>
    %sub3A_166 = arith.constant 1.500000e+00 : f32
    %sub3A_167 = vector.broadcast %sub3A_166 : f32 to vector<16xf32>
    %sub3A_168 = arith.subf %sub3A_167, %mul3A_165 : vector<16xf32>
    %mul3A_169 = arith.mulf %bitcast3A_160, %sub3A_168 : vector<16xf32>
    %mul3A_170 = arith.mulf %mul3A_163, %mul3A_169 : vector<16xf32>
    %mul3A_171 = arith.mulf %mul3A_170, %mul3A_169 : vector<16xf32>
    %sub3A_172 = arith.constant 1.500000e+00 : f32
    %sub3A_173 = vector.broadcast %sub3A_172 : f32 to vector<16xf32>
    %sub3A_174 = arith.subf %sub3A_173, %mul3A_171 : vector<16xf32>
    %mul3A_175 = arith.mulf %mul3A_169, %sub3A_174 : vector<16xf32>
    %mul3A_176 = arith.mulf %mul3A_163, %mul3A_175 : vector<16xf32>
    %mul3A_177 = arith.mulf %mul3A_176, %mul3A_175 : vector<16xf32>
    %sub3A_178 = arith.constant 1.500000e+00 : f32
    %sub3A_179 = vector.broadcast %sub3A_178 : f32 to vector<16xf32>
    %sub3A_180 = arith.subf %sub3A_179, %mul3A_177 : vector<16xf32>
    %mul3A_181 = arith.mulf %mul3A_175, %sub3A_180 : vector<16xf32>
    %mul3A_182 = arith.mulf %mul3A_163, %mul3A_181 : vector<16xf32>
    %mul3A_183 = arith.mulf %mul3A_182, %mul3A_181 : vector<16xf32>
    %sub3A_184 = arith.constant 1.500000e+00 : f32
    %sub3A_185 = vector.broadcast %sub3A_184 : f32 to vector<16xf32>
    %sub3A_186 = arith.subf %sub3A_185, %mul3A_183 : vector<16xf32>
    %mul3A_187 = arith.mulf %mul3A_181, %sub3A_186 : vector<16xf32>
    %mul3A_188 = arith.mulf %mul3A_154, %mul3A_187 : vector<16xf32>
    %div3A = vector.broadcast %squeeze3A : f32 to vector<16xf32>
    %div3A_189 = arith.divf %mul3A_188, %div3A : vector<16xf32>
    %get3A_190 = arith.constant 0 : index
    %get3A_191 = tpu.vector_load %arg8[%get3A_190] {strides = array<i32>} : memref<256xi32, #tpu.memory_space<vmem>>, vector<16xi32>,
    %eq3A_192 = arith.constant 0 : i32
    %eq3A_193 = vector.broadcast %eq3A_192 : i32 to vector<16xi32>
    %eq3A_194 = arith.cmpi eq, %get3A_191, %eq3A_193 : vector<16xi32>
    %jit3A_195 = arith.constant 1.000000e+00 : f32
    %broadcast_in_dim3A_196 = vector.broadcast %jit3A_195 : f32 to vector<16xf32>
    %select_n3A_197 = arith.select %eq3A_194, %broadcast_in_dim3A_196, %div3A_189 : vector<16xi1>, vector<16xf32>
    %swap3A_198 = arith.constant 0 : index
    %swap3A_199 = tpu.vector_load %arg19[%swap3A_198] {strides = array<i32>} : memref<256xf32, #tpu.memory_space<vmem>>, vector<16xf32>,
    tpu.vector_store %arg19[%swap3A_198], %select_n3A_197 {strides = array<i32>} : memref<256xf32, #tpu.memory_space<vmem>>, vector<16xf32>,
    %swap3A_200 = arith.constant 0 : index
    %swap3A_201 = tpu.vector_load %arg17[%swap3A_200] {strides = array<i32>} : memref<256xf32, #tpu.memory_space<vmem>>, vector<16xf32>,
    tpu.vector_store %arg17[%swap3A_200], %gather3A_139 {strides = array<i32>} : memref<256xf32, #tpu.memory_space<vmem>>, vector<16xf32>,
    %swap3A_202 = arith.constant 0 : index
    %swap3A_203 = tpu.vector_load %arg18[%swap3A_202] {strides = array<i32>} : memref<256xf32, #tpu.memory_space<vmem>>, vector<16xf32>,
    tpu.vector_store %arg18[%swap3A_202], %gather3A_145 {strides = array<i32>} : memref<256xf32, #tpu.memory_space<vmem>>, vector<16xf32>,
    %add3A_204 = arith.constant 16 : i32
    %add3A_205 = vector.broadcast %add3A_204 : i32 to vector<16xi32>
    %add3A_206 = arith.addi %iota3A, %add3A_205 : vector<16xi32>
    %gather3A_207 = arith.constant 0 : i32
    %gather3A_208 = arith.constant 0 : i32
    %gather3A_209 = arith.constant 0 : i32
    %gather3A_210 = tpu.memref_slice %arg15[%gather3A_207, %gather3A_208, %gather3A_209] : memref<2x64x512xf32, #tpu.memory_space<vmem>> -> memref<1x64x512xf32, #tpu.memory_space<vmem>>
    %gather3A_211 = tpu.memref_squeeze %gather3A_210 : memref<1x64x512xf32, #tpu.memory_space<vmem>> -> memref<64x512xf32, #tpu.memory_space<vmem>>
    %gather3A_212 = tpu.vector_load_idx %gather3A_211[%add3A_206, %broadcast_in_dim3A_3] : memref<64x512xf32, #tpu.memory_space<vmem>>[vector<16xi32>, vector<16xi32>], vector<16xf32>,
    %gather3A_213 = arith.constant 0 : i32
    %gather3A_214 = arith.constant 0 : i32
    %gather3A_215 = arith.constant 0 : i32
    %gather3A_216 = tpu.memref_slice %arg15[%gather3A_213, %gather3A_214, %gather3A_215] : memref<2x64x512xf32, #tpu.memory_space<vmem>> -> memref<1x64x512xf32, #tpu.memory_space<vmem>>
    %gather3A_217 = tpu.memref_squeeze %gather3A_216 : memref<1x64x512xf32, #tpu.memory_space<vmem>> -> memref<64x512xf32, #tpu.memory_space<vmem>>
    %gather3A_218 = tpu.vector_load_idx %gather3A_217[%add3A_206, %broadcast_in_dim3A_5] : memref<64x512xf32, #tpu.memory_space<vmem>>[vector<16xi32>, vector<16xi32>], vector<16xf32>,
    %gather3A_219 = tpu.vector_load_idx %arg16[%add3A_206, %broadcast_in_dim3A_3] : memref<64x512xf32, #tpu.memory_space<vmem>>[vector<16xi32>, vector<16xi32>], vector<16xf32>,
    %sub3A_220 = arith.subf %gather3A_212, %gather3A_219 : vector<16xf32>
    %gather3A_221 = tpu.vector_load_idx %arg16[%add3A_206, %broadcast_in_dim3A_5] : memref<64x512xf32, #tpu.memory_space<vmem>>[vector<16xi32>, vector<16xi32>], vector<16xf32>,
    %sub3A_222 = arith.subf %gather3A_218, %gather3A_221 : vector<16xf32>
    %mul3A_223 = arith.mulf %sub3A_220, %sub3A_220 : vector<16xf32>
    %mul3A_224 = arith.mulf %sub3A_222, %sub3A_222 : vector<16xf32>
    %add3A_225 = arith.addf %mul3A_223, %mul3A_224 : vector<16xf32>
    %mul3A_226 = vector.broadcast %squeeze3A_39 : f32 to vector<16xf32>
    %mul3A_227 = arith.mulf %add3A_225, %mul3A_226 : vector<16xf32>
    %bitcast3A_228 = vector.bitcast %mul3A_227 : vector<16xf32> to vector<16xi32>
    %shift_right_arithmetic3A_229 = arith.constant 1 : i32
    %shift_right_arithmetic3A_230 = vector.broadcast %shift_right_arithmetic3A_229 : i32 to vector<16xi32>
    %shift_right_arithmetic3A_231 = arith.shrsi %bitcast3A_228, %shift_right_arithmetic3A_230 : vector<16xi32>
    %sub3A_232 = arith.constant 1597463007 : i32
    %sub3A_233 = vector.broadcast %sub3A_232 : i32 to vector<16xi32>
    %sub3A_234 = arith.subi %sub3A_233, %shift_right_arithmetic3A_231 : vector<16xi32>
    %bitcast3A_235 = vector.bitcast %sub3A_234 : vector<16xi32> to vector<16xf32>
    %mul3A_236 = arith.constant 5.000000e-01 : f32
    %mul3A_237 = vector.broadcast %mul3A_236 : f32 to vector<16xf32>
    %mul3A_238 = arith.mulf %mul3A_227, %mul3A_237 : vector<16xf32>
    %mul3A_239 = arith.mulf %mul3A_238, %bitcast3A_235 : vector<16xf32>
    %mul3A_240 = arith.mulf %mul3A_239, %bitcast3A_235 : vector<16xf32>
    %sub3A_241 = arith.constant 1.500000e+00 : f32
    %sub3A_242 = vector.broadcast %sub3A_241 : f32 to vector<16xf32>
    %sub3A_243 = arith.subf %sub3A_242, %mul3A_240 : vector<16xf32>
    %mul3A_244 = arith.mulf %bitcast3A_235, %sub3A_243 : vector<16xf32>
    %mul3A_245 = arith.mulf %mul3A_238, %mul3A_244 : vector<16xf32>
    %mul3A_246 = arith.mulf %mul3A_245, %mul3A_244 : vector<16xf32>
    %sub3A_247 = arith.constant 1.500000e+00 : f32
    %sub3A_248 = vector.broadcast %sub3A_247 : f32 to vector<16xf32>
    %sub3A_249 = arith.subf %sub3A_248, %mul3A_246 : vector<16xf32>
    %mul3A_250 = arith.mulf %mul3A_244, %sub3A_249 : vector<16xf32>
    %mul3A_251 = arith.mulf %mul3A_238, %mul3A_250 : vector<16xf32>
    %mul3A_252 = arith.mulf %mul3A_251, %mul3A_250 : vector<16xf32>
    %sub3A_253 = arith.constant 1.500000e+00 : f32
    %sub3A_254 = vector.broadcast %sub3A_253 : f32 to vector<16xf32>
    %sub3A_255 = arith.subf %sub3A_254, %mul3A_252 : vector<16xf32>
    %mul3A_256 = arith.mulf %mul3A_250, %sub3A_255 : vector<16xf32>
    %mul3A_257 = arith.mulf %mul3A_238, %mul3A_256 : vector<16xf32>
    %mul3A_258 = arith.mulf %mul3A_257, %mul3A_256 : vector<16xf32>
    %sub3A_259 = arith.constant 1.500000e+00 : f32
    %sub3A_260 = vector.broadcast %sub3A_259 : f32 to vector<16xf32>
    %sub3A_261 = arith.subf %sub3A_260, %mul3A_258 : vector<16xf32>
    %mul3A_262 = arith.mulf %mul3A_256, %sub3A_261 : vector<16xf32>
    %mul3A_263 = arith.mulf %mul3A_227, %mul3A_262 : vector<16xf32>
    %div3A_264 = vector.broadcast %squeeze3A : f32 to vector<16xf32>
    %div3A_265 = arith.divf %mul3A_263, %div3A_264 : vector<16xf32>
    %get3A_266 = arith.constant 16 : index
    %get3A_267 = tpu.vector_load %arg8[%get3A_266] {strides = array<i32>} : memref<256xi32, #tpu.memory_space<vmem>>, vector<16xi32>,
    %eq3A_268 = arith.constant 0 : i32
    %eq3A_269 = vector.broadcast %eq3A_268 : i32 to vector<16xi32>
    %eq3A_270 = arith.cmpi eq, %get3A_267, %eq3A_269 : vector<16xi32>
    %jit3A_271 = arith.constant 1.000000e+00 : f32
    %broadcast_in_dim3A_272 = vector.broadcast %jit3A_271 : f32 to vector<16xf32>
    %select_n3A_273 = arith.select %eq3A_270, %broadcast_in_dim3A_272, %div3A_265 : vector<16xi1>, vector<16xf32>
    %swap3A_274 = arith.constant 16 : index
    %swap3A_275 = tpu.vector_load %arg19[%swap3A_274] {strides = array<i32>} : memref<256xf32, #tpu.memory_space<vmem>>, vector<16xf32>,
    tpu.vector_store %arg19[%swap3A_274], %select_n3A_273 {strides = array<i32>} : memref<256xf32, #tpu.memory_space<vmem>>, vector<16xf32>,
    %swap3A_276 = arith.constant 16 : index
    %swap3A_277 = tpu.vector_load %arg17[%swap3A_276] {strides = array<i32>} : memref<256xf32, #tpu.memory_space<vmem>>, vector<16xf32>,
    tpu.vector_store %arg17[%swap3A_276], %gather3A_212 {strides = array<i32>} : memref<256xf32, #tpu.memory_space<vmem>>, vector<16xf32>,
    %swap3A_278 = arith.constant 16 : index
    %swap3A_279 = tpu.vector_load %arg18[%swap3A_278] {strides = array<i32>} : memref<256xf32, #tpu.memory_space<vmem>>, vector<16xf32>,
    tpu.vector_store %arg18[%swap3A_278], %gather3A_218 {strides = array<i32>} : memref<256xf32, #tpu.memory_space<vmem>>, vector<16xf32>,
    %add3A_280 = arith.constant 32 : i32
    %add3A_281 = vector.broadcast %add3A_280 : i32 to vector<16xi32>
    %add3A_282 = arith.addi %iota3A, %add3A_281 : vector<16xi32>
    %gather3A_283 = arith.constant 0 : i32
    %gather3A_284 = arith.constant 0 : i32
    %gather3A_285 = arith.constant 0 : i32
    %gather3A_286 = tpu.memref_slice %arg15[%gather3A_283, %gather3A_284, %gather3A_285] : memref<2x64x512xf32, #tpu.memory_space<vmem>> -> memref<1x64x512xf32, #tpu.memory_space<vmem>>
    %gather3A_287 = tpu.memref_squeeze %gather3A_286 : memref<1x64x512xf32, #tpu.memory_space<vmem>> -> memref<64x512xf32, #tpu.memory_space<vmem>>
    %gather3A_288 = tpu.vector_load_idx %gather3A_287[%add3A_282, %broadcast_in_dim3A_3] : memref<64x512xf32, #tpu.memory_space<vmem>>[vector<16xi32>, vector<16xi32>], vector<16xf32>,
    %gather3A_289 = arith.constant 0 : i32
    %gather3A_290 = arith.constant 0 : i32
    %gather3A_291 = arith.constant 0 : i32
    %gather3A_292 = tpu.memref_slice %arg15[%gather3A_289, %gather3A_290, %gather3A_291] : memref<2x64x512xf32, #tpu.memory_space<vmem>> -> memref<1x64x512xf32, #tpu.memory_space<vmem>>
    %gather3A_293 = tpu.memref_squeeze %gather3A_292 : memref<1x64x512xf32, #tpu.memory_space<vmem>> -> memref<64x512xf32, #tpu.memory_space<vmem>>
    %gather3A_294 = tpu.vector_load_idx %gather3A_293[%add3A_282, %broadcast_in_dim3A_5] : memref<64x512xf32, #tpu.memory_space<vmem>>[vector<16xi32>, vector<16xi32>], vector<16xf32>,
    %gather3A_295 = tpu.vector_load_idx %arg16[%add3A_282, %broadcast_in_dim3A_3] : memref<64x512xf32, #tpu.memory_space<vmem>>[vector<16xi32>, vector<16xi32>], vector<16xf32>,
    %sub3A_296 = arith.subf %gather3A_288, %gather3A_295 : vector<16xf32>
    %gather3A_297 = tpu.vector_load_idx %arg16[%add3A_282, %broadcast_in_dim3A_5] : memref<64x512xf32, #tpu.memory_space<vmem>>[vector<16xi32>, vector<16xi32>], vector<16xf32>,
    %sub3A_298 = arith.subf %gather3A_294, %gather3A_297 : vector<16xf32>
    %mul3A_299 = arith.mulf %sub3A_296, %sub3A_296 : vector<16xf32>
    %mul3A_300 = arith.mulf %sub3A_298, %sub3A_298 : vector<16xf32>
    %add3A_301 = arith.addf %mul3A_299, %mul3A_300 : vector<16xf32>
    %mul3A_302 = vector.broadcast %squeeze3A_39 : f32 to vector<16xf32>
    %mul3A_303 = arith.mulf %add3A_301, %mul3A_302 : vector<16xf32>
    %bitcast3A_304 = vector.bitcast %mul3A_303 : vector<16xf32> to vector<16xi32>
    %shift_right_arithmetic3A_305 = arith.constant 1 : i32
    %shift_right_arithmetic3A_306 = vector.broadcast %shift_right_arithmetic3A_305 : i32 to vector<16xi32>
    %shift_right_arithmetic3A_307 = arith.shrsi %bitcast3A_304, %shift_right_arithmetic3A_306 : vector<16xi32>
    %sub3A_308 = arith.constant 1597463007 : i32
    %sub3A_309 = vector.broadcast %sub3A_308 : i32 to vector<16xi32>
    %sub3A_310 = arith.subi %sub3A_309, %shift_right_arithmetic3A_307 : vector<16xi32>
    %bitcast3A_311 = vector.bitcast %sub3A_310 : vector<16xi32> to vector<16xf32>
    %mul3A_312 = arith.constant 5.000000e-01 : f32
    %mul3A_313 = vector.broadcast %mul3A_312 : f32 to vector<16xf32>
    %mul3A_314 = arith.mulf %mul3A_303, %mul3A_313 : vector<16xf32>
    %mul3A_315 = arith.mulf %mul3A_314, %bitcast3A_311 : vector<16xf32>
    %mul3A_316 = arith.mulf %mul3A_315, %bitcast3A_311 : vector<16xf32>
    %sub3A_317 = arith.constant 1.500000e+00 : f32
    %sub3A_318 = vector.broadcast %sub3A_317 : f32 to vector<16xf32>
    %sub3A_319 = arith.subf %sub3A_318, %mul3A_316 : vector<16xf32>
    %mul3A_320 = arith.mulf %bitcast3A_311, %sub3A_319 : vector<16xf32>
    %mul3A_321 = arith.mulf %mul3A_314, %mul3A_320 : vector<16xf32>
    %mul3A_322 = arith.mulf %mul3A_321, %mul3A_320 : vector<16xf32>
    %sub3A_323 = arith.constant 1.500000e+00 : f32
    %sub3A_324 = vector.broadcast %sub3A_323 : f32 to vector<16xf32>
    %sub3A_325 = arith.subf %sub3A_324, %mul3A_322 : vector<16xf32>
    %mul3A_326 = arith.mulf %mul3A_320, %sub3A_325 : vector<16xf32>
    %mul3A_327 = arith.mulf %mul3A_314, %mul3A_326 : vector<16xf32>
    %mul3A_328 = arith.mulf %mul3A_327, %mul3A_326 : vector<16xf32>
    %sub3A_329 = arith.constant 1.500000e+00 : f32
    %sub3A_330 = vector.broadcast %sub3A_329 : f32 to vector<16xf32>
    %sub3A_331 = arith.subf %sub3A_330, %mul3A_328 : vector<16xf32>
    %mul3A_332 = arith.mulf %mul3A_326, %sub3A_331 : vector<16xf32>
    %mul3A_333 = arith.mulf %mul3A_314, %mul3A_332 : vector<16xf32>
    %mul3A_334 = arith.mulf %mul3A_333, %mul3A_332 : vector<16xf32>
    %sub3A_335 = arith.constant 1.500000e+00 : f32
    %sub3A_336 = vector.broadcast %sub3A_335 : f32 to vector<16xf32>
    %sub3A_337 = arith.subf %sub3A_336, %mul3A_334 : vector<16xf32>
    %mul3A_338 = arith.mulf %mul3A_332, %sub3A_337 : vector<16xf32>
    %mul3A_339 = arith.mulf %mul3A_303, %mul3A_338 : vector<16xf32>
    %div3A_340 = vector.broadcast %squeeze3A : f32 to vector<16xf32>
    %div3A_341 = arith.divf %mul3A_339, %div3A_340 : vector<16xf32>
    %get3A_342 = arith.constant 32 : index
    %get3A_343 = tpu.vector_load %arg8[%get3A_342] {strides = array<i32>} : memref<256xi32, #tpu.memory_space<vmem>>, vector<16xi32>,
    %eq3A_344 = arith.constant 0 : i32
    %eq3A_345 = vector.broadcast %eq3A_344 : i32 to vector<16xi32>
    %eq3A_346 = arith.cmpi eq, %get3A_343, %eq3A_345 : vector<16xi32>
    %jit3A_347 = arith.constant 1.000000e+00 : f32
    %broadcast_in_dim3A_348 = vector.broadcast %jit3A_347 : f32 to vector<16xf32>
    %select_n3A_349 = arith.select %eq3A_346, %broadcast_in_dim3A_348, %div3A_341 : vector<16xi1>, vector<16xf32>
    %swap3A_350 = arith.constant 32 : index
    %swap3A_351 = tpu.vector_load %arg19[%swap3A_350] {strides = array<i32>} : memref<256xf32, #tpu.memory_space<vmem>>, vector<16xf32>,
    tpu.vector_store %arg19[%swap3A_350], %select_n3A_349 {strides = array<i32>} : memref<256xf32, #tpu.memory_space<vmem>>, vector<16xf32>,
    %swap3A_352 = arith.constant 32 : index
    %swap3A_353 = tpu.vector_load %arg17[%swap3A_352] {strides = array<i32>} : memref<256xf32, #tpu.memory_space<vmem>>, vector<16xf32>,
    tpu.vector_store %arg17[%swap3A_352], %gather3A_288 {strides = array<i32>} : memref<256xf32, #tpu.memory_space<vmem>>, vector<16xf32>,
    %swap3A_354 = arith.constant 32 : index
    %swap3A_355 = tpu.vector_load %arg18[%swap3A_354] {strides = array<i32>} : memref<256xf32, #tpu.memory_space<vmem>>, vector<16xf32>,
    tpu.vector_store %arg18[%swap3A_354], %gather3A_294 {strides = array<i32>} : memref<256xf32, #tpu.memory_space<vmem>>, vector<16xf32>,
    %add3A_356 = arith.constant 48 : i32
    %add3A_357 = vector.broadcast %add3A_356 : i32 to vector<16xi32>
    %add3A_358 = arith.addi %iota3A, %add3A_357 : vector<16xi32>
    %gather3A_359 = arith.constant 0 : i32
    %gather3A_360 = arith.constant 0 : i32
    %gather3A_361 = arith.constant 0 : i32
    %gather3A_362 = tpu.memref_slice %arg15[%gather3A_359, %gather3A_360, %gather3A_361] : memref<2x64x512xf32, #tpu.memory_space<vmem>> -> memref<1x64x512xf32, #tpu.memory_space<vmem>>
    %gather3A_363 = tpu.memref_squeeze %gather3A_362 : memref<1x64x512xf32, #tpu.memory_space<vmem>> -> memref<64x512xf32, #tpu.memory_space<vmem>>
    %gather3A_364 = tpu.vector_load_idx %gather3A_363[%add3A_358, %broadcast_in_dim3A_3] : memref<64x512xf32, #tpu.memory_space<vmem>>[vector<16xi32>, vector<16xi32>], vector<16xf32>,
    %gather3A_365 = arith.constant 0 : i32
    %gather3A_366 = arith.constant 0 : i32
    %gather3A_367 = arith.constant 0 : i32
    %gather3A_368 = tpu.memref_slice %arg15[%gather3A_365, %gather3A_366, %gather3A_367] : memref<2x64x512xf32, #tpu.memory_space<vmem>> -> memref<1x64x512xf32, #tpu.memory_space<vmem>>
    %gather3A_369 = tpu.memref_squeeze %gather3A_368 : memref<1x64x512xf32, #tpu.memory_space<vmem>> -> memref<64x512xf32, #tpu.memory_space<vmem>>
    %gather3A_370 = tpu.vector_load_idx %gather3A_369[%add3A_358, %broadcast_in_dim3A_5] : memref<64x512xf32, #tpu.memory_space<vmem>>[vector<16xi32>, vector<16xi32>], vector<16xf32>,
    %gather3A_371 = tpu.vector_load_idx %arg16[%add3A_358, %broadcast_in_dim3A_3] : memref<64x512xf32, #tpu.memory_space<vmem>>[vector<16xi32>, vector<16xi32>], vector<16xf32>,
    %sub3A_372 = arith.subf %gather3A_364, %gather3A_371 : vector<16xf32>
    %gather3A_373 = tpu.vector_load_idx %arg16[%add3A_358, %broadcast_in_dim3A_5] : memref<64x512xf32, #tpu.memory_space<vmem>>[vector<16xi32>, vector<16xi32>], vector<16xf32>,
    %sub3A_374 = arith.subf %gather3A_370, %gather3A_373 : vector<16xf32>
    %mul3A_375 = arith.mulf %sub3A_372, %sub3A_372 : vector<16xf32>
    %mul3A_376 = arith.mulf %sub3A_374, %sub3A_374 : vector<16xf32>
    %add3A_377 = arith.addf %mul3A_375, %mul3A_376 : vector<16xf32>
    %mul3A_378 = vector.broadcast %squeeze3A_39 : f32 to vector<16xf32>
    %mul3A_379 = arith.mulf %add3A_377, %mul3A_378 : vector<16xf32>
    %bitcast3A_380 = vector.bitcast %mul3A_379 : vector<16xf32> to vector<16xi32>
    %shift_right_arithmetic3A_381 = arith.constant 1 : i32
    %shift_right_arithmetic3A_382 = vector.broadcast %shift_right_arithmetic3A_381 : i32 to vector<16xi32>
    %shift_right_arithmetic3A_383 = arith.shrsi %bitcast3A_380, %shift_right_arithmetic3A_382 : vector<16xi32>
    %sub3A_384 = arith.constant 1597463007 : i32
    %sub3A_385 = vector.broadcast %sub3A_384 : i32 to vector<16xi32>
    %sub3A_386 = arith.subi %sub3A_385, %shift_right_arithmetic3A_383 : vector<16xi32>
    %bitcast3A_387 = vector.bitcast %sub3A_386 : vector<16xi32> to vector<16xf32>
    %mul3A_388 = arith.constant 5.000000e-01 : f32
    %mul3A_389 = vector.broadcast %mul3A_388 : f32 to vector<16xf32>
    %mul3A_390 = arith.mulf %mul3A_379, %mul3A_389 : vector<16xf32>
    %mul3A_391 = arith.mulf %mul3A_390, %bitcast3A_387 : vector<16xf32>
    %mul3A_392 = arith.mulf %mul3A_391, %bitcast3A_387 : vector<16xf32>
    %sub3A_393 = arith.constant 1.500000e+00 : f32
    %sub3A_394 = vector.broadcast %sub3A_393 : f32 to vector<16xf32>
    %sub3A_395 = arith.subf %sub3A_394, %mul3A_392 : vector<16xf32>
    %mul3A_396 = arith.mulf %bitcast3A_387, %sub3A_395 : vector<16xf32>
    %mul3A_397 = arith.mulf %mul3A_390, %mul3A_396 : vector<16xf32>
    %mul3A_398 = arith.mulf %mul3A_397, %mul3A_396 : vector<16xf32>
    %sub3A_399 = arith.constant 1.500000e+00 : f32
    %sub3A_400 = vector.broadcast %sub3A_399 : f32 to vector<16xf32>
    %sub3A_401 = arith.subf %sub3A_400, %mul3A_398 : vector<16xf32>
    %mul3A_402 = arith.mulf %mul3A_396, %sub3A_401 : vector<16xf32>
    %mul3A_403 = arith.mulf %mul3A_390, %mul3A_402 : vector<16xf32>
    %mul3A_404 = arith.mulf %mul3A_403, %mul3A_402 : vector<16xf32>
    %sub3A_405 = arith.constant 1.500000e+00 : f32
    %sub3A_406 = vector.broadcast %sub3A_405 : f32 to vector<16xf32>
    %sub3A_407 = arith.subf %sub3A_406, %mul3A_404 : vector<16xf32>
    %mul3A_408 = arith.mulf %mul3A_402, %sub3A_407 : vector<16xf32>
    %mul3A_409 = arith.mulf %mul3A_390, %mul3A_408 : vector<16xf32>
    %mul3A_410 = arith.mulf %mul3A_409, %mul3A_408 : vector<16xf32>
    %sub3A_411 = arith.constant 1.500000e+00 : f32
    %sub3A_412 = vector.broadcast %sub3A_411 : f32 to vector<16xf32>
    %sub3A_413 = arith.subf %sub3A_412, %mul3A_410 : vector<16xf32>
    %mul3A_414 = arith.mulf %mul3A_408, %sub3A_413 : vector<16xf32>
    %mul3A_415 = arith.mulf %mul3A_379, %mul3A_414 : vector<16xf32>
    %div3A_416 = vector.broadcast %squeeze3A : f32 to vector<16xf32>
    %div3A_417 = arith.divf %mul3A_415, %div3A_416 : vector<16xf32>
    %get3A_418 = arith.constant 48 : index
    %get3A_419 = tpu.vector_load %arg8[%get3A_418] {strides = array<i32>} : memref<256xi32, #tpu.memory_space<vmem>>, vector<16xi32>,
    %eq3A_420 = arith.constant 0 : i32
    %eq3A_421 = vector.broadcast %eq3A_420 : i32 to vector<16xi32>
    %eq3A_422 = arith.cmpi eq, %get3A_419, %eq3A_421 : vector<16xi32>
    %jit3A_423 = arith.constant 1.000000e+00 : f32
    %broadcast_in_dim3A_424 = vector.broadcast %jit3A_423 : f32 to vector<16xf32>
    %select_n3A_425 = arith.select %eq3A_422, %broadcast_in_dim3A_424, %div3A_417 : vector<16xi1>, vector<16xf32>
    %swap3A_426 = arith.constant 48 : index
    %swap3A_427 = tpu.vector_load %arg19[%swap3A_426] {strides = array<i32>} : memref<256xf32, #tpu.memory_space<vmem>>, vector<16xf32>,
    tpu.vector_store %arg19[%swap3A_426], %select_n3A_425 {strides = array<i32>} : memref<256xf32, #tpu.memory_space<vmem>>, vector<16xf32>,
    %swap3A_428 = arith.constant 48 : index
    %swap3A_429 = tpu.vector_load %arg17[%swap3A_428] {strides = array<i32>} : memref<256xf32, #tpu.memory_space<vmem>>, vector<16xf32>,
    tpu.vector_store %arg17[%swap3A_428], %gather3A_364 {strides = array<i32>} : memref<256xf32, #tpu.memory_space<vmem>>, vector<16xf32>,
    %swap3A_430 = arith.constant 48 : index
    %swap3A_431 = tpu.vector_load %arg18[%swap3A_430] {strides = array<i32>} : memref<256xf32, #tpu.memory_space<vmem>>, vector<16xf32>,
    tpu.vector_store %arg18[%swap3A_430], %gather3A_370 {strides = array<i32>} : memref<256xf32, #tpu.memory_space<vmem>>, vector<16xf32>,
    %add3A_432 = arith.constant 0 : i32
    %add3A_433 = arith.addi %mul3A_2, %add3A_432 : i32
    %dma_start3A_434 = arith.constant 0 : i32
    %dma_start3A_435 = arith.constant 0 : i32
    %dma_start3A_436 = arith.constant 0 : i32
    %dma_start3A_437 = arith.constant 0 : i32
    %dma_start3A_438 = tpu.memref_slice %arg15[%dma_start3A_434, %dma_start3A_436, %dma_start3A_437] : memref<2x64x512xf32, #tpu.memory_space<vmem>> -> memref<1x64x512xf32, #tpu.memory_space<vmem>>
    %dma_start3A_439 = tpu.memref_squeeze %dma_start3A_438 : memref<1x64x512xf32, #tpu.memory_space<vmem>> -> memref<64x512xf32, #tpu.memory_space<vmem>>
    %dma_start3A_440 = arith.constant 0 : i32
    %dma_start3A_441 = tpu.memref_slice %arg4[%add3A_433, %dma_start3A_440] : memref<8192x512xf32, #tpu.memory_space<hbm>> -> memref<64x512xf32, #tpu.memory_space<hbm>>
    %dma_start3A_442 = tpu.memref_slice %arg21[%dma_start3A_435] : memref<2x!tpu.dma_semaphore, #tpu.memory_space<semaphore_mem>> -> memref<1x!tpu.dma_semaphore, #tpu.memory_space<semaphore_mem>>
    %dma_start3A_443 = tpu.memref_squeeze %dma_start3A_442 : memref<1x!tpu.dma_semaphore, #tpu.memory_space<semaphore_mem>> -> memref<!tpu.dma_semaphore, #tpu.memory_space<semaphore_mem>>
    %dma_start3A_444 = arith.constant 0 : i32
    %dma_start3A_445 = tpu.memref_slice %arg4[%add3A_433, %dma_start3A_444] : memref<8192x512xf32, #tpu.memory_space<hbm>> -> memref<64x512xf32, #tpu.memory_space<hbm>>
    %dma_start3A_446 = arith.constant 0 : i32
    %dma_start3A_447 = arith.constant 0 : i32
    %dma_start3A_448 = tpu.memref_slice %arg15[%dma_start3A_434, %dma_start3A_446, %dma_start3A_447] : memref<2x64x512xf32, #tpu.memory_space<vmem>> -> memref<1x64x512xf32, #tpu.memory_space<vmem>>
    %dma_start3A_449 = tpu.memref_squeeze %dma_start3A_448 : memref<1x64x512xf32, #tpu.memory_space<vmem>> -> memref<64x512xf32, #tpu.memory_space<vmem>>
    tpu.enqueue_dma source(%dma_start3A_449 : memref<64x512xf32, #tpu.memory_space<vmem>>) target(%dma_start3A_445 : memref<64x512xf32, #tpu.memory_space<hbm>>) target_semaphore(%dma_start3A_443 : memref<!tpu.dma_semaphore, #tpu.memory_space<semaphore_mem>>)
    %dma_wait3A_450 = arith.constant 0 : i32
    %dma_wait3A_451 = arith.constant 0 : i32
    %dma_wait3A_452 = arith.constant 0 : i32
    %dma_wait3A_453 = arith.constant 0 : i32
    %dma_wait3A_454 = tpu.memref_slice %arg15[%dma_wait3A_450, %dma_wait3A_452, %dma_wait3A_453] : memref<2x64x512xf32, #tpu.memory_space<vmem>> -> memref<1x64x512xf32, #tpu.memory_space<vmem>>
    %dma_wait3A_455 = tpu.memref_squeeze %dma_wait3A_454 : memref<1x64x512xf32, #tpu.memory_space<vmem>> -> memref<64x512xf32, #tpu.memory_space<vmem>>
    %dma_wait3A_456 = arith.constant 0 : i32
    %dma_wait3A_457 = tpu.memref_slice %arg4[%add3A_433, %dma_wait3A_456] : memref<8192x512xf32, #tpu.memory_space<hbm>> -> memref<64x512xf32, #tpu.memory_space<hbm>>
    %dma_wait3A_458 = tpu.memref_slice %arg21[%dma_wait3A_451] : memref<2x!tpu.dma_semaphore, #tpu.memory_space<semaphore_mem>> -> memref<1x!tpu.dma_semaphore, #tpu.memory_space<semaphore_mem>>
    %dma_wait3A_459 = tpu.memref_squeeze %dma_wait3A_458 : memref<1x!tpu.dma_semaphore, #tpu.memory_space<semaphore_mem>> -> memref<!tpu.dma_semaphore, #tpu.memory_space<semaphore_mem>>
    %dma_wait3A_460 = arith.constant 0 : i32
    %dma_wait3A_461 = tpu.memref_slice %arg4[%add3A_433, %dma_wait3A_460] : memref<8192x512xf32, #tpu.memory_space<hbm>> -> memref<64x512xf32, #tpu.memory_space<hbm>>
    %dma_wait3A_462 = arith.constant 0 : i32
    %dma_wait3A_463 = arith.constant 0 : i32
    %dma_wait3A_464 = tpu.memref_slice %arg15[%dma_wait3A_450, %dma_wait3A_462, %dma_wait3A_463] : memref<2x64x512xf32, #tpu.memory_space<vmem>> -> memref<1x64x512xf32, #tpu.memory_space<vmem>>
    %dma_wait3A_465 = tpu.memref_squeeze %dma_wait3A_464 : memref<1x64x512xf32, #tpu.memory_space<vmem>> -> memref<64x512xf32, #tpu.memory_space<vmem>>
    tpu.wait_dma2 semaphore(%dma_wait3A_459 : memref<!tpu.dma_semaphore, #tpu.memory_space<semaphore_mem>>) src(%dma_wait3A_465 : memref<64x512xf32, #tpu.memory_space<vmem>>) dst(%dma_wait3A_461 : memref<64x512xf32, #tpu.memory_space<hbm>>)
    %dma_start3A_466 = arith.constant 0 : i32
    %dma_start3A_467 = arith.constant 0 : i32
    %dma_start3A_468 = arith.constant 0 : i32
    %dma_start3A_469 = arith.constant 0 : i32
    %dma_start3A_470 = tpu.memref_slice %arg15[%dma_start3A_466, %dma_start3A_468, %dma_start3A_469] : memref<2x64x512xf32, #tpu.memory_space<vmem>> -> memref<1x64x512xf32, #tpu.memory_space<vmem>>
    %dma_start3A_471 = tpu.memref_squeeze %dma_start3A_470 : memref<1x64x512xf32, #tpu.memory_space<vmem>> -> memref<64x512xf32, #tpu.memory_space<vmem>>
    %dma_start3A_472 = arith.constant 128 : i32
    %dma_start3A_473 = tpu.memref_slice %arg8[%dma_start3A_472] : memref<256xi32, #tpu.memory_space<vmem>> -> memref<64xi32, #tpu.memory_space<vmem>>
    %dma_start3A_474 = arith.constant 0 : i32
    %dma_start3A_475 = arith.constant 0 : i32
    %dma_start3A_476 = tpu.memref_slice %arg2[%dma_start3A_474, %dma_start3A_475] : memref<50000x512xf32, #tpu.memory_space<hbm>> -> memref<50000x512xf32, #tpu.memory_space<hbm>>
    %dma_start3A_477 = tpu.memref_slice %arg20[%dma_start3A_467] : memref<2x!tpu.dma_semaphore, #tpu.memory_space<semaphore_mem>> -> memref<1x!tpu.dma_semaphore, #tpu.memory_space<semaphore_mem>>
    %dma_start3A_478 = tpu.memref_squeeze %dma_start3A_477 : memref<1x!tpu.dma_semaphore, #tpu.memory_space<semaphore_mem>> -> memref<!tpu.dma_semaphore, #tpu.memory_space<semaphore_mem>>
    tpu.enqueue_indirect_dma source(%dma_start3A_476 : memref<50000x512xf32, #tpu.memory_space<hbm>>) target(%dma_start3A_471 : memref<64x512xf32, #tpu.memory_space<vmem>>) offsets(%dma_start3A_473 : memref<64xi32, #tpu.memory_space<vmem>>) semaphore(%dma_start3A_478 : memref<!tpu.dma_semaphore, #tpu.memory_space<semaphore_mem>>)
    %dma_wait3A_479 = arith.constant 1 : i32
    %dma_wait3A_480 = arith.constant 1 : i32
    %dma_wait3A_481 = arith.constant 0 : i32
    %dma_wait3A_482 = arith.constant 0 : i32
    %dma_wait3A_483 = tpu.memref_slice %arg15[%dma_wait3A_479, %dma_wait3A_481, %dma_wait3A_482] : memref<2x64x512xf32, #tpu.memory_space<vmem>> -> memref<1x64x512xf32, #tpu.memory_space<vmem>>
    %dma_wait3A_484 = tpu.memref_squeeze %dma_wait3A_483 : memref<1x64x512xf32, #tpu.memory_space<vmem>> -> memref<64x512xf32, #tpu.memory_space<vmem>>
    %dma_wait3A_485 = arith.constant 64 : i32
    %dma_wait3A_486 = tpu.memref_slice %arg8[%dma_wait3A_485] : memref<256xi32, #tpu.memory_space<vmem>> -> memref<64xi32, #tpu.memory_space<vmem>>
    %dma_wait3A_487 = arith.constant 0 : i32
    %dma_wait3A_488 = arith.constant 0 : i32
    %dma_wait3A_489 = tpu.memref_slice %arg2[%dma_wait3A_487, %dma_wait3A_488] : memref<50000x512xf32, #tpu.memory_space<hbm>> -> memref<50000x512xf32, #tpu.memory_space<hbm>>
    %dma_wait3A_490 = tpu.memref_slice %arg20[%dma_wait3A_480] : memref<2x!tpu.dma_semaphore, #tpu.memory_space<semaphore_mem>> -> memref<1x!tpu.dma_semaphore, #tpu.memory_space<semaphore_mem>>
    %dma_wait3A_491 = tpu.memref_squeeze %dma_wait3A_490 : memref<1x!tpu.dma_semaphore, #tpu.memory_space<semaphore_mem>> -> memref<!tpu.dma_semaphore, #tpu.memory_space<semaphore_mem>>
    tpu.wait_indirect_dma semaphore(%dma_wait3A_491 : memref<!tpu.dma_semaphore, #tpu.memory_space<semaphore_mem>>) src(%dma_wait3A_489 : memref<50000x512xf32, #tpu.memory_space<hbm>>) dst(%dma_wait3A_484 : memref<64x512xf32, #tpu.memory_space<vmem>>)
    %add3A_492 = arith.constant 0 : i32
    %add3A_493 = vector.broadcast %add3A_492 : i32 to vector<16xi32>
    %add3A_494 = arith.addi %iota3A, %add3A_493 : vector<16xi32>
    %gather3A_495 = arith.constant 1 : i32
    %gather3A_496 = arith.constant 0 : i32
    %gather3A_497 = arith.constant 0 : i32
    %gather3A_498 = tpu.memref_slice %arg15[%gather3A_495, %gather3A_496, %gather3A_497] : memref<2x64x512xf32, #tpu.memory_space<vmem>> -> memref<1x64x512xf32, #tpu.memory_space<vmem>>
    %gather3A_499 = tpu.memref_squeeze %gather3A_498 : memref<1x64x512xf32, #tpu.memory_space<vmem>> -> memref<64x512xf32, #tpu.memory_space<vmem>>
    %gather3A_500 = tpu.vector_load_idx %gather3A_499[%add3A_494, %broadcast_in_dim3A_7] : memref<64x512xf32, #tpu.memory_space<vmem>>[vector<16xi32>, vector<16xi32>], vector<16xf32>,
    %convert_element_type3A_501 = arith.fptosi %gather3A_500 : vector<16xf32> to vector<16xi32>
    %swap3A_502 = arith.constant 0 : index
    %swap3A_503 = tpu.vector_load %arg12[%swap3A_502] {strides = array<i32>} : memref<64xi32, #tpu.memory_space<vmem>>, vector<16xi32>,
    tpu.vector_store %arg12[%swap3A_502], %convert_element_type3A_501 {strides = array<i32>} : memref<64xi32, #tpu.memory_space<vmem>>, vector<16xi32>,
    %add3A_504 = arith.constant 16 : i32
    %add3A_505 = vector.broadcast %add3A_504 : i32 to vector<16xi32>
    %add3A_506 = arith.addi %iota3A, %add3A_505 : vector<16xi32>
    %gather3A_507 = arith.constant 1 : i32
    %gather3A_508 = arith.constant 0 : i32
    %gather3A_509 = arith.constant 0 : i32
    %gather3A_510 = tpu.memref_slice %arg15[%gather3A_507, %gather3A_508, %gather3A_509] : memref<2x64x512xf32, #tpu.memory_space<vmem>> -> memref<1x64x512xf32, #tpu.memory_space<vmem>>
    %gather3A_511 = tpu.memref_squeeze %gather3A_510 : memref<1x64x512xf32, #tpu.memory_space<vmem>> -> memref<64x512xf32, #tpu.memory_space<vmem>>
    %gather3A_512 = tpu.vector_load_idx %gather3A_511[%add3A_506, %broadcast_in_dim3A_7] : memref<64x512xf32, #tpu.memory_space<vmem>>[vector<16xi32>, vector<16xi32>], vector<16xf32>,
    %convert_element_type3A_513 = arith.fptosi %gather3A_512 : vector<16xf32> to vector<16xi32>
    %swap3A_514 = arith.constant 16 : index
    %swap3A_515 = tpu.vector_load %arg12[%swap3A_514] {strides = array<i32>} : memref<64xi32, #tpu.memory_space<vmem>>, vector<16xi32>,
    tpu.vector_store %arg12[%swap3A_514], %convert_element_type3A_513 {strides = array<i32>} : memref<64xi32, #tpu.memory_space<vmem>>, vector<16xi32>,
    %add3A_516 = arith.constant 32 : i32
    %add3A_517 = vector.broadcast %add3A_516 : i32 to vector<16xi32>
    %add3A_518 = arith.addi %iota3A, %add3A_517 : vector<16xi32>
    %gather3A_519 = arith.constant 1 : i32
    %gather3A_520 = arith.constant 0 : i32
    %gather3A_521 = arith.constant 0 : i32
    %gather3A_522 = tpu.memref_slice %arg15[%gather3A_519, %gather3A_520, %gather3A_521] : memref<2x64x512xf32, #tpu.memory_space<vmem>> -> memref<1x64x512xf32, #tpu.memory_space<vmem>>
    %gather3A_523 = tpu.memref_squeeze %gather3A_522 : memref<1x64x512xf32, #tpu.memory_space<vmem>> -> memref<64x512xf32, #tpu.memory_space<vmem>>
    %gather3A_524 = tpu.vector_load_idx %gather3A_523[%add3A_518, %broadcast_in_dim3A_7] : memref<64x512xf32, #tpu.memory_space<vmem>>[vector<16xi32>, vector<16xi32>], vector<16xf32>,
    %convert_element_type3A_525 = arith.fptosi %gather3A_524 : vector<16xf32> to vector<16xi32>
    %swap3A_526 = arith.constant 32 : index
    %swap3A_527 = tpu.vector_load %arg12[%swap3A_526] {strides = array<i32>} : memref<64xi32, #tpu.memory_space<vmem>>, vector<16xi32>,
    tpu.vector_store %arg12[%swap3A_526], %convert_element_type3A_525 {strides = array<i32>} : memref<64xi32, #tpu.memory_space<vmem>>, vector<16xi32>,
    %add3A_528 = arith.constant 48 : i32
    %add3A_529 = vector.broadcast %add3A_528 : i32 to vector<16xi32>
    %add3A_530 = arith.addi %iota3A, %add3A_529 : vector<16xi32>
    %gather3A_531 = arith.constant 1 : i32
    %gather3A_532 = arith.constant 0 : i32
    %gather3A_533 = arith.constant 0 : i32
    %gather3A_534 = tpu.memref_slice %arg15[%gather3A_531, %gather3A_532, %gather3A_533] : memref<2x64x512xf32, #tpu.memory_space<vmem>> -> memref<1x64x512xf32, #tpu.memory_space<vmem>>
    %gather3A_535 = tpu.memref_squeeze %gather3A_534 : memref<1x64x512xf32, #tpu.memory_space<vmem>> -> memref<64x512xf32, #tpu.memory_space<vmem>>
    %gather3A_536 = tpu.vector_load_idx %gather3A_535[%add3A_530, %broadcast_in_dim3A_7] : memref<64x512xf32, #tpu.memory_space<vmem>>[vector<16xi32>, vector<16xi32>], vector<16xf32>,
    %convert_element_type3A_537 = arith.fptosi %gather3A_536 : vector<16xf32> to vector<16xi32>
    %swap3A_538 = arith.constant 48 : index
    %swap3A_539 = tpu.vector_load %arg12[%swap3A_538] {strides = array<i32>} : memref<64xi32, #tpu.memory_space<vmem>>, vector<16xi32>,
    tpu.vector_store %arg12[%swap3A_538], %convert_element_type3A_537 {strides = array<i32>} : memref<64xi32, #tpu.memory_space<vmem>>, vector<16xi32>,
    %dma_start3A_540 = arith.constant 0 : i32
    %dma_start3A_541 = arith.constant 0 : i32
    %dma_start3A_542 = tpu.memref_slice %arg2[%dma_start3A_540, %dma_start3A_541] : memref<50000x512xf32, #tpu.memory_space<hbm>> -> memref<50000x512xf32, #tpu.memory_space<hbm>>
    tpu.enqueue_indirect_dma source(%dma_start3A_542 : memref<50000x512xf32, #tpu.memory_space<hbm>>) target(%arg16 : memref<64x512xf32, #tpu.memory_space<vmem>>) offsets(%arg12 : memref<64xi32, #tpu.memory_space<vmem>>) semaphore(%arg22 : memref<!tpu.dma_semaphore, #tpu.memory_space<semaphore_mem>>)
    %dma_wait3A_543 = arith.constant 0 : i32
    %dma_wait3A_544 = arith.constant 0 : i32
    %dma_wait3A_545 = tpu.memref_slice %arg2[%dma_wait3A_543, %dma_wait3A_544] : memref<50000x512xf32, #tpu.memory_space<hbm>> -> memref<50000x512xf32, #tpu.memory_space<hbm>>
    tpu.wait_indirect_dma semaphore(%arg22 : memref<!tpu.dma_semaphore, #tpu.memory_space<semaphore_mem>>) src(%dma_wait3A_545 : memref<50000x512xf32, #tpu.memory_space<hbm>>) dst(%arg16 : memref<64x512xf32, #tpu.memory_space<vmem>>)
    %add3A_546 = arith.constant 0 : i32
    %add3A_547 = vector.broadcast %add3A_546 : i32 to vector<16xi32>
    %add3A_548 = arith.addi %iota3A, %add3A_547 : vector<16xi32>
    %gather3A_549 = arith.constant 1 : i32
    %gather3A_550 = arith.constant 0 : i32
    %gather3A_551 = arith.constant 0 : i32
    %gather3A_552 = tpu.memref_slice %arg15[%gather3A_549, %gather3A_550, %gather3A_551] : memref<2x64x512xf32, #tpu.memory_space<vmem>> -> memref<1x64x512xf32, #tpu.memory_space<vmem>>
    %gather3A_553 = tpu.memref_squeeze %gather3A_552 : memref<1x64x512xf32, #tpu.memory_space<vmem>> -> memref<64x512xf32, #tpu.memory_space<vmem>>
    %gather3A_554 = tpu.vector_load_idx %gather3A_553[%add3A_548, %broadcast_in_dim3A_3] : memref<64x512xf32, #tpu.memory_space<vmem>>[vector<16xi32>, vector<16xi32>], vector<16xf32>,
    %gather3A_555 = arith.constant 1 : i32
    %gather3A_556 = arith.constant 0 : i32
    %gather3A_557 = arith.constant 0 : i32
    %gather3A_558 = tpu.memref_slice %arg15[%gather3A_555, %gather3A_556, %gather3A_557] : memref<2x64x512xf32, #tpu.memory_space<vmem>> -> memref<1x64x512xf32, #tpu.memory_space<vmem>>
    %gather3A_559 = tpu.memref_squeeze %gather3A_558 : memref<1x64x512xf32, #tpu.memory_space<vmem>> -> memref<64x512xf32, #tpu.memory_space<vmem>>
    %gather3A_560 = tpu.vector_load_idx %gather3A_559[%add3A_548, %broadcast_in_dim3A_5] : memref<64x512xf32, #tpu.memory_space<vmem>>[vector<16xi32>, vector<16xi32>], vector<16xf32>,
    %gather3A_561 = tpu.vector_load_idx %arg16[%add3A_548, %broadcast_in_dim3A_3] : memref<64x512xf32, #tpu.memory_space<vmem>>[vector<16xi32>, vector<16xi32>], vector<16xf32>,
    %sub3A_562 = arith.subf %gather3A_554, %gather3A_561 : vector<16xf32>
    %gather3A_563 = tpu.vector_load_idx %arg16[%add3A_548, %broadcast_in_dim3A_5] : memref<64x512xf32, #tpu.memory_space<vmem>>[vector<16xi32>, vector<16xi32>], vector<16xf32>,
    %sub3A_564 = arith.subf %gather3A_560, %gather3A_563 : vector<16xf32>
    %mul3A_565 = arith.mulf %sub3A_562, %sub3A_562 : vector<16xf32>
    %mul3A_566 = arith.mulf %sub3A_564, %sub3A_564 : vector<16xf32>
    %add3A_567 = arith.addf %mul3A_565, %mul3A_566 : vector<16xf32>
    %mul3A_568 = vector.broadcast %squeeze3A_39 : f32 to vector<16xf32>
    %mul3A_569 = arith.mulf %add3A_567, %mul3A_568 : vector<16xf32>
    %bitcast3A_570 = vector.bitcast %mul3A_569 : vector<16xf32> to vector<16xi32>
    %shift_right_arithmetic3A_571 = arith.constant 1 : i32
    %shift_right_arithmetic3A_572 = vector.broadcast %shift_right_arithmetic3A_571 : i32 to vector<16xi32>
    %shift_right_arithmetic3A_573 = arith.shrsi %bitcast3A_570, %shift_right_arithmetic3A_572 : vector<16xi32>
    %sub3A_574 = arith.constant 1597463007 : i32
    %sub3A_575 = vector.broadcast %sub3A_574 : i32 to vector<16xi32>
    %sub3A_576 = arith.subi %sub3A_575, %shift_right_arithmetic3A_573 : vector<16xi32>
    %bitcast3A_577 = vector.bitcast %sub3A_576 : vector<16xi32> to vector<16xf32>
    %mul3A_578 = arith.constant 5.000000e-01 : f32
    %mul3A_579 = vector.broadcast %mul3A_578 : f32 to vector<16xf32>
    %mul3A_580 = arith.mulf %mul3A_569, %mul3A_579 : vector<16xf32>
    %mul3A_581 = arith.mulf %mul3A_580, %bitcast3A_577 : vector<16xf32>
    %mul3A_582 = arith.mulf %mul3A_581, %bitcast3A_577 : vector<16xf32>
    %sub3A_583 = arith.constant 1.500000e+00 : f32
    %sub3A_584 = vector.broadcast %sub3A_583 : f32 to vector<16xf32>
    %sub3A_585 = arith.subf %sub3A_584, %mul3A_582 : vector<16xf32>
    %mul3A_586 = arith.mulf %bitcast3A_577, %sub3A_585 : vector<16xf32>
    %mul3A_587 = arith.mulf %mul3A_580, %mul3A_586 : vector<16xf32>
    %mul3A_588 = arith.mulf %mul3A_587, %mul3A_586 : vector<16xf32>
    %sub3A_589 = arith.constant 1.500000e+00 : f32
    %sub3A_590 = vector.broadcast %sub3A_589 : f32 to vector<16xf32>
    %sub3A_591 = arith.subf %sub3A_590, %mul3A_588 : vector<16xf32>
    %mul3A_592 = arith.mulf %mul3A_586, %sub3A_591 : vector<16xf32>
    %mul3A_593 = arith.mulf %mul3A_580, %mul3A_592 : vector<16xf32>
    %mul3A_594 = arith.mulf %mul3A_593, %mul3A_592 : vector<16xf32>
    %sub3A_595 = arith.constant 1.500000e+00 : f32
    %sub3A_596 = vector.broadcast %sub3A_595 : f32 to vector<16xf32>
    %sub3A_597 = arith.subf %sub3A_596, %mul3A_594 : vector<16xf32>
    %mul3A_598 = arith.mulf %mul3A_592, %sub3A_597 : vector<16xf32>
    %mul3A_599 = arith.mulf %mul3A_580, %mul3A_598 : vector<16xf32>
    %mul3A_600 = arith.mulf %mul3A_599, %mul3A_598 : vector<16xf32>
    %sub3A_601 = arith.constant 1.500000e+00 : f32
    %sub3A_602 = vector.broadcast %sub3A_601 : f32 to vector<16xf32>
    %sub3A_603 = arith.subf %sub3A_602, %mul3A_600 : vector<16xf32>
    %mul3A_604 = arith.mulf %mul3A_598, %sub3A_603 : vector<16xf32>
    %mul3A_605 = arith.mulf %mul3A_569, %mul3A_604 : vector<16xf32>
    %div3A_606 = vector.broadcast %squeeze3A : f32 to vector<16xf32>
    %div3A_607 = arith.divf %mul3A_605, %div3A_606 : vector<16xf32>
    %get3A_608 = arith.constant 64 : index
    %get3A_609 = tpu.vector_load %arg8[%get3A_608] {strides = array<i32>} : memref<256xi32, #tpu.memory_space<vmem>>, vector<16xi32>,
    %eq3A_610 = arith.constant 0 : i32
    %eq3A_611 = vector.broadcast %eq3A_610 : i32 to vector<16xi32>
    %eq3A_612 = arith.cmpi eq, %get3A_609, %eq3A_611 : vector<16xi32>
    %jit3A_613 = arith.constant 1.000000e+00 : f32
    %broadcast_in_dim3A_614 = vector.broadcast %jit3A_613 : f32 to vector<16xf32>
    %select_n3A_615 = arith.select %eq3A_612, %broadcast_in_dim3A_614, %div3A_607 : vector<16xi1>, vector<16xf32>
    %swap3A_616 = arith.constant 64 : index
    %swap3A_617 = tpu.vector_load %arg19[%swap3A_616] {strides = array<i32>} : memref<256xf32, #tpu.memory_space<vmem>>, vector<16xf32>,
    tpu.vector_store %arg19[%swap3A_616], %select_n3A_615 {strides = array<i32>} : memref<256xf32, #tpu.memory_space<vmem>>, vector<16xf32>,
    %swap3A_618 = arith.constant 64 : index
    %swap3A_619 = tpu.vector_load %arg17[%swap3A_618] {strides = array<i32>} : memref<256xf32, #tpu.memory_space<vmem>>, vector<16xf32>,
    tpu.vector_store %arg17[%swap3A_618], %gather3A_554 {strides = array<i32>} : memref<256xf32, #tpu.memory_space<vmem>>, vector<16xf32>,
    %swap3A_620 = arith.constant 64 : index
    %swap3A_621 = tpu.vector_load %arg18[%swap3A_620] {strides = array<i32>} : memref<256xf32, #tpu.memory_space<vmem>>, vector<16xf32>,
    tpu.vector_store %arg18[%swap3A_620], %gather3A_560 {strides = array<i32>} : memref<256xf32, #tpu.memory_space<vmem>>, vector<16xf32>,
    %add3A_622 = arith.constant 16 : i32
    %add3A_623 = vector.broadcast %add3A_622 : i32 to vector<16xi32>
    %add3A_624 = arith.addi %iota3A, %add3A_623 : vector<16xi32>
    %gather3A_625 = arith.constant 1 : i32
    %gather3A_626 = arith.constant 0 : i32
    %gather3A_627 = arith.constant 0 : i32
    %gather3A_628 = tpu.memref_slice %arg15[%gather3A_625, %gather3A_626, %gather3A_627] : memref<2x64x512xf32, #tpu.memory_space<vmem>> -> memref<1x64x512xf32, #tpu.memory_space<vmem>>
    %gather3A_629 = tpu.memref_squeeze %gather3A_628 : memref<1x64x512xf32, #tpu.memory_space<vmem>> -> memref<64x512xf32, #tpu.memory_space<vmem>>
    %gather3A_630 = tpu.vector_load_idx %gather3A_629[%add3A_624, %broadcast_in_dim3A_3] : memref<64x512xf32, #tpu.memory_space<vmem>>[vector<16xi32>, vector<16xi32>], vector<16xf32>,
    %gather3A_631 = arith.constant 1 : i32
    %gather3A_632 = arith.constant 0 : i32
    %gather3A_633 = arith.constant 0 : i32
    %gather3A_634 = tpu.memref_slice %arg15[%gather3A_631, %gather3A_632, %gather3A_633] : memref<2x64x512xf32, #tpu.memory_space<vmem>> -> memref<1x64x512xf32, #tpu.memory_space<vmem>>
    %gather3A_635 = tpu.memref_squeeze %gather3A_634 : memref<1x64x512xf32, #tpu.memory_space<vmem>> -> memref<64x512xf32, #tpu.memory_space<vmem>>
    %gather3A_636 = tpu.vector_load_idx %gather3A_635[%add3A_624, %broadcast_in_dim3A_5] : memref<64x512xf32, #tpu.memory_space<vmem>>[vector<16xi32>, vector<16xi32>], vector<16xf32>,
    %gather3A_637 = tpu.vector_load_idx %arg16[%add3A_624, %broadcast_in_dim3A_3] : memref<64x512xf32, #tpu.memory_space<vmem>>[vector<16xi32>, vector<16xi32>], vector<16xf32>,
    %sub3A_638 = arith.subf %gather3A_630, %gather3A_637 : vector<16xf32>
    %gather3A_639 = tpu.vector_load_idx %arg16[%add3A_624, %broadcast_in_dim3A_5] : memref<64x512xf32, #tpu.memory_space<vmem>>[vector<16xi32>, vector<16xi32>], vector<16xf32>,
    %sub3A_640 = arith.subf %gather3A_636, %gather3A_639 : vector<16xf32>
    %mul3A_641 = arith.mulf %sub3A_638, %sub3A_638 : vector<16xf32>
    %mul3A_642 = arith.mulf %sub3A_640, %sub3A_640 : vector<16xf32>
    %add3A_643 = arith.addf %mul3A_641, %mul3A_642 : vector<16xf32>
    %mul3A_644 = vector.broadcast %squeeze3A_39 : f32 to vector<16xf32>
    %mul3A_645 = arith.mulf %add3A_643, %mul3A_644 : vector<16xf32>
    %bitcast3A_646 = vector.bitcast %mul3A_645 : vector<16xf32> to vector<16xi32>
    %shift_right_arithmetic3A_647 = arith.constant 1 : i32
    %shift_right_arithmetic3A_648 = vector.broadcast %shift_right_arithmetic3A_647 : i32 to vector<16xi32>
    %shift_right_arithmetic3A_649 = arith.shrsi %bitcast3A_646, %shift_right_arithmetic3A_648 : vector<16xi32>
    %sub3A_650 = arith.constant 1597463007 : i32
    %sub3A_651 = vector.broadcast %sub3A_650 : i32 to vector<16xi32>
    %sub3A_652 = arith.subi %sub3A_651, %shift_right_arithmetic3A_649 : vector<16xi32>
    %bitcast3A_653 = vector.bitcast %sub3A_652 : vector<16xi32> to vector<16xf32>
    %mul3A_654 = arith.constant 5.000000e-01 : f32
    %mul3A_655 = vector.broadcast %mul3A_654 : f32 to vector<16xf32>
    %mul3A_656 = arith.mulf %mul3A_645, %mul3A_655 : vector<16xf32>
    %mul3A_657 = arith.mulf %mul3A_656, %bitcast3A_653 : vector<16xf32>
    %mul3A_658 = arith.mulf %mul3A_657, %bitcast3A_653 : vector<16xf32>
    %sub3A_659 = arith.constant 1.500000e+00 : f32
    %sub3A_660 = vector.broadcast %sub3A_659 : f32 to vector<16xf32>
    %sub3A_661 = arith.subf %sub3A_660, %mul3A_658 : vector<16xf32>
    %mul3A_662 = arith.mulf %bitcast3A_653, %sub3A_661 : vector<16xf32>
    %mul3A_663 = arith.mulf %mul3A_656, %mul3A_662 : vector<16xf32>
    %mul3A_664 = arith.mulf %mul3A_663, %mul3A_662 : vector<16xf32>
    %sub3A_665 = arith.constant 1.500000e+00 : f32
    %sub3A_666 = vector.broadcast %sub3A_665 : f32 to vector<16xf32>
    %sub3A_667 = arith.subf %sub3A_666, %mul3A_664 : vector<16xf32>
    %mul3A_668 = arith.mulf %mul3A_662, %sub3A_667 : vector<16xf32>
    %mul3A_669 = arith.mulf %mul3A_656, %mul3A_668 : vector<16xf32>
    %mul3A_670 = arith.mulf %mul3A_669, %mul3A_668 : vector<16xf32>
    %sub3A_671 = arith.constant 1.500000e+00 : f32
    %sub3A_672 = vector.broadcast %sub3A_671 : f32 to vector<16xf32>
    %sub3A_673 = arith.subf %sub3A_672, %mul3A_670 : vector<16xf32>
    %mul3A_674 = arith.mulf %mul3A_668, %sub3A_673 : vector<16xf32>
    %mul3A_675 = arith.mulf %mul3A_656, %mul3A_674 : vector<16xf32>
    %mul3A_676 = arith.mulf %mul3A_675, %mul3A_674 : vector<16xf32>
    %sub3A_677 = arith.constant 1.500000e+00 : f32
    %sub3A_678 = vector.broadcast %sub3A_677 : f32 to vector<16xf32>
    %sub3A_679 = arith.subf %sub3A_678, %mul3A_676 : vector<16xf32>
    %mul3A_680 = arith.mulf %mul3A_674, %sub3A_679 : vector<16xf32>
    %mul3A_681 = arith.mulf %mul3A_645, %mul3A_680 : vector<16xf32>
    %div3A_682 = vector.broadcast %squeeze3A : f32 to vector<16xf32>
    %div3A_683 = arith.divf %mul3A_681, %div3A_682 : vector<16xf32>
    %get3A_684 = arith.constant 80 : index
    %get3A_685 = tpu.vector_load %arg8[%get3A_684] {strides = array<i32>} : memref<256xi32, #tpu.memory_space<vmem>>, vector<16xi32>,
    %eq3A_686 = arith.constant 0 : i32
    %eq3A_687 = vector.broadcast %eq3A_686 : i32 to vector<16xi32>
    %eq3A_688 = arith.cmpi eq, %get3A_685, %eq3A_687 : vector<16xi32>
    %jit3A_689 = arith.constant 1.000000e+00 : f32
    %broadcast_in_dim3A_690 = vector.broadcast %jit3A_689 : f32 to vector<16xf32>
    %select_n3A_691 = arith.select %eq3A_688, %broadcast_in_dim3A_690, %div3A_683 : vector<16xi1>, vector<16xf32>
    %swap3A_692 = arith.constant 80 : index
    %swap3A_693 = tpu.vector_load %arg19[%swap3A_692] {strides = array<i32>} : memref<256xf32, #tpu.memory_space<vmem>>, vector<16xf32>,
    tpu.vector_store %arg19[%swap3A_692], %select_n3A_691 {strides = array<i32>} : memref<256xf32, #tpu.memory_space<vmem>>, vector<16xf32>,
    %swap3A_694 = arith.constant 80 : index
    %swap3A_695 = tpu.vector_load %arg17[%swap3A_694] {strides = array<i32>} : memref<256xf32, #tpu.memory_space<vmem>>, vector<16xf32>,
    tpu.vector_store %arg17[%swap3A_694], %gather3A_630 {strides = array<i32>} : memref<256xf32, #tpu.memory_space<vmem>>, vector<16xf32>,
    %swap3A_696 = arith.constant 80 : index
    %swap3A_697 = tpu.vector_load %arg18[%swap3A_696] {strides = array<i32>} : memref<256xf32, #tpu.memory_space<vmem>>, vector<16xf32>,
    tpu.vector_store %arg18[%swap3A_696], %gather3A_636 {strides = array<i32>} : memref<256xf32, #tpu.memory_space<vmem>>, vector<16xf32>,
    %add3A_698 = arith.constant 32 : i32
    %add3A_699 = vector.broadcast %add3A_698 : i32 to vector<16xi32>
    %add3A_700 = arith.addi %iota3A, %add3A_699 : vector<16xi32>
    %gather3A_701 = arith.constant 1 : i32
    %gather3A_702 = arith.constant 0 : i32
    %gather3A_703 = arith.constant 0 : i32
    %gather3A_704 = tpu.memref_slice %arg15[%gather3A_701, %gather3A_702, %gather3A_703] : memref<2x64x512xf32, #tpu.memory_space<vmem>> -> memref<1x64x512xf32, #tpu.memory_space<vmem>>
    %gather3A_705 = tpu.memref_squeeze %gather3A_704 : memref<1x64x512xf32, #tpu.memory_space<vmem>> -> memref<64x512xf32, #tpu.memory_space<vmem>>
    %gather3A_706 = tpu.vector_load_idx %gather3A_705[%add3A_700, %broadcast_in_dim3A_3] : memref<64x512xf32, #tpu.memory_space<vmem>>[vector<16xi32>, vector<16xi32>], vector<16xf32>,
    %gather3A_707 = arith.constant 1 : i32
    %gather3A_708 = arith.constant 0 : i32
    %gather3A_709 = arith.constant 0 : i32
    %gather3A_710 = tpu.memref_slice %arg15[%gather3A_707, %gather3A_708, %gather3A_709] : memref<2x64x512xf32, #tpu.memory_space<vmem>> -> memref<1x64x512xf32, #tpu.memory_space<vmem>>
    %gather3A_711 = tpu.memref_squeeze %gather3A_710 : memref<1x64x512xf32, #tpu.memory_space<vmem>> -> memref<64x512xf32, #tpu.memory_space<vmem>>
    %gather3A_712 = tpu.vector_load_idx %gather3A_711[%add3A_700, %broadcast_in_dim3A_5] : memref<64x512xf32, #tpu.memory_space<vmem>>[vector<16xi32>, vector<16xi32>], vector<16xf32>,
    %gather3A_713 = tpu.vector_load_idx %arg16[%add3A_700, %broadcast_in_dim3A_3] : memref<64x512xf32, #tpu.memory_space<vmem>>[vector<16xi32>, vector<16xi32>], vector<16xf32>,
    %sub3A_714 = arith.subf %gather3A_706, %gather3A_713 : vector<16xf32>
    %gather3A_715 = tpu.vector_load_idx %arg16[%add3A_700, %broadcast_in_dim3A_5] : memref<64x512xf32, #tpu.memory_space<vmem>>[vector<16xi32>, vector<16xi32>], vector<16xf32>,
    %sub3A_716 = arith.subf %gather3A_712, %gather3A_715 : vector<16xf32>
    %mul3A_717 = arith.mulf %sub3A_714, %sub3A_714 : vector<16xf32>
    %mul3A_718 = arith.mulf %sub3A_716, %sub3A_716 : vector<16xf32>
    %add3A_719 = arith.addf %mul3A_717, %mul3A_718 : vector<16xf32>
    %mul3A_720 = vector.broadcast %squeeze3A_39 : f32 to vector<16xf32>
    %mul3A_721 = arith.mulf %add3A_719, %mul3A_720 : vector<16xf32>
    %bitcast3A_722 = vector.bitcast %mul3A_721 : vector<16xf32> to vector<16xi32>
    %shift_right_arithmetic3A_723 = arith.constant 1 : i32
    %shift_right_arithmetic3A_724 = vector.broadcast %shift_right_arithmetic3A_723 : i32 to vector<16xi32>
    %shift_right_arithmetic3A_725 = arith.shrsi %bitcast3A_722, %shift_right_arithmetic3A_724 : vector<16xi32>
    %sub3A_726 = arith.constant 1597463007 : i32
    %sub3A_727 = vector.broadcast %sub3A_726 : i32 to vector<16xi32>
    %sub3A_728 = arith.subi %sub3A_727, %shift_right_arithmetic3A_725 : vector<16xi32>
    %bitcast3A_729 = vector.bitcast %sub3A_728 : vector<16xi32> to vector<16xf32>
    %mul3A_730 = arith.constant 5.000000e-01 : f32
    %mul3A_731 = vector.broadcast %mul3A_730 : f32 to vector<16xf32>
    %mul3A_732 = arith.mulf %mul3A_721, %mul3A_731 : vector<16xf32>
    %mul3A_733 = arith.mulf %mul3A_732, %bitcast3A_729 : vector<16xf32>
    %mul3A_734 = arith.mulf %mul3A_733, %bitcast3A_729 : vector<16xf32>
    %sub3A_735 = arith.constant 1.500000e+00 : f32
    %sub3A_736 = vector.broadcast %sub3A_735 : f32 to vector<16xf32>
    %sub3A_737 = arith.subf %sub3A_736, %mul3A_734 : vector<16xf32>
    %mul3A_738 = arith.mulf %bitcast3A_729, %sub3A_737 : vector<16xf32>
    %mul3A_739 = arith.mulf %mul3A_732, %mul3A_738 : vector<16xf32>
    %mul3A_740 = arith.mulf %mul3A_739, %mul3A_738 : vector<16xf32>
    %sub3A_741 = arith.constant 1.500000e+00 : f32
    %sub3A_742 = vector.broadcast %sub3A_741 : f32 to vector<16xf32>
    %sub3A_743 = arith.subf %sub3A_742, %mul3A_740 : vector<16xf32>
    %mul3A_744 = arith.mulf %mul3A_738, %sub3A_743 : vector<16xf32>
    %mul3A_745 = arith.mulf %mul3A_732, %mul3A_744 : vector<16xf32>
    %mul3A_746 = arith.mulf %mul3A_745, %mul3A_744 : vector<16xf32>
    %sub3A_747 = arith.constant 1.500000e+00 : f32
    %sub3A_748 = vector.broadcast %sub3A_747 : f32 to vector<16xf32>
    %sub3A_749 = arith.subf %sub3A_748, %mul3A_746 : vector<16xf32>
    %mul3A_750 = arith.mulf %mul3A_744, %sub3A_749 : vector<16xf32>
    %mul3A_751 = arith.mulf %mul3A_732, %mul3A_750 : vector<16xf32>
    %mul3A_752 = arith.mulf %mul3A_751, %mul3A_750 : vector<16xf32>
    %sub3A_753 = arith.constant 1.500000e+00 : f32
    %sub3A_754 = vector.broadcast %sub3A_753 : f32 to vector<16xf32>
    %sub3A_755 = arith.subf %sub3A_754, %mul3A_752 : vector<16xf32>
    %mul3A_756 = arith.mulf %mul3A_750, %sub3A_755 : vector<16xf32>
    %mul3A_757 = arith.mulf %mul3A_721, %mul3A_756 : vector<16xf32>
    %div3A_758 = vector.broadcast %squeeze3A : f32 to vector<16xf32>
    %div3A_759 = arith.divf %mul3A_757, %div3A_758 : vector<16xf32>
    %get3A_760 = arith.constant 96 : index
    %get3A_761 = tpu.vector_load %arg8[%get3A_760] {strides = array<i32>} : memref<256xi32, #tpu.memory_space<vmem>>, vector<16xi32>,
    %eq3A_762 = arith.constant 0 : i32
    %eq3A_763 = vector.broadcast %eq3A_762 : i32 to vector<16xi32>
    %eq3A_764 = arith.cmpi eq, %get3A_761, %eq3A_763 : vector<16xi32>
    %jit3A_765 = arith.constant 1.000000e+00 : f32
    %broadcast_in_dim3A_766 = vector.broadcast %jit3A_765 : f32 to vector<16xf32>
    %select_n3A_767 = arith.select %eq3A_764, %broadcast_in_dim3A_766, %div3A_759 : vector<16xi1>, vector<16xf32>
    %swap3A_768 = arith.constant 96 : index
    %swap3A_769 = tpu.vector_load %arg19[%swap3A_768] {strides = array<i32>} : memref<256xf32, #tpu.memory_space<vmem>>, vector<16xf32>,
    tpu.vector_store %arg19[%swap3A_768], %select_n3A_767 {strides = array<i32>} : memref<256xf32, #tpu.memory_space<vmem>>, vector<16xf32>,
    %swap3A_770 = arith.constant 96 : index
    %swap3A_771 = tpu.vector_load %arg17[%swap3A_770] {strides = array<i32>} : memref<256xf32, #tpu.memory_space<vmem>>, vector<16xf32>,
    tpu.vector_store %arg17[%swap3A_770], %gather3A_706 {strides = array<i32>} : memref<256xf32, #tpu.memory_space<vmem>>, vector<16xf32>,
    %swap3A_772 = arith.constant 96 : index
    %swap3A_773 = tpu.vector_load %arg18[%swap3A_772] {strides = array<i32>} : memref<256xf32, #tpu.memory_space<vmem>>, vector<16xf32>,
    tpu.vector_store %arg18[%swap3A_772], %gather3A_712 {strides = array<i32>} : memref<256xf32, #tpu.memory_space<vmem>>, vector<16xf32>,
    %add3A_774 = arith.constant 48 : i32
    %add3A_775 = vector.broadcast %add3A_774 : i32 to vector<16xi32>
    %add3A_776 = arith.addi %iota3A, %add3A_775 : vector<16xi32>
    %gather3A_777 = arith.constant 1 : i32
    %gather3A_778 = arith.constant 0 : i32
    %gather3A_779 = arith.constant 0 : i32
    %gather3A_780 = tpu.memref_slice %arg15[%gather3A_777, %gather3A_778, %gather3A_779] : memref<2x64x512xf32, #tpu.memory_space<vmem>> -> memref<1x64x512xf32, #tpu.memory_space<vmem>>
    %gather3A_781 = tpu.memref_squeeze %gather3A_780 : memref<1x64x512xf32, #tpu.memory_space<vmem>> -> memref<64x512xf32, #tpu.memory_space<vmem>>
    %gather3A_782 = tpu.vector_load_idx %gather3A_781[%add3A_776, %broadcast_in_dim3A_3] : memref<64x512xf32, #tpu.memory_space<vmem>>[vector<16xi32>, vector<16xi32>], vector<16xf32>,
    %gather3A_783 = arith.constant 1 : i32
    %gather3A_784 = arith.constant 0 : i32
    %gather3A_785 = arith.constant 0 : i32
    %gather3A_786 = tpu.memref_slice %arg15[%gather3A_783, %gather3A_784, %gather3A_785] : memref<2x64x512xf32, #tpu.memory_space<vmem>> -> memref<1x64x512xf32, #tpu.memory_space<vmem>>
    %gather3A_787 = tpu.memref_squeeze %gather3A_786 : memref<1x64x512xf32, #tpu.memory_space<vmem>> -> memref<64x512xf32, #tpu.memory_space<vmem>>
    %gather3A_788 = tpu.vector_load_idx %gather3A_787[%add3A_776, %broadcast_in_dim3A_5] : memref<64x512xf32, #tpu.memory_space<vmem>>[vector<16xi32>, vector<16xi32>], vector<16xf32>,
    %gather3A_789 = tpu.vector_load_idx %arg16[%add3A_776, %broadcast_in_dim3A_3] : memref<64x512xf32, #tpu.memory_space<vmem>>[vector<16xi32>, vector<16xi32>], vector<16xf32>,
    %sub3A_790 = arith.subf %gather3A_782, %gather3A_789 : vector<16xf32>
    %gather3A_791 = tpu.vector_load_idx %arg16[%add3A_776, %broadcast_in_dim3A_5] : memref<64x512xf32, #tpu.memory_space<vmem>>[vector<16xi32>, vector<16xi32>], vector<16xf32>,
    %sub3A_792 = arith.subf %gather3A_788, %gather3A_791 : vector<16xf32>
    %mul3A_793 = arith.mulf %sub3A_790, %sub3A_790 : vector<16xf32>
    %mul3A_794 = arith.mulf %sub3A_792, %sub3A_792 : vector<16xf32>
    %add3A_795 = arith.addf %mul3A_793, %mul3A_794 : vector<16xf32>
    %mul3A_796 = vector.broadcast %squeeze3A_39 : f32 to vector<16xf32>
    %mul3A_797 = arith.mulf %add3A_795, %mul3A_796 : vector<16xf32>
    %bitcast3A_798 = vector.bitcast %mul3A_797 : vector<16xf32> to vector<16xi32>
    %shift_right_arithmetic3A_799 = arith.constant 1 : i32
    %shift_right_arithmetic3A_800 = vector.broadcast %shift_right_arithmetic3A_799 : i32 to vector<16xi32>
    %shift_right_arithmetic3A_801 = arith.shrsi %bitcast3A_798, %shift_right_arithmetic3A_800 : vector<16xi32>
    %sub3A_802 = arith.constant 1597463007 : i32
    %sub3A_803 = vector.broadcast %sub3A_802 : i32 to vector<16xi32>
    %sub3A_804 = arith.subi %sub3A_803, %shift_right_arithmetic3A_801 : vector<16xi32>
    %bitcast3A_805 = vector.bitcast %sub3A_804 : vector<16xi32> to vector<16xf32>
    %mul3A_806 = arith.constant 5.000000e-01 : f32
    %mul3A_807 = vector.broadcast %mul3A_806 : f32 to vector<16xf32>
    %mul3A_808 = arith.mulf %mul3A_797, %mul3A_807 : vector<16xf32>
    %mul3A_809 = arith.mulf %mul3A_808, %bitcast3A_805 : vector<16xf32>
    %mul3A_810 = arith.mulf %mul3A_809, %bitcast3A_805 : vector<16xf32>
    %sub3A_811 = arith.constant 1.500000e+00 : f32
    %sub3A_812 = vector.broadcast %sub3A_811 : f32 to vector<16xf32>
    %sub3A_813 = arith.subf %sub3A_812, %mul3A_810 : vector<16xf32>
    %mul3A_814 = arith.mulf %bitcast3A_805, %sub3A_813 : vector<16xf32>
    %mul3A_815 = arith.mulf %mul3A_808, %mul3A_814 : vector<16xf32>
    %mul3A_816 = arith.mulf %mul3A_815, %mul3A_814 : vector<16xf32>
    %sub3A_817 = arith.constant 1.500000e+00 : f32
    %sub3A_818 = vector.broadcast %sub3A_817 : f32 to vector<16xf32>
    %sub3A_819 = arith.subf %sub3A_818, %mul3A_816 : vector<16xf32>
    %mul3A_820 = arith.mulf %mul3A_814, %sub3A_819 : vector<16xf32>
    %mul3A_821 = arith.mulf %mul3A_808, %mul3A_820 : vector<16xf32>
    %mul3A_822 = arith.mulf %mul3A_821, %mul3A_820 : vector<16xf32>
    %sub3A_823 = arith.constant 1.500000e+00 : f32
    %sub3A_824 = vector.broadcast %sub3A_823 : f32 to vector<16xf32>
    %sub3A_825 = arith.subf %sub3A_824, %mul3A_822 : vector<16xf32>
    %mul3A_826 = arith.mulf %mul3A_820, %sub3A_825 : vector<16xf32>
    %mul3A_827 = arith.mulf %mul3A_808, %mul3A_826 : vector<16xf32>
    %mul3A_828 = arith.mulf %mul3A_827, %mul3A_826 : vector<16xf32>
    %sub3A_829 = arith.constant 1.500000e+00 : f32
    %sub3A_830 = vector.broadcast %sub3A_829 : f32 to vector<16xf32>
    %sub3A_831 = arith.subf %sub3A_830, %mul3A_828 : vector<16xf32>
    %mul3A_832 = arith.mulf %mul3A_826, %sub3A_831 : vector<16xf32>
    %mul3A_833 = arith.mulf %mul3A_797, %mul3A_832 : vector<16xf32>
    %div3A_834 = vector.broadcast %squeeze3A : f32 to vector<16xf32>
    %div3A_835 = arith.divf %mul3A_833, %div3A_834 : vector<16xf32>
    %get3A_836 = arith.constant 112 : index
    %get3A_837 = tpu.vector_load %arg8[%get3A_836] {strides = array<i32>} : memref<256xi32, #tpu.memory_space<vmem>>, vector<16xi32>,
    %eq3A_838 = arith.constant 0 : i32
    %eq3A_839 = vector.broadcast %eq3A_838 : i32 to vector<16xi32>
    %eq3A_840 = arith.cmpi eq, %get3A_837, %eq3A_839 : vector<16xi32>
    %jit3A_841 = arith.constant 1.000000e+00 : f32
    %broadcast_in_dim3A_842 = vector.broadcast %jit3A_841 : f32 to vector<16xf32>
    %select_n3A_843 = arith.select %eq3A_840, %broadcast_in_dim3A_842, %div3A_835 : vector<16xi1>, vector<16xf32>
    %swap3A_844 = arith.constant 112 : index
    %swap3A_845 = tpu.vector_load %arg19[%swap3A_844] {strides = array<i32>} : memref<256xf32, #tpu.memory_space<vmem>>, vector<16xf32>,
    tpu.vector_store %arg19[%swap3A_844], %select_n3A_843 {strides = array<i32>} : memref<256xf32, #tpu.memory_space<vmem>>, vector<16xf32>,
    %swap3A_846 = arith.constant 112 : index
    %swap3A_847 = tpu.vector_load %arg17[%swap3A_846] {strides = array<i32>} : memref<256xf32, #tpu.memory_space<vmem>>, vector<16xf32>,
    tpu.vector_store %arg17[%swap3A_846], %gather3A_782 {strides = array<i32>} : memref<256xf32, #tpu.memory_space<vmem>>, vector<16xf32>,
    %swap3A_848 = arith.constant 112 : index
    %swap3A_849 = tpu.vector_load %arg18[%swap3A_848] {strides = array<i32>} : memref<256xf32, #tpu.memory_space<vmem>>, vector<16xf32>,
    tpu.vector_store %arg18[%swap3A_848], %gather3A_788 {strides = array<i32>} : memref<256xf32, #tpu.memory_space<vmem>>, vector<16xf32>,
    %add3A_850 = arith.constant 64 : i32
    %add3A_851 = arith.addi %mul3A_2, %add3A_850 : i32
    %dma_start3A_852 = arith.constant 1 : i32
    %dma_start3A_853 = arith.constant 1 : i32
    %dma_start3A_854 = arith.constant 0 : i32
    %dma_start3A_855 = arith.constant 0 : i32
    %dma_start3A_856 = tpu.memref_slice %arg15[%dma_start3A_852, %dma_start3A_854, %dma_start3A_855] : memref<2x64x512xf32, #tpu.memory_space<vmem>> -> memref<1x64x512xf32, #tpu.memory_space<vmem>>
    %dma_start3A_857 = tpu.memref_squeeze %dma_start3A_856 : memref<1x64x512xf32, #tpu.memory_space<vmem>> -> memref<64x512xf32, #tpu.memory_space<vmem>>
    %dma_start3A_858 = arith.constant 0 : i32
    %dma_start3A_859 = tpu.memref_slice %arg4[%add3A_851, %dma_start3A_858] : memref<8192x512xf32, #tpu.memory_space<hbm>> -> memref<64x512xf32, #tpu.memory_space<hbm>>
    %dma_start3A_860 = tpu.memref_slice %arg21[%dma_start3A_853] : memref<2x!tpu.dma_semaphore, #tpu.memory_space<semaphore_mem>> -> memref<1x!tpu.dma_semaphore, #tpu.memory_space<semaphore_mem>>
    %dma_start3A_861 = tpu.memref_squeeze %dma_start3A_860 : memref<1x!tpu.dma_semaphore, #tpu.memory_space<semaphore_mem>> -> memref<!tpu.dma_semaphore, #tpu.memory_space<semaphore_mem>>
    %dma_start3A_862 = arith.constant 0 : i32
    %dma_start3A_863 = tpu.memref_slice %arg4[%add3A_851, %dma_start3A_862] : memref<8192x512xf32, #tpu.memory_space<hbm>> -> memref<64x512xf32, #tpu.memory_space<hbm>>
    %dma_start3A_864 = arith.constant 0 : i32
    %dma_start3A_865 = arith.constant 0 : i32
    %dma_start3A_866 = tpu.memref_slice %arg15[%dma_start3A_852, %dma_start3A_864, %dma_start3A_865] : memref<2x64x512xf32, #tpu.memory_space<vmem>> -> memref<1x64x512xf32, #tpu.memory_space<vmem>>
    %dma_start3A_867 = tpu.memref_squeeze %dma_start3A_866 : memref<1x64x512xf32, #tpu.memory_space<vmem>> -> memref<64x512xf32, #tpu.memory_space<vmem>>
    tpu.enqueue_dma source(%dma_start3A_867 : memref<64x512xf32, #tpu.memory_space<vmem>>) target(%dma_start3A_863 : memref<64x512xf32, #tpu.memory_space<hbm>>) target_semaphore(%dma_start3A_861 : memref<!tpu.dma_semaphore, #tpu.memory_space<semaphore_mem>>)
    %dma_wait3A_868 = arith.constant 1 : i32
    %dma_wait3A_869 = arith.constant 1 : i32
    %dma_wait3A_870 = arith.constant 0 : i32
    %dma_wait3A_871 = arith.constant 0 : i32
    %dma_wait3A_872 = tpu.memref_slice %arg15[%dma_wait3A_868, %dma_wait3A_870, %dma_wait3A_871] : memref<2x64x512xf32, #tpu.memory_space<vmem>> -> memref<1x64x512xf32, #tpu.memory_space<vmem>>
    %dma_wait3A_873 = tpu.memref_squeeze %dma_wait3A_872 : memref<1x64x512xf32, #tpu.memory_space<vmem>> -> memref<64x512xf32, #tpu.memory_space<vmem>>
    %dma_wait3A_874 = arith.constant 0 : i32
    %dma_wait3A_875 = tpu.memref_slice %arg4[%add3A_851, %dma_wait3A_874] : memref<8192x512xf32, #tpu.memory_space<hbm>> -> memref<64x512xf32, #tpu.memory_space<hbm>>
    %dma_wait3A_876 = tpu.memref_slice %arg21[%dma_wait3A_869] : memref<2x!tpu.dma_semaphore, #tpu.memory_space<semaphore_mem>> -> memref<1x!tpu.dma_semaphore, #tpu.memory_space<semaphore_mem>>
    %dma_wait3A_877 = tpu.memref_squeeze %dma_wait3A_876 : memref<1x!tpu.dma_semaphore, #tpu.memory_space<semaphore_mem>> -> memref<!tpu.dma_semaphore, #tpu.memory_space<semaphore_mem>>
    %dma_wait3A_878 = arith.constant 0 : i32
    %dma_wait3A_879 = tpu.memref_slice %arg4[%add3A_851, %dma_wait3A_878] : memref<8192x512xf32, #tpu.memory_space<hbm>> -> memref<64x512xf32, #tpu.memory_space<hbm>>
    %dma_wait3A_880 = arith.constant 0 : i32
    %dma_wait3A_881 = arith.constant 0 : i32
    %dma_wait3A_882 = tpu.memref_slice %arg15[%dma_wait3A_868, %dma_wait3A_880, %dma_wait3A_881] : memref<2x64x512xf32, #tpu.memory_space<vmem>> -> memref<1x64x512xf32, #tpu.memory_space<vmem>>
    %dma_wait3A_883 = tpu.memref_squeeze %dma_wait3A_882 : memref<1x64x512xf32, #tpu.memory_space<vmem>> -> memref<64x512xf32, #tpu.memory_space<vmem>>
    tpu.wait_dma2 semaphore(%dma_wait3A_877 : memref<!tpu.dma_semaphore, #tpu.memory_space<semaphore_mem>>) src(%dma_wait3A_883 : memref<64x512xf32, #tpu.memory_space<vmem>>) dst(%dma_wait3A_879 : memref<64x512xf32, #tpu.memory_space<hbm>>)
    %dma_start3A_884 = arith.constant 1 : i32
    %dma_start3A_885 = arith.constant 1 : i32
    %dma_start3A_886 = arith.constant 0 : i32
    %dma_start3A_887 = arith.constant 0 : i32
    %dma_start3A_888 = tpu.memref_slice %arg15[%dma_start3A_884, %dma_start3A_886, %dma_start3A_887] : memref<2x64x512xf32, #tpu.memory_space<vmem>> -> memref<1x64x512xf32, #tpu.memory_space<vmem>>
    %dma_start3A_889 = tpu.memref_squeeze %dma_start3A_888 : memref<1x64x512xf32, #tpu.memory_space<vmem>> -> memref<64x512xf32, #tpu.memory_space<vmem>>
    %dma_start3A_890 = arith.constant 192 : i32
    %dma_start3A_891 = tpu.memref_slice %arg8[%dma_start3A_890] : memref<256xi32, #tpu.memory_space<vmem>> -> memref<64xi32, #tpu.memory_space<vmem>>
    %dma_start3A_892 = arith.constant 0 : i32
    %dma_start3A_893 = arith.constant 0 : i32
    %dma_start3A_894 = tpu.memref_slice %arg2[%dma_start3A_892, %dma_start3A_893] : memref<50000x512xf32, #tpu.memory_space<hbm>> -> memref<50000x512xf32, #tpu.memory_space<hbm>>
    %dma_start3A_895 = tpu.memref_slice %arg20[%dma_start3A_885] : memref<2x!tpu.dma_semaphore, #tpu.memory_space<semaphore_mem>> -> memref<1x!tpu.dma_semaphore, #tpu.memory_space<semaphore_mem>>
    %dma_start3A_896 = tpu.memref_squeeze %dma_start3A_895 : memref<1x!tpu.dma_semaphore, #tpu.memory_space<semaphore_mem>> -> memref<!tpu.dma_semaphore, #tpu.memory_space<semaphore_mem>>
    tpu.enqueue_indirect_dma source(%dma_start3A_894 : memref<50000x512xf32, #tpu.memory_space<hbm>>) target(%dma_start3A_889 : memref<64x512xf32, #tpu.memory_space<vmem>>) offsets(%dma_start3A_891 : memref<64xi32, #tpu.memory_space<vmem>>) semaphore(%dma_start3A_896 : memref<!tpu.dma_semaphore, #tpu.memory_space<semaphore_mem>>)
    %dma_wait3A_897 = arith.constant 0 : i32
    %dma_wait3A_898 = arith.constant 0 : i32
    %dma_wait3A_899 = arith.constant 0 : i32
    %dma_wait3A_900 = arith.constant 0 : i32
    %dma_wait3A_901 = tpu.memref_slice %arg15[%dma_wait3A_897, %dma_wait3A_899, %dma_wait3A_900] : memref<2x64x512xf32, #tpu.memory_space<vmem>> -> memref<1x64x512xf32, #tpu.memory_space<vmem>>
    %dma_wait3A_902 = tpu.memref_squeeze %dma_wait3A_901 : memref<1x64x512xf32, #tpu.memory_space<vmem>> -> memref<64x512xf32, #tpu.memory_space<vmem>>
    %dma_wait3A_903 = arith.constant 128 : i32
    %dma_wait3A_904 = tpu.memref_slice %arg8[%dma_wait3A_903] : memref<256xi32, #tpu.memory_space<vmem>> -> memref<64xi32, #tpu.memory_space<vmem>>
    %dma_wait3A_905 = arith.constant 0 : i32
    %dma_wait3A_906 = arith.constant 0 : i32
    %dma_wait3A_907 = tpu.memref_slice %arg2[%dma_wait3A_905, %dma_wait3A_906] : memref<50000x512xf32, #tpu.memory_space<hbm>> -> memref<50000x512xf32, #tpu.memory_space<hbm>>
    %dma_wait3A_908 = tpu.memref_slice %arg20[%dma_wait3A_898] : memref<2x!tpu.dma_semaphore, #tpu.memory_space<semaphore_mem>> -> memref<1x!tpu.dma_semaphore, #tpu.memory_space<semaphore_mem>>
    %dma_wait3A_909 = tpu.memref_squeeze %dma_wait3A_908 : memref<1x!tpu.dma_semaphore, #tpu.memory_space<semaphore_mem>> -> memref<!tpu.dma_semaphore, #tpu.memory_space<semaphore_mem>>
    tpu.wait_indirect_dma semaphore(%dma_wait3A_909 : memref<!tpu.dma_semaphore, #tpu.memory_space<semaphore_mem>>) src(%dma_wait3A_907 : memref<50000x512xf32, #tpu.memory_space<hbm>>) dst(%dma_wait3A_902 : memref<64x512xf32, #tpu.memory_space<vmem>>)
    %add3A_910 = arith.constant 0 : i32
    %add3A_911 = vector.broadcast %add3A_910 : i32 to vector<16xi32>
    %add3A_912 = arith.addi %iota3A, %add3A_911 : vector<16xi32>
    %gather3A_913 = arith.constant 0 : i32
    %gather3A_914 = arith.constant 0 : i32
    %gather3A_915 = arith.constant 0 : i32
    %gather3A_916 = tpu.memref_slice %arg15[%gather3A_913, %gather3A_914, %gather3A_915] : memref<2x64x512xf32, #tpu.memory_space<vmem>> -> memref<1x64x512xf32, #tpu.memory_space<vmem>>
    %gather3A_917 = tpu.memref_squeeze %gather3A_916 : memref<1x64x512xf32, #tpu.memory_space<vmem>> -> memref<64x512xf32, #tpu.memory_space<vmem>>
    %gather3A_918 = tpu.vector_load_idx %gather3A_917[%add3A_912, %broadcast_in_dim3A_7] : memref<64x512xf32, #tpu.memory_space<vmem>>[vector<16xi32>, vector<16xi32>], vector<16xf32>,
    %convert_element_type3A_919 = arith.fptosi %gather3A_918 : vector<16xf32> to vector<16xi32>
    %swap3A_920 = arith.constant 0 : index
    %swap3A_921 = tpu.vector_load %arg12[%swap3A_920] {strides = array<i32>} : memref<64xi32, #tpu.memory_space<vmem>>, vector<16xi32>,
    tpu.vector_store %arg12[%swap3A_920], %convert_element_type3A_919 {strides = array<i32>} : memref<64xi32, #tpu.memory_space<vmem>>, vector<16xi32>,
    %add3A_922 = arith.constant 16 : i32
    %add3A_923 = vector.broadcast %add3A_922 : i32 to vector<16xi32>
    %add3A_924 = arith.addi %iota3A, %add3A_923 : vector<16xi32>
    %gather3A_925 = arith.constant 0 : i32
    %gather3A_926 = arith.constant 0 : i32
    %gather3A_927 = arith.constant 0 : i32
    %gather3A_928 = tpu.memref_slice %arg15[%gather3A_925, %gather3A_926, %gather3A_927] : memref<2x64x512xf32, #tpu.memory_space<vmem>> -> memref<1x64x512xf32, #tpu.memory_space<vmem>>
    %gather3A_929 = tpu.memref_squeeze %gather3A_928 : memref<1x64x512xf32, #tpu.memory_space<vmem>> -> memref<64x512xf32, #tpu.memory_space<vmem>>
    %gather3A_930 = tpu.vector_load_idx %gather3A_929[%add3A_924, %broadcast_in_dim3A_7] : memref<64x512xf32, #tpu.memory_space<vmem>>[vector<16xi32>, vector<16xi32>], vector<16xf32>,
    %convert_element_type3A_931 = arith.fptosi %gather3A_930 : vector<16xf32> to vector<16xi32>
    %swap3A_932 = arith.constant 16 : index
    %swap3A_933 = tpu.vector_load %arg12[%swap3A_932] {strides = array<i32>} : memref<64xi32, #tpu.memory_space<vmem>>, vector<16xi32>,
    tpu.vector_store %arg12[%swap3A_932], %convert_element_type3A_931 {strides = array<i32>} : memref<64xi32, #tpu.memory_space<vmem>>, vector<16xi32>,
    %add3A_934 = arith.constant 32 : i32
    %add3A_935 = vector.broadcast %add3A_934 : i32 to vector<16xi32>
    %add3A_936 = arith.addi %iota3A, %add3A_935 : vector<16xi32>
    %gather3A_937 = arith.constant 0 : i32
    %gather3A_938 = arith.constant 0 : i32
    %gather3A_939 = arith.constant 0 : i32
    %gather3A_940 = tpu.memref_slice %arg15[%gather3A_937, %gather3A_938, %gather3A_939] : memref<2x64x512xf32, #tpu.memory_space<vmem>> -> memref<1x64x512xf32, #tpu.memory_space<vmem>>
    %gather3A_941 = tpu.memref_squeeze %gather3A_940 : memref<1x64x512xf32, #tpu.memory_space<vmem>> -> memref<64x512xf32, #tpu.memory_space<vmem>>
    %gather3A_942 = tpu.vector_load_idx %gather3A_941[%add3A_936, %broadcast_in_dim3A_7] : memref<64x512xf32, #tpu.memory_space<vmem>>[vector<16xi32>, vector<16xi32>], vector<16xf32>,
    %convert_element_type3A_943 = arith.fptosi %gather3A_942 : vector<16xf32> to vector<16xi32>
    %swap3A_944 = arith.constant 32 : index
    %swap3A_945 = tpu.vector_load %arg12[%swap3A_944] {strides = array<i32>} : memref<64xi32, #tpu.memory_space<vmem>>, vector<16xi32>,
    tpu.vector_store %arg12[%swap3A_944], %convert_element_type3A_943 {strides = array<i32>} : memref<64xi32, #tpu.memory_space<vmem>>, vector<16xi32>,
    %add3A_946 = arith.constant 48 : i32
    %add3A_947 = vector.broadcast %add3A_946 : i32 to vector<16xi32>
    %add3A_948 = arith.addi %iota3A, %add3A_947 : vector<16xi32>
    %gather3A_949 = arith.constant 0 : i32
    %gather3A_950 = arith.constant 0 : i32
    %gather3A_951 = arith.constant 0 : i32
    %gather3A_952 = tpu.memref_slice %arg15[%gather3A_949, %gather3A_950, %gather3A_951] : memref<2x64x512xf32, #tpu.memory_space<vmem>> -> memref<1x64x512xf32, #tpu.memory_space<vmem>>
    %gather3A_953 = tpu.memref_squeeze %gather3A_952 : memref<1x64x512xf32, #tpu.memory_space<vmem>> -> memref<64x512xf32, #tpu.memory_space<vmem>>
    %gather3A_954 = tpu.vector_load_idx %gather3A_953[%add3A_948, %broadcast_in_dim3A_7] : memref<64x512xf32, #tpu.memory_space<vmem>>[vector<16xi32>, vector<16xi32>], vector<16xf32>,
    %convert_element_type3A_955 = arith.fptosi %gather3A_954 : vector<16xf32> to vector<16xi32>
    %swap3A_956 = arith.constant 48 : index
    %swap3A_957 = tpu.vector_load %arg12[%swap3A_956] {strides = array<i32>} : memref<64xi32, #tpu.memory_space<vmem>>, vector<16xi32>,
    tpu.vector_store %arg12[%swap3A_956], %convert_element_type3A_955 {strides = array<i32>} : memref<64xi32, #tpu.memory_space<vmem>>, vector<16xi32>,
    %dma_start3A_958 = arith.constant 0 : i32
    %dma_start3A_959 = arith.constant 0 : i32
    %dma_start3A_960 = tpu.memref_slice %arg2[%dma_start3A_958, %dma_start3A_959] : memref<50000x512xf32, #tpu.memory_space<hbm>> -> memref<50000x512xf32, #tpu.memory_space<hbm>>
    tpu.enqueue_indirect_dma source(%dma_start3A_960 : memref<50000x512xf32, #tpu.memory_space<hbm>>) target(%arg16 : memref<64x512xf32, #tpu.memory_space<vmem>>) offsets(%arg12 : memref<64xi32, #tpu.memory_space<vmem>>) semaphore(%arg22 : memref<!tpu.dma_semaphore, #tpu.memory_space<semaphore_mem>>)
    %dma_wait3A_961 = arith.constant 0 : i32
    %dma_wait3A_962 = arith.constant 0 : i32
    %dma_wait3A_963 = tpu.memref_slice %arg2[%dma_wait3A_961, %dma_wait3A_962] : memref<50000x512xf32, #tpu.memory_space<hbm>> -> memref<50000x512xf32, #tpu.memory_space<hbm>>
    tpu.wait_indirect_dma semaphore(%arg22 : memref<!tpu.dma_semaphore, #tpu.memory_space<semaphore_mem>>) src(%dma_wait3A_963 : memref<50000x512xf32, #tpu.memory_space<hbm>>) dst(%arg16 : memref<64x512xf32, #tpu.memory_space<vmem>>)
    %add3A_964 = arith.constant 0 : i32
    %add3A_965 = vector.broadcast %add3A_964 : i32 to vector<16xi32>
    %add3A_966 = arith.addi %iota3A, %add3A_965 : vector<16xi32>
    %gather3A_967 = arith.constant 0 : i32
    %gather3A_968 = arith.constant 0 : i32
    %gather3A_969 = arith.constant 0 : i32
    %gather3A_970 = tpu.memref_slice %arg15[%gather3A_967, %gather3A_968, %gather3A_969] : memref<2x64x512xf32, #tpu.memory_space<vmem>> -> memref<1x64x512xf32, #tpu.memory_space<vmem>>
    %gather3A_971 = tpu.memref_squeeze %gather3A_970 : memref<1x64x512xf32, #tpu.memory_space<vmem>> -> memref<64x512xf32, #tpu.memory_space<vmem>>
    %gather3A_972 = tpu.vector_load_idx %gather3A_971[%add3A_966, %broadcast_in_dim3A_3] : memref<64x512xf32, #tpu.memory_space<vmem>>[vector<16xi32>, vector<16xi32>], vector<16xf32>,
    %gather3A_973 = arith.constant 0 : i32
    %gather3A_974 = arith.constant 0 : i32
    %gather3A_975 = arith.constant 0 : i32
    %gather3A_976 = tpu.memref_slice %arg15[%gather3A_973, %gather3A_974, %gather3A_975] : memref<2x64x512xf32, #tpu.memory_space<vmem>> -> memref<1x64x512xf32, #tpu.memory_space<vmem>>
    %gather3A_977 = tpu.memref_squeeze %gather3A_976 : memref<1x64x512xf32, #tpu.memory_space<vmem>> -> memref<64x512xf32, #tpu.memory_space<vmem>>
    %gather3A_978 = tpu.vector_load_idx %gather3A_977[%add3A_966, %broadcast_in_dim3A_5] : memref<64x512xf32, #tpu.memory_space<vmem>>[vector<16xi32>, vector<16xi32>], vector<16xf32>,
    %gather3A_979 = tpu.vector_load_idx %arg16[%add3A_966, %broadcast_in_dim3A_3] : memref<64x512xf32, #tpu.memory_space<vmem>>[vector<16xi32>, vector<16xi32>], vector<16xf32>,
    %sub3A_980 = arith.subf %gather3A_972, %gather3A_979 : vector<16xf32>
    %gather3A_981 = tpu.vector_load_idx %arg16[%add3A_966, %broadcast_in_dim3A_5] : memref<64x512xf32, #tpu.memory_space<vmem>>[vector<16xi32>, vector<16xi32>], vector<16xf32>,
    %sub3A_982 = arith.subf %gather3A_978, %gather3A_981 : vector<16xf32>
    %mul3A_983 = arith.mulf %sub3A_980, %sub3A_980 : vector<16xf32>
    %mul3A_984 = arith.mulf %sub3A_982, %sub3A_982 : vector<16xf32>
    %add3A_985 = arith.addf %mul3A_983, %mul3A_984 : vector<16xf32>
    %mul3A_986 = vector.broadcast %squeeze3A_39 : f32 to vector<16xf32>
    %mul3A_987 = arith.mulf %add3A_985, %mul3A_986 : vector<16xf32>
    %bitcast3A_988 = vector.bitcast %mul3A_987 : vector<16xf32> to vector<16xi32>
    %shift_right_arithmetic3A_989 = arith.constant 1 : i32
    %shift_right_arithmetic3A_990 = vector.broadcast %shift_right_arithmetic3A_989 : i32 to vector<16xi32>
    %shift_right_arithmetic3A_991 = arith.shrsi %bitcast3A_988, %shift_right_arithmetic3A_990 : vector<16xi32>
    %sub3A_992 = arith.constant 1597463007 : i32
    %sub3A_993 = vector.broadcast %sub3A_992 : i32 to vector<16xi32>
    %sub3A_994 = arith.subi %sub3A_993, %shift_right_arithmetic3A_991 : vector<16xi32>
    %bitcast3A_995 = vector.bitcast %sub3A_994 : vector<16xi32> to vector<16xf32>
    %mul3A_996 = arith.constant 5.000000e-01 : f32
    %mul3A_997 = vector.broadcast %mul3A_996 : f32 to vector<16xf32>
    %mul3A_998 = arith.mulf %mul3A_987, %mul3A_997 : vector<16xf32>
    %mul3A_999 = arith.mulf %mul3A_998, %bitcast3A_995 : vector<16xf32>
    %mul3A_1000 = arith.mulf %mul3A_999, %bitcast3A_995 : vector<16xf32>
    %sub3A_1001 = arith.constant 1.500000e+00 : f32
    %sub3A_1002 = vector.broadcast %sub3A_1001 : f32 to vector<16xf32>
    %sub3A_1003 = arith.subf %sub3A_1002, %mul3A_1000 : vector<16xf32>
    %mul3A_1004 = arith.mulf %bitcast3A_995, %sub3A_1003 : vector<16xf32>
    %mul3A_1005 = arith.mulf %mul3A_998, %mul3A_1004 : vector<16xf32>
    %mul3A_1006 = arith.mulf %mul3A_1005, %mul3A_1004 : vector<16xf32>
    %sub3A_1007 = arith.constant 1.500000e+00 : f32
    %sub3A_1008 = vector.broadcast %sub3A_1007 : f32 to vector<16xf32>
    %sub3A_1009 = arith.subf %sub3A_1008, %mul3A_1006 : vector<16xf32>
    %mul3A_1010 = arith.mulf %mul3A_1004, %sub3A_1009 : vector<16xf32>
    %mul3A_1011 = arith.mulf %mul3A_998, %mul3A_1010 : vector<16xf32>
    %mul3A_1012 = arith.mulf %mul3A_1011, %mul3A_1010 : vector<16xf32>
    %sub3A_1013 = arith.constant 1.500000e+00 : f32
    %sub3A_1014 = vector.broadcast %sub3A_1013 : f32 to vector<16xf32>
    %sub3A_1015 = arith.subf %sub3A_1014, %mul3A_1012 : vector<16xf32>
    %mul3A_1016 = arith.mulf %mul3A_1010, %sub3A_1015 : vector<16xf32>
    %mul3A_1017 = arith.mulf %mul3A_998, %mul3A_1016 : vector<16xf32>
    %mul3A_1018 = arith.mulf %mul3A_1017, %mul3A_1016 : vector<16xf32>
    %sub3A_1019 = arith.constant 1.500000e+00 : f32
    %sub3A_1020 = vector.broadcast %sub3A_1019 : f32 to vector<16xf32>
    %sub3A_1021 = arith.subf %sub3A_1020, %mul3A_1018 : vector<16xf32>
    %mul3A_1022 = arith.mulf %mul3A_1016, %sub3A_1021 : vector<16xf32>
    %mul3A_1023 = arith.mulf %mul3A_987, %mul3A_1022 : vector<16xf32>
    %div3A_1024 = vector.broadcast %squeeze3A : f32 to vector<16xf32>
    %div3A_1025 = arith.divf %mul3A_1023, %div3A_1024 : vector<16xf32>
    %get3A_1026 = arith.constant 128 : index
    %get3A_1027 = tpu.vector_load %arg8[%get3A_1026] {strides = array<i32>} : memref<256xi32, #tpu.memory_space<vmem>>, vector<16xi32>,
    %eq3A_1028 = arith.constant 0 : i32
    %eq3A_1029 = vector.broadcast %eq3A_1028 : i32 to vector<16xi32>
    %eq3A_1030 = arith.cmpi eq, %get3A_1027, %eq3A_1029 : vector<16xi32>
    %jit3A_1031 = arith.constant 1.000000e+00 : f32
    %broadcast_in_dim3A_1032 = vector.broadcast %jit3A_1031 : f32 to vector<16xf32>
    %select_n3A_1033 = arith.select %eq3A_1030, %broadcast_in_dim3A_1032, %div3A_1025 : vector<16xi1>, vector<16xf32>
    %swap3A_1034 = arith.constant 128 : index
    %swap3A_1035 = tpu.vector_load %arg19[%swap3A_1034] {strides = array<i32>} : memref<256xf32, #tpu.memory_space<vmem>>, vector<16xf32>,
    tpu.vector_store %arg19[%swap3A_1034], %select_n3A_1033 {strides = array<i32>} : memref<256xf32, #tpu.memory_space<vmem>>, vector<16xf32>,
    %swap3A_1036 = arith.constant 128 : index
    %swap3A_1037 = tpu.vector_load %arg17[%swap3A_1036] {strides = array<i32>} : memref<256xf32, #tpu.memory_space<vmem>>, vector<16xf32>,
    tpu.vector_store %arg17[%swap3A_1036], %gather3A_972 {strides = array<i32>} : memref<256xf32, #tpu.memory_space<vmem>>, vector<16xf32>,
    %swap3A_1038 = arith.constant 128 : index
    %swap3A_1039 = tpu.vector_load %arg18[%swap3A_1038] {strides = array<i32>} : memref<256xf32, #tpu.memory_space<vmem>>, vector<16xf32>,
    tpu.vector_store %arg18[%swap3A_1038], %gather3A_978 {strides = array<i32>} : memref<256xf32, #tpu.memory_space<vmem>>, vector<16xf32>,
    %add3A_1040 = arith.constant 16 : i32
    %add3A_1041 = vector.broadcast %add3A_1040 : i32 to vector<16xi32>
    %add3A_1042 = arith.addi %iota3A, %add3A_1041 : vector<16xi32>
    %gather3A_1043 = arith.constant 0 : i32
    %gather3A_1044 = arith.constant 0 : i32
    %gather3A_1045 = arith.constant 0 : i32
    %gather3A_1046 = tpu.memref_slice %arg15[%gather3A_1043, %gather3A_1044, %gather3A_1045] : memref<2x64x512xf32, #tpu.memory_space<vmem>> -> memref<1x64x512xf32, #tpu.memory_space<vmem>>
    %gather3A_1047 = tpu.memref_squeeze %gather3A_1046 : memref<1x64x512xf32, #tpu.memory_space<vmem>> -> memref<64x512xf32, #tpu.memory_space<vmem>>
    %gather3A_1048 = tpu.vector_load_idx %gather3A_1047[%add3A_1042, %broadcast_in_dim3A_3] : memref<64x512xf32, #tpu.memory_space<vmem>>[vector<16xi32>, vector<16xi32>], vector<16xf32>,
    %gather3A_1049 = arith.constant 0 : i32
    %gather3A_1050 = arith.constant 0 : i32
    %gather3A_1051 = arith.constant 0 : i32
    %gather3A_1052 = tpu.memref_slice %arg15[%gather3A_1049, %gather3A_1050, %gather3A_1051] : memref<2x64x512xf32, #tpu.memory_space<vmem>> -> memref<1x64x512xf32, #tpu.memory_space<vmem>>
    %gather3A_1053 = tpu.memref_squeeze %gather3A_1052 : memref<1x64x512xf32, #tpu.memory_space<vmem>> -> memref<64x512xf32, #tpu.memory_space<vmem>>
    %gather3A_1054 = tpu.vector_load_idx %gather3A_1053[%add3A_1042, %broadcast_in_dim3A_5] : memref<64x512xf32, #tpu.memory_space<vmem>>[vector<16xi32>, vector<16xi32>], vector<16xf32>,
    %gather3A_1055 = tpu.vector_load_idx %arg16[%add3A_1042, %broadcast_in_dim3A_3] : memref<64x512xf32, #tpu.memory_space<vmem>>[vector<16xi32>, vector<16xi32>], vector<16xf32>,
    %sub3A_1056 = arith.subf %gather3A_1048, %gather3A_1055 : vector<16xf32>
    %gather3A_1057 = tpu.vector_load_idx %arg16[%add3A_1042, %broadcast_in_dim3A_5] : memref<64x512xf32, #tpu.memory_space<vmem>>[vector<16xi32>, vector<16xi32>], vector<16xf32>,
    %sub3A_1058 = arith.subf %gather3A_1054, %gather3A_1057 : vector<16xf32>
    %mul3A_1059 = arith.mulf %sub3A_1056, %sub3A_1056 : vector<16xf32>
    %mul3A_1060 = arith.mulf %sub3A_1058, %sub3A_1058 : vector<16xf32>
    %add3A_1061 = arith.addf %mul3A_1059, %mul3A_1060 : vector<16xf32>
    %mul3A_1062 = vector.broadcast %squeeze3A_39 : f32 to vector<16xf32>
    %mul3A_1063 = arith.mulf %add3A_1061, %mul3A_1062 : vector<16xf32>
    %bitcast3A_1064 = vector.bitcast %mul3A_1063 : vector<16xf32> to vector<16xi32>
    %shift_right_arithmetic3A_1065 = arith.constant 1 : i32
    %shift_right_arithmetic3A_1066 = vector.broadcast %shift_right_arithmetic3A_1065 : i32 to vector<16xi32>
    %shift_right_arithmetic3A_1067 = arith.shrsi %bitcast3A_1064, %shift_right_arithmetic3A_1066 : vector<16xi32>
    %sub3A_1068 = arith.constant 1597463007 : i32
    %sub3A_1069 = vector.broadcast %sub3A_1068 : i32 to vector<16xi32>
    %sub3A_1070 = arith.subi %sub3A_1069, %shift_right_arithmetic3A_1067 : vector<16xi32>
    %bitcast3A_1071 = vector.bitcast %sub3A_1070 : vector<16xi32> to vector<16xf32>
    %mul3A_1072 = arith.constant 5.000000e-01 : f32
    %mul3A_1073 = vector.broadcast %mul3A_1072 : f32 to vector<16xf32>
    %mul3A_1074 = arith.mulf %mul3A_1063, %mul3A_1073 : vector<16xf32>
    %mul3A_1075 = arith.mulf %mul3A_1074, %bitcast3A_1071 : vector<16xf32>
    %mul3A_1076 = arith.mulf %mul3A_1075, %bitcast3A_1071 : vector<16xf32>
    %sub3A_1077 = arith.constant 1.500000e+00 : f32
    %sub3A_1078 = vector.broadcast %sub3A_1077 : f32 to vector<16xf32>
    %sub3A_1079 = arith.subf %sub3A_1078, %mul3A_1076 : vector<16xf32>
    %mul3A_1080 = arith.mulf %bitcast3A_1071, %sub3A_1079 : vector<16xf32>
    %mul3A_1081 = arith.mulf %mul3A_1074, %mul3A_1080 : vector<16xf32>
    %mul3A_1082 = arith.mulf %mul3A_1081, %mul3A_1080 : vector<16xf32>
    %sub3A_1083 = arith.constant 1.500000e+00 : f32
    %sub3A_1084 = vector.broadcast %sub3A_1083 : f32 to vector<16xf32>
    %sub3A_1085 = arith.subf %sub3A_1084, %mul3A_1082 : vector<16xf32>
    %mul3A_1086 = arith.mulf %mul3A_1080, %sub3A_1085 : vector<16xf32>
    %mul3A_1087 = arith.mulf %mul3A_1074, %mul3A_1086 : vector<16xf32>
    %mul3A_1088 = arith.mulf %mul3A_1087, %mul3A_1086 : vector<16xf32>
    %sub3A_1089 = arith.constant 1.500000e+00 : f32
    %sub3A_1090 = vector.broadcast %sub3A_1089 : f32 to vector<16xf32>
    %sub3A_1091 = arith.subf %sub3A_1090, %mul3A_1088 : vector<16xf32>
    %mul3A_1092 = arith.mulf %mul3A_1086, %sub3A_1091 : vector<16xf32>
    %mul3A_1093 = arith.mulf %mul3A_1074, %mul3A_1092 : vector<16xf32>
    %mul3A_1094 = arith.mulf %mul3A_1093, %mul3A_1092 : vector<16xf32>
    %sub3A_1095 = arith.constant 1.500000e+00 : f32
    %sub3A_1096 = vector.broadcast %sub3A_1095 : f32 to vector<16xf32>
    %sub3A_1097 = arith.subf %sub3A_1096, %mul3A_1094 : vector<16xf32>
    %mul3A_1098 = arith.mulf %mul3A_1092, %sub3A_1097 : vector<16xf32>
    %mul3A_1099 = arith.mulf %mul3A_1063, %mul3A_1098 : vector<16xf32>
    %div3A_1100 = vector.broadcast %squeeze3A : f32 to vector<16xf32>
    %div3A_1101 = arith.divf %mul3A_1099, %div3A_1100 : vector<16xf32>
    %get3A_1102 = arith.constant 144 : index
    %get3A_1103 = tpu.vector_load %arg8[%get3A_1102] {strides = array<i32>} : memref<256xi32, #tpu.memory_space<vmem>>, vector<16xi32>,
    %eq3A_1104 = arith.constant 0 : i32
    %eq3A_1105 = vector.broadcast %eq3A_1104 : i32 to vector<16xi32>
    %eq3A_1106 = arith.cmpi eq, %get3A_1103, %eq3A_1105 : vector<16xi32>
    %jit3A_1107 = arith.constant 1.000000e+00 : f32
    %broadcast_in_dim3A_1108 = vector.broadcast %jit3A_1107 : f32 to vector<16xf32>
    %select_n3A_1109 = arith.select %eq3A_1106, %broadcast_in_dim3A_1108, %div3A_1101 : vector<16xi1>, vector<16xf32>
    %swap3A_1110 = arith.constant 144 : index
    %swap3A_1111 = tpu.vector_load %arg19[%swap3A_1110] {strides = array<i32>} : memref<256xf32, #tpu.memory_space<vmem>>, vector<16xf32>,
    tpu.vector_store %arg19[%swap3A_1110], %select_n3A_1109 {strides = array<i32>} : memref<256xf32, #tpu.memory_space<vmem>>, vector<16xf32>,
    %swap3A_1112 = arith.constant 144 : index
    %swap3A_1113 = tpu.vector_load %arg17[%swap3A_1112] {strides = array<i32>} : memref<256xf32, #tpu.memory_space<vmem>>, vector<16xf32>,
    tpu.vector_store %arg17[%swap3A_1112], %gather3A_1048 {strides = array<i32>} : memref<256xf32, #tpu.memory_space<vmem>>, vector<16xf32>,
    %swap3A_1114 = arith.constant 144 : index
    %swap3A_1115 = tpu.vector_load %arg18[%swap3A_1114] {strides = array<i32>} : memref<256xf32, #tpu.memory_space<vmem>>, vector<16xf32>,
    tpu.vector_store %arg18[%swap3A_1114], %gather3A_1054 {strides = array<i32>} : memref<256xf32, #tpu.memory_space<vmem>>, vector<16xf32>,
    %add3A_1116 = arith.constant 32 : i32
    %add3A_1117 = vector.broadcast %add3A_1116 : i32 to vector<16xi32>
    %add3A_1118 = arith.addi %iota3A, %add3A_1117 : vector<16xi32>
    %gather3A_1119 = arith.constant 0 : i32
    %gather3A_1120 = arith.constant 0 : i32
    %gather3A_1121 = arith.constant 0 : i32
    %gather3A_1122 = tpu.memref_slice %arg15[%gather3A_1119, %gather3A_1120, %gather3A_1121] : memref<2x64x512xf32, #tpu.memory_space<vmem>> -> memref<1x64x512xf32, #tpu.memory_space<vmem>>
    %gather3A_1123 = tpu.memref_squeeze %gather3A_1122 : memref<1x64x512xf32, #tpu.memory_space<vmem>> -> memref<64x512xf32, #tpu.memory_space<vmem>>
    %gather3A_1124 = tpu.vector_load_idx %gather3A_1123[%add3A_1118, %broadcast_in_dim3A_3] : memref<64x512xf32, #tpu.memory_space<vmem>>[vector<16xi32>, vector<16xi32>], vector<16xf32>,
    %gather3A_1125 = arith.constant 0 : i32
    %gather3A_1126 = arith.constant 0 : i32
    %gather3A_1127 = arith.constant 0 : i32
    %gather3A_1128 = tpu.memref_slice %arg15[%gather3A_1125, %gather3A_1126, %gather3A_1127] : memref<2x64x512xf32, #tpu.memory_space<vmem>> -> memref<1x64x512xf32, #tpu.memory_space<vmem>>
    %gather3A_1129 = tpu.memref_squeeze %gather3A_1128 : memref<1x64x512xf32, #tpu.memory_space<vmem>> -> memref<64x512xf32, #tpu.memory_space<vmem>>
    %gather3A_1130 = tpu.vector_load_idx %gather3A_1129[%add3A_1118, %broadcast_in_dim3A_5] : memref<64x512xf32, #tpu.memory_space<vmem>>[vector<16xi32>, vector<16xi32>], vector<16xf32>,
    %gather3A_1131 = tpu.vector_load_idx %arg16[%add3A_1118, %broadcast_in_dim3A_3] : memref<64x512xf32, #tpu.memory_space<vmem>>[vector<16xi32>, vector<16xi32>], vector<16xf32>,
    %sub3A_1132 = arith.subf %gather3A_1124, %gather3A_1131 : vector<16xf32>
    %gather3A_1133 = tpu.vector_load_idx %arg16[%add3A_1118, %broadcast_in_dim3A_5] : memref<64x512xf32, #tpu.memory_space<vmem>>[vector<16xi32>, vector<16xi32>], vector<16xf32>,
    %sub3A_1134 = arith.subf %gather3A_1130, %gather3A_1133 : vector<16xf32>
    %mul3A_1135 = arith.mulf %sub3A_1132, %sub3A_1132 : vector<16xf32>
    %mul3A_1136 = arith.mulf %sub3A_1134, %sub3A_1134 : vector<16xf32>
    %add3A_1137 = arith.addf %mul3A_1135, %mul3A_1136 : vector<16xf32>
    %mul3A_1138 = vector.broadcast %squeeze3A_39 : f32 to vector<16xf32>
    %mul3A_1139 = arith.mulf %add3A_1137, %mul3A_1138 : vector<16xf32>
    %bitcast3A_1140 = vector.bitcast %mul3A_1139 : vector<16xf32> to vector<16xi32>
    %shift_right_arithmetic3A_1141 = arith.constant 1 : i32
    %shift_right_arithmetic3A_1142 = vector.broadcast %shift_right_arithmetic3A_1141 : i32 to vector<16xi32>
    %shift_right_arithmetic3A_1143 = arith.shrsi %bitcast3A_1140, %shift_right_arithmetic3A_1142 : vector<16xi32>
    %sub3A_1144 = arith.constant 1597463007 : i32
    %sub3A_1145 = vector.broadcast %sub3A_1144 : i32 to vector<16xi32>
    %sub3A_1146 = arith.subi %sub3A_1145, %shift_right_arithmetic3A_1143 : vector<16xi32>
    %bitcast3A_1147 = vector.bitcast %sub3A_1146 : vector<16xi32> to vector<16xf32>
    %mul3A_1148 = arith.constant 5.000000e-01 : f32
    %mul3A_1149 = vector.broadcast %mul3A_1148 : f32 to vector<16xf32>
    %mul3A_1150 = arith.mulf %mul3A_1139, %mul3A_1149 : vector<16xf32>
    %mul3A_1151 = arith.mulf %mul3A_1150, %bitcast3A_1147 : vector<16xf32>
    %mul3A_1152 = arith.mulf %mul3A_1151, %bitcast3A_1147 : vector<16xf32>
    %sub3A_1153 = arith.constant 1.500000e+00 : f32
    %sub3A_1154 = vector.broadcast %sub3A_1153 : f32 to vector<16xf32>
    %sub3A_1155 = arith.subf %sub3A_1154, %mul3A_1152 : vector<16xf32>
    %mul3A_1156 = arith.mulf %bitcast3A_1147, %sub3A_1155 : vector<16xf32>
    %mul3A_1157 = arith.mulf %mul3A_1150, %mul3A_1156 : vector<16xf32>
    %mul3A_1158 = arith.mulf %mul3A_1157, %mul3A_1156 : vector<16xf32>
    %sub3A_1159 = arith.constant 1.500000e+00 : f32
    %sub3A_1160 = vector.broadcast %sub3A_1159 : f32 to vector<16xf32>
    %sub3A_1161 = arith.subf %sub3A_1160, %mul3A_1158 : vector<16xf32>
    %mul3A_1162 = arith.mulf %mul3A_1156, %sub3A_1161 : vector<16xf32>
    %mul3A_1163 = arith.mulf %mul3A_1150, %mul3A_1162 : vector<16xf32>
    %mul3A_1164 = arith.mulf %mul3A_1163, %mul3A_1162 : vector<16xf32>
    %sub3A_1165 = arith.constant 1.500000e+00 : f32
    %sub3A_1166 = vector.broadcast %sub3A_1165 : f32 to vector<16xf32>
    %sub3A_1167 = arith.subf %sub3A_1166, %mul3A_1164 : vector<16xf32>
    %mul3A_1168 = arith.mulf %mul3A_1162, %sub3A_1167 : vector<16xf32>
    %mul3A_1169 = arith.mulf %mul3A_1150, %mul3A_1168 : vector<16xf32>
    %mul3A_1170 = arith.mulf %mul3A_1169, %mul3A_1168 : vector<16xf32>
    %sub3A_1171 = arith.constant 1.500000e+00 : f32
    %sub3A_1172 = vector.broadcast %sub3A_1171 : f32 to vector<16xf32>
    %sub3A_1173 = arith.subf %sub3A_1172, %mul3A_1170 : vector<16xf32>
    %mul3A_1174 = arith.mulf %mul3A_1168, %sub3A_1173 : vector<16xf32>
    %mul3A_1175 = arith.mulf %mul3A_1139, %mul3A_1174 : vector<16xf32>
    %div3A_1176 = vector.broadcast %squeeze3A : f32 to vector<16xf32>
    %div3A_1177 = arith.divf %mul3A_1175, %div3A_1176 : vector<16xf32>
    %get3A_1178 = arith.constant 160 : index
    %get3A_1179 = tpu.vector_load %arg8[%get3A_1178] {strides = array<i32>} : memref<256xi32, #tpu.memory_space<vmem>>, vector<16xi32>,
    %eq3A_1180 = arith.constant 0 : i32
    %eq3A_1181 = vector.broadcast %eq3A_1180 : i32 to vector<16xi32>
    %eq3A_1182 = arith.cmpi eq, %get3A_1179, %eq3A_1181 : vector<16xi32>
    %jit3A_1183 = arith.constant 1.000000e+00 : f32
    %broadcast_in_dim3A_1184 = vector.broadcast %jit3A_1183 : f32 to vector<16xf32>
    %select_n3A_1185 = arith.select %eq3A_1182, %broadcast_in_dim3A_1184, %div3A_1177 : vector<16xi1>, vector<16xf32>
    %swap3A_1186 = arith.constant 160 : index
    %swap3A_1187 = tpu.vector_load %arg19[%swap3A_1186] {strides = array<i32>} : memref<256xf32, #tpu.memory_space<vmem>>, vector<16xf32>,
    tpu.vector_store %arg19[%swap3A_1186], %select_n3A_1185 {strides = array<i32>} : memref<256xf32, #tpu.memory_space<vmem>>, vector<16xf32>,
    %swap3A_1188 = arith.constant 160 : index
    %swap3A_1189 = tpu.vector_load %arg17[%swap3A_1188] {strides = array<i32>} : memref<256xf32, #tpu.memory_space<vmem>>, vector<16xf32>,
    tpu.vector_store %arg17[%swap3A_1188], %gather3A_1124 {strides = array<i32>} : memref<256xf32, #tpu.memory_space<vmem>>, vector<16xf32>,
    %swap3A_1190 = arith.constant 160 : index
    %swap3A_1191 = tpu.vector_load %arg18[%swap3A_1190] {strides = array<i32>} : memref<256xf32, #tpu.memory_space<vmem>>, vector<16xf32>,
    tpu.vector_store %arg18[%swap3A_1190], %gather3A_1130 {strides = array<i32>} : memref<256xf32, #tpu.memory_space<vmem>>, vector<16xf32>,
    %add3A_1192 = arith.constant 48 : i32
    %add3A_1193 = vector.broadcast %add3A_1192 : i32 to vector<16xi32>
    %add3A_1194 = arith.addi %iota3A, %add3A_1193 : vector<16xi32>
    %gather3A_1195 = arith.constant 0 : i32
    %gather3A_1196 = arith.constant 0 : i32
    %gather3A_1197 = arith.constant 0 : i32
    %gather3A_1198 = tpu.memref_slice %arg15[%gather3A_1195, %gather3A_1196, %gather3A_1197] : memref<2x64x512xf32, #tpu.memory_space<vmem>> -> memref<1x64x512xf32, #tpu.memory_space<vmem>>
    %gather3A_1199 = tpu.memref_squeeze %gather3A_1198 : memref<1x64x512xf32, #tpu.memory_space<vmem>> -> memref<64x512xf32, #tpu.memory_space<vmem>>
    %gather3A_1200 = tpu.vector_load_idx %gather3A_1199[%add3A_1194, %broadcast_in_dim3A_3] : memref<64x512xf32, #tpu.memory_space<vmem>>[vector<16xi32>, vector<16xi32>], vector<16xf32>,
    %gather3A_1201 = arith.constant 0 : i32
    %gather3A_1202 = arith.constant 0 : i32
    %gather3A_1203 = arith.constant 0 : i32
    %gather3A_1204 = tpu.memref_slice %arg15[%gather3A_1201, %gather3A_1202, %gather3A_1203] : memref<2x64x512xf32, #tpu.memory_space<vmem>> -> memref<1x64x512xf32, #tpu.memory_space<vmem>>
    %gather3A_1205 = tpu.memref_squeeze %gather3A_1204 : memref<1x64x512xf32, #tpu.memory_space<vmem>> -> memref<64x512xf32, #tpu.memory_space<vmem>>
    %gather3A_1206 = tpu.vector_load_idx %gather3A_1205[%add3A_1194, %broadcast_in_dim3A_5] : memref<64x512xf32, #tpu.memory_space<vmem>>[vector<16xi32>, vector<16xi32>], vector<16xf32>,
    %gather3A_1207 = tpu.vector_load_idx %arg16[%add3A_1194, %broadcast_in_dim3A_3] : memref<64x512xf32, #tpu.memory_space<vmem>>[vector<16xi32>, vector<16xi32>], vector<16xf32>,
    %sub3A_1208 = arith.subf %gather3A_1200, %gather3A_1207 : vector<16xf32>
    %gather3A_1209 = tpu.vector_load_idx %arg16[%add3A_1194, %broadcast_in_dim3A_5] : memref<64x512xf32, #tpu.memory_space<vmem>>[vector<16xi32>, vector<16xi32>], vector<16xf32>,
    %sub3A_1210 = arith.subf %gather3A_1206, %gather3A_1209 : vector<16xf32>
    %mul3A_1211 = arith.mulf %sub3A_1208, %sub3A_1208 : vector<16xf32>
    %mul3A_1212 = arith.mulf %sub3A_1210, %sub3A_1210 : vector<16xf32>
    %add3A_1213 = arith.addf %mul3A_1211, %mul3A_1212 : vector<16xf32>
    %mul3A_1214 = vector.broadcast %squeeze3A_39 : f32 to vector<16xf32>
    %mul3A_1215 = arith.mulf %add3A_1213, %mul3A_1214 : vector<16xf32>
    %bitcast3A_1216 = vector.bitcast %mul3A_1215 : vector<16xf32> to vector<16xi32>
    %shift_right_arithmetic3A_1217 = arith.constant 1 : i32
    %shift_right_arithmetic3A_1218 = vector.broadcast %shift_right_arithmetic3A_1217 : i32 to vector<16xi32>
    %shift_right_arithmetic3A_1219 = arith.shrsi %bitcast3A_1216, %shift_right_arithmetic3A_1218 : vector<16xi32>
    %sub3A_1220 = arith.constant 1597463007 : i32
    %sub3A_1221 = vector.broadcast %sub3A_1220 : i32 to vector<16xi32>
    %sub3A_1222 = arith.subi %sub3A_1221, %shift_right_arithmetic3A_1219 : vector<16xi32>
    %bitcast3A_1223 = vector.bitcast %sub3A_1222 : vector<16xi32> to vector<16xf32>
    %mul3A_1224 = arith.constant 5.000000e-01 : f32
    %mul3A_1225 = vector.broadcast %mul3A_1224 : f32 to vector<16xf32>
    %mul3A_1226 = arith.mulf %mul3A_1215, %mul3A_1225 : vector<16xf32>
    %mul3A_1227 = arith.mulf %mul3A_1226, %bitcast3A_1223 : vector<16xf32>
    %mul3A_1228 = arith.mulf %mul3A_1227, %bitcast3A_1223 : vector<16xf32>
    %sub3A_1229 = arith.constant 1.500000e+00 : f32
    %sub3A_1230 = vector.broadcast %sub3A_1229 : f32 to vector<16xf32>
    %sub3A_1231 = arith.subf %sub3A_1230, %mul3A_1228 : vector<16xf32>
    %mul3A_1232 = arith.mulf %bitcast3A_1223, %sub3A_1231 : vector<16xf32>
    %mul3A_1233 = arith.mulf %mul3A_1226, %mul3A_1232 : vector<16xf32>
    %mul3A_1234 = arith.mulf %mul3A_1233, %mul3A_1232 : vector<16xf32>
    %sub3A_1235 = arith.constant 1.500000e+00 : f32
    %sub3A_1236 = vector.broadcast %sub3A_1235 : f32 to vector<16xf32>
    %sub3A_1237 = arith.subf %sub3A_1236, %mul3A_1234 : vector<16xf32>
    %mul3A_1238 = arith.mulf %mul3A_1232, %sub3A_1237 : vector<16xf32>
    %mul3A_1239 = arith.mulf %mul3A_1226, %mul3A_1238 : vector<16xf32>
    %mul3A_1240 = arith.mulf %mul3A_1239, %mul3A_1238 : vector<16xf32>
    %sub3A_1241 = arith.constant 1.500000e+00 : f32
    %sub3A_1242 = vector.broadcast %sub3A_1241 : f32 to vector<16xf32>
    %sub3A_1243 = arith.subf %sub3A_1242, %mul3A_1240 : vector<16xf32>
    %mul3A_1244 = arith.mulf %mul3A_1238, %sub3A_1243 : vector<16xf32>
    %mul3A_1245 = arith.mulf %mul3A_1226, %mul3A_1244 : vector<16xf32>
    %mul3A_1246 = arith.mulf %mul3A_1245, %mul3A_1244 : vector<16xf32>
    %sub3A_1247 = arith.constant 1.500000e+00 : f32
    %sub3A_1248 = vector.broadcast %sub3A_1247 : f32 to vector<16xf32>
    %sub3A_1249 = arith.subf %sub3A_1248, %mul3A_1246 : vector<16xf32>
    %mul3A_1250 = arith.mulf %mul3A_1244, %sub3A_1249 : vector<16xf32>
    %mul3A_1251 = arith.mulf %mul3A_1215, %mul3A_1250 : vector<16xf32>
    %div3A_1252 = vector.broadcast %squeeze3A : f32 to vector<16xf32>
    %div3A_1253 = arith.divf %mul3A_1251, %div3A_1252 : vector<16xf32>
    %get3A_1254 = arith.constant 176 : index
    %get3A_1255 = tpu.vector_load %arg8[%get3A_1254] {strides = array<i32>} : memref<256xi32, #tpu.memory_space<vmem>>, vector<16xi32>,
    %eq3A_1256 = arith.constant 0 : i32
    %eq3A_1257 = vector.broadcast %eq3A_1256 : i32 to vector<16xi32>
    %eq3A_1258 = arith.cmpi eq, %get3A_1255, %eq3A_1257 : vector<16xi32>
    %jit3A_1259 = arith.constant 1.000000e+00 : f32
    %broadcast_in_dim3A_1260 = vector.broadcast %jit3A_1259 : f32 to vector<16xf32>
    %select_n3A_1261 = arith.select %eq3A_1258, %broadcast_in_dim3A_1260, %div3A_1253 : vector<16xi1>, vector<16xf32>
    %swap3A_1262 = arith.constant 176 : index
    %swap3A_1263 = tpu.vector_load %arg19[%swap3A_1262] {strides = array<i32>} : memref<256xf32, #tpu.memory_space<vmem>>, vector<16xf32>,
    tpu.vector_store %arg19[%swap3A_1262], %select_n3A_1261 {strides = array<i32>} : memref<256xf32, #tpu.memory_space<vmem>>, vector<16xf32>,
    %swap3A_1264 = arith.constant 176 : index
    %swap3A_1265 = tpu.vector_load %arg17[%swap3A_1264] {strides = array<i32>} : memref<256xf32, #tpu.memory_space<vmem>>, vector<16xf32>,
    tpu.vector_store %arg17[%swap3A_1264], %gather3A_1200 {strides = array<i32>} : memref<256xf32, #tpu.memory_space<vmem>>, vector<16xf32>,
    %swap3A_1266 = arith.constant 176 : index
    %swap3A_1267 = tpu.vector_load %arg18[%swap3A_1266] {strides = array<i32>} : memref<256xf32, #tpu.memory_space<vmem>>, vector<16xf32>,
    tpu.vector_store %arg18[%swap3A_1266], %gather3A_1206 {strides = array<i32>} : memref<256xf32, #tpu.memory_space<vmem>>, vector<16xf32>,
    %add3A_1268 = arith.constant 128 : i32
    %add3A_1269 = arith.addi %mul3A_2, %add3A_1268 : i32
    %dma_start3A_1270 = arith.constant 0 : i32
    %dma_start3A_1271 = arith.constant 0 : i32
    %dma_start3A_1272 = arith.constant 0 : i32
    %dma_start3A_1273 = arith.constant 0 : i32
    %dma_start3A_1274 = tpu.memref_slice %arg15[%dma_start3A_1270, %dma_start3A_1272, %dma_start3A_1273] : memref<2x64x512xf32, #tpu.memory_space<vmem>> -> memref<1x64x512xf32, #tpu.memory_space<vmem>>
    %dma_start3A_1275 = tpu.memref_squeeze %dma_start3A_1274 : memref<1x64x512xf32, #tpu.memory_space<vmem>> -> memref<64x512xf32, #tpu.memory_space<vmem>>
    %dma_start3A_1276 = arith.constant 0 : i32
    %dma_start3A_1277 = tpu.memref_slice %arg4[%add3A_1269, %dma_start3A_1276] : memref<8192x512xf32, #tpu.memory_space<hbm>> -> memref<64x512xf32, #tpu.memory_space<hbm>>
    %dma_start3A_1278 = tpu.memref_slice %arg21[%dma_start3A_1271] : memref<2x!tpu.dma_semaphore, #tpu.memory_space<semaphore_mem>> -> memref<1x!tpu.dma_semaphore, #tpu.memory_space<semaphore_mem>>
    %dma_start3A_1279 = tpu.memref_squeeze %dma_start3A_1278 : memref<1x!tpu.dma_semaphore, #tpu.memory_space<semaphore_mem>> -> memref<!tpu.dma_semaphore, #tpu.memory_space<semaphore_mem>>
    %dma_start3A_1280 = arith.constant 0 : i32
    %dma_start3A_1281 = tpu.memref_slice %arg4[%add3A_1269, %dma_start3A_1280] : memref<8192x512xf32, #tpu.memory_space<hbm>> -> memref<64x512xf32, #tpu.memory_space<hbm>>
    %dma_start3A_1282 = arith.constant 0 : i32
    %dma_start3A_1283 = arith.constant 0 : i32
    %dma_start3A_1284 = tpu.memref_slice %arg15[%dma_start3A_1270, %dma_start3A_1282, %dma_start3A_1283] : memref<2x64x512xf32, #tpu.memory_space<vmem>> -> memref<1x64x512xf32, #tpu.memory_space<vmem>>
    %dma_start3A_1285 = tpu.memref_squeeze %dma_start3A_1284 : memref<1x64x512xf32, #tpu.memory_space<vmem>> -> memref<64x512xf32, #tpu.memory_space<vmem>>
    tpu.enqueue_dma source(%dma_start3A_1285 : memref<64x512xf32, #tpu.memory_space<vmem>>) target(%dma_start3A_1281 : memref<64x512xf32, #tpu.memory_space<hbm>>) target_semaphore(%dma_start3A_1279 : memref<!tpu.dma_semaphore, #tpu.memory_space<semaphore_mem>>)
    %dma_wait3A_1286 = arith.constant 1 : i32
    %dma_wait3A_1287 = arith.constant 1 : i32
    %dma_wait3A_1288 = arith.constant 0 : i32
    %dma_wait3A_1289 = arith.constant 0 : i32
    %dma_wait3A_1290 = tpu.memref_slice %arg15[%dma_wait3A_1286, %dma_wait3A_1288, %dma_wait3A_1289] : memref<2x64x512xf32, #tpu.memory_space<vmem>> -> memref<1x64x512xf32, #tpu.memory_space<vmem>>
    %dma_wait3A_1291 = tpu.memref_squeeze %dma_wait3A_1290 : memref<1x64x512xf32, #tpu.memory_space<vmem>> -> memref<64x512xf32, #tpu.memory_space<vmem>>
    %dma_wait3A_1292 = arith.constant 192 : i32
    %dma_wait3A_1293 = tpu.memref_slice %arg8[%dma_wait3A_1292] : memref<256xi32, #tpu.memory_space<vmem>> -> memref<64xi32, #tpu.memory_space<vmem>>
    %dma_wait3A_1294 = arith.constant 0 : i32
    %dma_wait3A_1295 = arith.constant 0 : i32
    %dma_wait3A_1296 = tpu.memref_slice %arg2[%dma_wait3A_1294, %dma_wait3A_1295] : memref<50000x512xf32, #tpu.memory_space<hbm>> -> memref<50000x512xf32, #tpu.memory_space<hbm>>
    %dma_wait3A_1297 = tpu.memref_slice %arg20[%dma_wait3A_1287] : memref<2x!tpu.dma_semaphore, #tpu.memory_space<semaphore_mem>> -> memref<1x!tpu.dma_semaphore, #tpu.memory_space<semaphore_mem>>
    %dma_wait3A_1298 = tpu.memref_squeeze %dma_wait3A_1297 : memref<1x!tpu.dma_semaphore, #tpu.memory_space<semaphore_mem>> -> memref<!tpu.dma_semaphore, #tpu.memory_space<semaphore_mem>>
    tpu.wait_indirect_dma semaphore(%dma_wait3A_1298 : memref<!tpu.dma_semaphore, #tpu.memory_space<semaphore_mem>>) src(%dma_wait3A_1296 : memref<50000x512xf32, #tpu.memory_space<hbm>>) dst(%dma_wait3A_1291 : memref<64x512xf32, #tpu.memory_space<vmem>>)
    %add3A_1299 = arith.constant 0 : i32
    %add3A_1300 = vector.broadcast %add3A_1299 : i32 to vector<16xi32>
    %add3A_1301 = arith.addi %iota3A, %add3A_1300 : vector<16xi32>
    %gather3A_1302 = arith.constant 1 : i32
    %gather3A_1303 = arith.constant 0 : i32
    %gather3A_1304 = arith.constant 0 : i32
    %gather3A_1305 = tpu.memref_slice %arg15[%gather3A_1302, %gather3A_1303, %gather3A_1304] : memref<2x64x512xf32, #tpu.memory_space<vmem>> -> memref<1x64x512xf32, #tpu.memory_space<vmem>>
    %gather3A_1306 = tpu.memref_squeeze %gather3A_1305 : memref<1x64x512xf32, #tpu.memory_space<vmem>> -> memref<64x512xf32, #tpu.memory_space<vmem>>
    %gather3A_1307 = tpu.vector_load_idx %gather3A_1306[%add3A_1301, %broadcast_in_dim3A_7] : memref<64x512xf32, #tpu.memory_space<vmem>>[vector<16xi32>, vector<16xi32>], vector<16xf32>,
    %convert_element_type3A_1308 = arith.fptosi %gather3A_1307 : vector<16xf32> to vector<16xi32>
    %swap3A_1309 = arith.constant 0 : index
    %swap3A_1310 = tpu.vector_load %arg12[%swap3A_1309] {strides = array<i32>} : memref<64xi32, #tpu.memory_space<vmem>>, vector<16xi32>,
    tpu.vector_store %arg12[%swap3A_1309], %convert_element_type3A_1308 {strides = array<i32>} : memref<64xi32, #tpu.memory_space<vmem>>, vector<16xi32>,
    %add3A_1311 = arith.constant 16 : i32
    %add3A_1312 = vector.broadcast %add3A_1311 : i32 to vector<16xi32>
    %add3A_1313 = arith.addi %iota3A, %add3A_1312 : vector<16xi32>
    %gather3A_1314 = arith.constant 1 : i32
    %gather3A_1315 = arith.constant 0 : i32
    %gather3A_1316 = arith.constant 0 : i32
    %gather3A_1317 = tpu.memref_slice %arg15[%gather3A_1314, %gather3A_1315, %gather3A_1316] : memref<2x64x512xf32, #tpu.memory_space<vmem>> -> memref<1x64x512xf32, #tpu.memory_space<vmem>>
    %gather3A_1318 = tpu.memref_squeeze %gather3A_1317 : memref<1x64x512xf32, #tpu.memory_space<vmem>> -> memref<64x512xf32, #tpu.memory_space<vmem>>
    %gather3A_1319 = tpu.vector_load_idx %gather3A_1318[%add3A_1313, %broadcast_in_dim3A_7] : memref<64x512xf32, #tpu.memory_space<vmem>>[vector<16xi32>, vector<16xi32>], vector<16xf32>,
    %convert_element_type3A_1320 = arith.fptosi %gather3A_1319 : vector<16xf32> to vector<16xi32>
    %swap3A_1321 = arith.constant 16 : index
    %swap3A_1322 = tpu.vector_load %arg12[%swap3A_1321] {strides = array<i32>} : memref<64xi32, #tpu.memory_space<vmem>>, vector<16xi32>,
    tpu.vector_store %arg12[%swap3A_1321], %convert_element_type3A_1320 {strides = array<i32>} : memref<64xi32, #tpu.memory_space<vmem>>, vector<16xi32>,
    %add3A_1323 = arith.constant 32 : i32
    %add3A_1324 = vector.broadcast %add3A_1323 : i32 to vector<16xi32>
    %add3A_1325 = arith.addi %iota3A, %add3A_1324 : vector<16xi32>
    %gather3A_1326 = arith.constant 1 : i32
    %gather3A_1327 = arith.constant 0 : i32
    %gather3A_1328 = arith.constant 0 : i32
    %gather3A_1329 = tpu.memref_slice %arg15[%gather3A_1326, %gather3A_1327, %gather3A_1328] : memref<2x64x512xf32, #tpu.memory_space<vmem>> -> memref<1x64x512xf32, #tpu.memory_space<vmem>>
    %gather3A_1330 = tpu.memref_squeeze %gather3A_1329 : memref<1x64x512xf32, #tpu.memory_space<vmem>> -> memref<64x512xf32, #tpu.memory_space<vmem>>
    %gather3A_1331 = tpu.vector_load_idx %gather3A_1330[%add3A_1325, %broadcast_in_dim3A_7] : memref<64x512xf32, #tpu.memory_space<vmem>>[vector<16xi32>, vector<16xi32>], vector<16xf32>,
    %convert_element_type3A_1332 = arith.fptosi %gather3A_1331 : vector<16xf32> to vector<16xi32>
    %swap3A_1333 = arith.constant 32 : index
    %swap3A_1334 = tpu.vector_load %arg12[%swap3A_1333] {strides = array<i32>} : memref<64xi32, #tpu.memory_space<vmem>>, vector<16xi32>,
    tpu.vector_store %arg12[%swap3A_1333], %convert_element_type3A_1332 {strides = array<i32>} : memref<64xi32, #tpu.memory_space<vmem>>, vector<16xi32>,
    %add3A_1335 = arith.constant 48 : i32
    %add3A_1336 = vector.broadcast %add3A_1335 : i32 to vector<16xi32>
    %add3A_1337 = arith.addi %iota3A, %add3A_1336 : vector<16xi32>
    %gather3A_1338 = arith.constant 1 : i32
    %gather3A_1339 = arith.constant 0 : i32
    %gather3A_1340 = arith.constant 0 : i32
    %gather3A_1341 = tpu.memref_slice %arg15[%gather3A_1338, %gather3A_1339, %gather3A_1340] : memref<2x64x512xf32, #tpu.memory_space<vmem>> -> memref<1x64x512xf32, #tpu.memory_space<vmem>>
    %gather3A_1342 = tpu.memref_squeeze %gather3A_1341 : memref<1x64x512xf32, #tpu.memory_space<vmem>> -> memref<64x512xf32, #tpu.memory_space<vmem>>
    %gather3A_1343 = tpu.vector_load_idx %gather3A_1342[%add3A_1337, %broadcast_in_dim3A_7] : memref<64x512xf32, #tpu.memory_space<vmem>>[vector<16xi32>, vector<16xi32>], vector<16xf32>,
    %convert_element_type3A_1344 = arith.fptosi %gather3A_1343 : vector<16xf32> to vector<16xi32>
    %swap3A_1345 = arith.constant 48 : index
    %swap3A_1346 = tpu.vector_load %arg12[%swap3A_1345] {strides = array<i32>} : memref<64xi32, #tpu.memory_space<vmem>>, vector<16xi32>,
    tpu.vector_store %arg12[%swap3A_1345], %convert_element_type3A_1344 {strides = array<i32>} : memref<64xi32, #tpu.memory_space<vmem>>, vector<16xi32>,
    %dma_start3A_1347 = arith.constant 0 : i32
    %dma_start3A_1348 = arith.constant 0 : i32
    %dma_start3A_1349 = tpu.memref_slice %arg2[%dma_start3A_1347, %dma_start3A_1348] : memref<50000x512xf32, #tpu.memory_space<hbm>> -> memref<50000x512xf32, #tpu.memory_space<hbm>>
    tpu.enqueue_indirect_dma source(%dma_start3A_1349 : memref<50000x512xf32, #tpu.memory_space<hbm>>) target(%arg16 : memref<64x512xf32, #tpu.memory_space<vmem>>) offsets(%arg12 : memref<64xi32, #tpu.memory_space<vmem>>) semaphore(%arg22 : memref<!tpu.dma_semaphore, #tpu.memory_space<semaphore_mem>>)
    %dma_wait3A_1350 = arith.constant 0 : i32
    %dma_wait3A_1351 = arith.constant 0 : i32
    %dma_wait3A_1352 = tpu.memref_slice %arg2[%dma_wait3A_1350, %dma_wait3A_1351] : memref<50000x512xf32, #tpu.memory_space<hbm>> -> memref<50000x512xf32, #tpu.memory_space<hbm>>
    tpu.wait_indirect_dma semaphore(%arg22 : memref<!tpu.dma_semaphore, #tpu.memory_space<semaphore_mem>>) src(%dma_wait3A_1352 : memref<50000x512xf32, #tpu.memory_space<hbm>>) dst(%arg16 : memref<64x512xf32, #tpu.memory_space<vmem>>)
    %add3A_1353 = arith.constant 0 : i32
    %add3A_1354 = vector.broadcast %add3A_1353 : i32 to vector<16xi32>
    %add3A_1355 = arith.addi %iota3A, %add3A_1354 : vector<16xi32>
    %gather3A_1356 = arith.constant 1 : i32
    %gather3A_1357 = arith.constant 0 : i32
    %gather3A_1358 = arith.constant 0 : i32
    %gather3A_1359 = tpu.memref_slice %arg15[%gather3A_1356, %gather3A_1357, %gather3A_1358] : memref<2x64x512xf32, #tpu.memory_space<vmem>> -> memref<1x64x512xf32, #tpu.memory_space<vmem>>
    %gather3A_1360 = tpu.memref_squeeze %gather3A_1359 : memref<1x64x512xf32, #tpu.memory_space<vmem>> -> memref<64x512xf32, #tpu.memory_space<vmem>>
    %gather3A_1361 = tpu.vector_load_idx %gather3A_1360[%add3A_1355, %broadcast_in_dim3A_3] : memref<64x512xf32, #tpu.memory_space<vmem>>[vector<16xi32>, vector<16xi32>], vector<16xf32>,
    %gather3A_1362 = arith.constant 1 : i32
    %gather3A_1363 = arith.constant 0 : i32
    %gather3A_1364 = arith.constant 0 : i32
    %gather3A_1365 = tpu.memref_slice %arg15[%gather3A_1362, %gather3A_1363, %gather3A_1364] : memref<2x64x512xf32, #tpu.memory_space<vmem>> -> memref<1x64x512xf32, #tpu.memory_space<vmem>>
    %gather3A_1366 = tpu.memref_squeeze %gather3A_1365 : memref<1x64x512xf32, #tpu.memory_space<vmem>> -> memref<64x512xf32, #tpu.memory_space<vmem>>
    %gather3A_1367 = tpu.vector_load_idx %gather3A_1366[%add3A_1355, %broadcast_in_dim3A_5] : memref<64x512xf32, #tpu.memory_space<vmem>>[vector<16xi32>, vector<16xi32>], vector<16xf32>,
    %gather3A_1368 = tpu.vector_load_idx %arg16[%add3A_1355, %broadcast_in_dim3A_3] : memref<64x512xf32, #tpu.memory_space<vmem>>[vector<16xi32>, vector<16xi32>], vector<16xf32>,
    %sub3A_1369 = arith.subf %gather3A_1361, %gather3A_1368 : vector<16xf32>
    %gather3A_1370 = tpu.vector_load_idx %arg16[%add3A_1355, %broadcast_in_dim3A_5] : memref<64x512xf32, #tpu.memory_space<vmem>>[vector<16xi32>, vector<16xi32>], vector<16xf32>,
    %sub3A_1371 = arith.subf %gather3A_1367, %gather3A_1370 : vector<16xf32>
    %mul3A_1372 = arith.mulf %sub3A_1369, %sub3A_1369 : vector<16xf32>
    %mul3A_1373 = arith.mulf %sub3A_1371, %sub3A_1371 : vector<16xf32>
    %add3A_1374 = arith.addf %mul3A_1372, %mul3A_1373 : vector<16xf32>
    %mul3A_1375 = vector.broadcast %squeeze3A_39 : f32 to vector<16xf32>
    %mul3A_1376 = arith.mulf %add3A_1374, %mul3A_1375 : vector<16xf32>
    %bitcast3A_1377 = vector.bitcast %mul3A_1376 : vector<16xf32> to vector<16xi32>
    %shift_right_arithmetic3A_1378 = arith.constant 1 : i32
    %shift_right_arithmetic3A_1379 = vector.broadcast %shift_right_arithmetic3A_1378 : i32 to vector<16xi32>
    %shift_right_arithmetic3A_1380 = arith.shrsi %bitcast3A_1377, %shift_right_arithmetic3A_1379 : vector<16xi32>
    %sub3A_1381 = arith.constant 1597463007 : i32
    %sub3A_1382 = vector.broadcast %sub3A_1381 : i32 to vector<16xi32>
    %sub3A_1383 = arith.subi %sub3A_1382, %shift_right_arithmetic3A_1380 : vector<16xi32>
    %bitcast3A_1384 = vector.bitcast %sub3A_1383 : vector<16xi32> to vector<16xf32>
    %mul3A_1385 = arith.constant 5.000000e-01 : f32
    %mul3A_1386 = vector.broadcast %mul3A_1385 : f32 to vector<16xf32>
    %mul3A_1387 = arith.mulf %mul3A_1376, %mul3A_1386 : vector<16xf32>
    %mul3A_1388 = arith.mulf %mul3A_1387, %bitcast3A_1384 : vector<16xf32>
    %mul3A_1389 = arith.mulf %mul3A_1388, %bitcast3A_1384 : vector<16xf32>
    %sub3A_1390 = arith.constant 1.500000e+00 : f32
    %sub3A_1391 = vector.broadcast %sub3A_1390 : f32 to vector<16xf32>
    %sub3A_1392 = arith.subf %sub3A_1391, %mul3A_1389 : vector<16xf32>
    %mul3A_1393 = arith.mulf %bitcast3A_1384, %sub3A_1392 : vector<16xf32>
    %mul3A_1394 = arith.mulf %mul3A_1387, %mul3A_1393 : vector<16xf32>
    %mul3A_1395 = arith.mulf %mul3A_1394, %mul3A_1393 : vector<16xf32>
    %sub3A_1396 = arith.constant 1.500000e+00 : f32
    %sub3A_1397 = vector.broadcast %sub3A_1396 : f32 to vector<16xf32>
    %sub3A_1398 = arith.subf %sub3A_1397, %mul3A_1395 : vector<16xf32>
    %mul3A_1399 = arith.mulf %mul3A_1393, %sub3A_1398 : vector<16xf32>
    %mul3A_1400 = arith.mulf %mul3A_1387, %mul3A_1399 : vector<16xf32>
    %mul3A_1401 = arith.mulf %mul3A_1400, %mul3A_1399 : vector<16xf32>
    %sub3A_1402 = arith.constant 1.500000e+00 : f32
    %sub3A_1403 = vector.broadcast %sub3A_1402 : f32 to vector<16xf32>
    %sub3A_1404 = arith.subf %sub3A_1403, %mul3A_1401 : vector<16xf32>
    %mul3A_1405 = arith.mulf %mul3A_1399, %sub3A_1404 : vector<16xf32>
    %mul3A_1406 = arith.mulf %mul3A_1387, %mul3A_1405 : vector<16xf32>
    %mul3A_1407 = arith.mulf %mul3A_1406, %mul3A_1405 : vector<16xf32>
    %sub3A_1408 = arith.constant 1.500000e+00 : f32
    %sub3A_1409 = vector.broadcast %sub3A_1408 : f32 to vector<16xf32>
    %sub3A_1410 = arith.subf %sub3A_1409, %mul3A_1407 : vector<16xf32>
    %mul3A_1411 = arith.mulf %mul3A_1405, %sub3A_1410 : vector<16xf32>
    %mul3A_1412 = arith.mulf %mul3A_1376, %mul3A_1411 : vector<16xf32>
    %div3A_1413 = vector.broadcast %squeeze3A : f32 to vector<16xf32>
    %div3A_1414 = arith.divf %mul3A_1412, %div3A_1413 : vector<16xf32>
    %get3A_1415 = arith.constant 192 : index
    %get3A_1416 = tpu.vector_load %arg8[%get3A_1415] {strides = array<i32>} : memref<256xi32, #tpu.memory_space<vmem>>, vector<16xi32>,
    %eq3A_1417 = arith.constant 0 : i32
    %eq3A_1418 = vector.broadcast %eq3A_1417 : i32 to vector<16xi32>
    %eq3A_1419 = arith.cmpi eq, %get3A_1416, %eq3A_1418 : vector<16xi32>
    %jit3A_1420 = arith.constant 1.000000e+00 : f32
    %broadcast_in_dim3A_1421 = vector.broadcast %jit3A_1420 : f32 to vector<16xf32>
    %select_n3A_1422 = arith.select %eq3A_1419, %broadcast_in_dim3A_1421, %div3A_1414 : vector<16xi1>, vector<16xf32>
    %swap3A_1423 = arith.constant 192 : index
    %swap3A_1424 = tpu.vector_load %arg19[%swap3A_1423] {strides = array<i32>} : memref<256xf32, #tpu.memory_space<vmem>>, vector<16xf32>,
    tpu.vector_store %arg19[%swap3A_1423], %select_n3A_1422 {strides = array<i32>} : memref<256xf32, #tpu.memory_space<vmem>>, vector<16xf32>,
    %swap3A_1425 = arith.constant 192 : index
    %swap3A_1426 = tpu.vector_load %arg17[%swap3A_1425] {strides = array<i32>} : memref<256xf32, #tpu.memory_space<vmem>>, vector<16xf32>,
    tpu.vector_store %arg17[%swap3A_1425], %gather3A_1361 {strides = array<i32>} : memref<256xf32, #tpu.memory_space<vmem>>, vector<16xf32>,
    %swap3A_1427 = arith.constant 192 : index
    %swap3A_1428 = tpu.vector_load %arg18[%swap3A_1427] {strides = array<i32>} : memref<256xf32, #tpu.memory_space<vmem>>, vector<16xf32>,
    tpu.vector_store %arg18[%swap3A_1427], %gather3A_1367 {strides = array<i32>} : memref<256xf32, #tpu.memory_space<vmem>>, vector<16xf32>,
    %add3A_1429 = arith.constant 16 : i32
    %add3A_1430 = vector.broadcast %add3A_1429 : i32 to vector<16xi32>
    %add3A_1431 = arith.addi %iota3A, %add3A_1430 : vector<16xi32>
    %gather3A_1432 = arith.constant 1 : i32
    %gather3A_1433 = arith.constant 0 : i32
    %gather3A_1434 = arith.constant 0 : i32
    %gather3A_1435 = tpu.memref_slice %arg15[%gather3A_1432, %gather3A_1433, %gather3A_1434] : memref<2x64x512xf32, #tpu.memory_space<vmem>> -> memref<1x64x512xf32, #tpu.memory_space<vmem>>
    %gather3A_1436 = tpu.memref_squeeze %gather3A_1435 : memref<1x64x512xf32, #tpu.memory_space<vmem>> -> memref<64x512xf32, #tpu.memory_space<vmem>>
    %gather3A_1437 = tpu.vector_load_idx %gather3A_1436[%add3A_1431, %broadcast_in_dim3A_3] : memref<64x512xf32, #tpu.memory_space<vmem>>[vector<16xi32>, vector<16xi32>], vector<16xf32>,
    %gather3A_1438 = arith.constant 1 : i32
    %gather3A_1439 = arith.constant 0 : i32
    %gather3A_1440 = arith.constant 0 : i32
    %gather3A_1441 = tpu.memref_slice %arg15[%gather3A_1438, %gather3A_1439, %gather3A_1440] : memref<2x64x512xf32, #tpu.memory_space<vmem>> -> memref<1x64x512xf32, #tpu.memory_space<vmem>>
    %gather3A_1442 = tpu.memref_squeeze %gather3A_1441 : memref<1x64x512xf32, #tpu.memory_space<vmem>> -> memref<64x512xf32, #tpu.memory_space<vmem>>
    %gather3A_1443 = tpu.vector_load_idx %gather3A_1442[%add3A_1431, %broadcast_in_dim3A_5] : memref<64x512xf32, #tpu.memory_space<vmem>>[vector<16xi32>, vector<16xi32>], vector<16xf32>,
    %gather3A_1444 = tpu.vector_load_idx %arg16[%add3A_1431, %broadcast_in_dim3A_3] : memref<64x512xf32, #tpu.memory_space<vmem>>[vector<16xi32>, vector<16xi32>], vector<16xf32>,
    %sub3A_1445 = arith.subf %gather3A_1437, %gather3A_1444 : vector<16xf32>
    %gather3A_1446 = tpu.vector_load_idx %arg16[%add3A_1431, %broadcast_in_dim3A_5] : memref<64x512xf32, #tpu.memory_space<vmem>>[vector<16xi32>, vector<16xi32>], vector<16xf32>,
    %sub3A_1447 = arith.subf %gather3A_1443, %gather3A_1446 : vector<16xf32>
    %mul3A_1448 = arith.mulf %sub3A_1445, %sub3A_1445 : vector<16xf32>
    %mul3A_1449 = arith.mulf %sub3A_1447, %sub3A_1447 : vector<16xf32>
    %add3A_1450 = arith.addf %mul3A_1448, %mul3A_1449 : vector<16xf32>
    %mul3A_1451 = vector.broadcast %squeeze3A_39 : f32 to vector<16xf32>
    %mul3A_1452 = arith.mulf %add3A_1450, %mul3A_1451 : vector<16xf32>
    %bitcast3A_1453 = vector.bitcast %mul3A_1452 : vector<16xf32> to vector<16xi32>
    %shift_right_arithmetic3A_1454 = arith.constant 1 : i32
    %shift_right_arithmetic3A_1455 = vector.broadcast %shift_right_arithmetic3A_1454 : i32 to vector<16xi32>
    %shift_right_arithmetic3A_1456 = arith.shrsi %bitcast3A_1453, %shift_right_arithmetic3A_1455 : vector<16xi32>
    %sub3A_1457 = arith.constant 1597463007 : i32
    %sub3A_1458 = vector.broadcast %sub3A_1457 : i32 to vector<16xi32>
    %sub3A_1459 = arith.subi %sub3A_1458, %shift_right_arithmetic3A_1456 : vector<16xi32>
    %bitcast3A_1460 = vector.bitcast %sub3A_1459 : vector<16xi32> to vector<16xf32>
    %mul3A_1461 = arith.constant 5.000000e-01 : f32
    %mul3A_1462 = vector.broadcast %mul3A_1461 : f32 to vector<16xf32>
    %mul3A_1463 = arith.mulf %mul3A_1452, %mul3A_1462 : vector<16xf32>
    %mul3A_1464 = arith.mulf %mul3A_1463, %bitcast3A_1460 : vector<16xf32>
    %mul3A_1465 = arith.mulf %mul3A_1464, %bitcast3A_1460 : vector<16xf32>
    %sub3A_1466 = arith.constant 1.500000e+00 : f32
    %sub3A_1467 = vector.broadcast %sub3A_1466 : f32 to vector<16xf32>
    %sub3A_1468 = arith.subf %sub3A_1467, %mul3A_1465 : vector<16xf32>
    %mul3A_1469 = arith.mulf %bitcast3A_1460, %sub3A_1468 : vector<16xf32>
    %mul3A_1470 = arith.mulf %mul3A_1463, %mul3A_1469 : vector<16xf32>
    %mul3A_1471 = arith.mulf %mul3A_1470, %mul3A_1469 : vector<16xf32>
    %sub3A_1472 = arith.constant 1.500000e+00 : f32
    %sub3A_1473 = vector.broadcast %sub3A_1472 : f32 to vector<16xf32>
    %sub3A_1474 = arith.subf %sub3A_1473, %mul3A_1471 : vector<16xf32>
    %mul3A_1475 = arith.mulf %mul3A_1469, %sub3A_1474 : vector<16xf32>
    %mul3A_1476 = arith.mulf %mul3A_1463, %mul3A_1475 : vector<16xf32>
    %mul3A_1477 = arith.mulf %mul3A_1476, %mul3A_1475 : vector<16xf32>
    %sub3A_1478 = arith.constant 1.500000e+00 : f32
    %sub3A_1479 = vector.broadcast %sub3A_1478 : f32 to vector<16xf32>
    %sub3A_1480 = arith.subf %sub3A_1479, %mul3A_1477 : vector<16xf32>
    %mul3A_1481 = arith.mulf %mul3A_1475, %sub3A_1480 : vector<16xf32>
    %mul3A_1482 = arith.mulf %mul3A_1463, %mul3A_1481 : vector<16xf32>
    %mul3A_1483 = arith.mulf %mul3A_1482, %mul3A_1481 : vector<16xf32>
    %sub3A_1484 = arith.constant 1.500000e+00 : f32
    %sub3A_1485 = vector.broadcast %sub3A_1484 : f32 to vector<16xf32>
    %sub3A_1486 = arith.subf %sub3A_1485, %mul3A_1483 : vector<16xf32>
    %mul3A_1487 = arith.mulf %mul3A_1481, %sub3A_1486 : vector<16xf32>
    %mul3A_1488 = arith.mulf %mul3A_1452, %mul3A_1487 : vector<16xf32>
    %div3A_1489 = vector.broadcast %squeeze3A : f32 to vector<16xf32>
    %div3A_1490 = arith.divf %mul3A_1488, %div3A_1489 : vector<16xf32>
    %get3A_1491 = arith.constant 208 : index
    %get3A_1492 = tpu.vector_load %arg8[%get3A_1491] {strides = array<i32>} : memref<256xi32, #tpu.memory_space<vmem>>, vector<16xi32>,
    %eq3A_1493 = arith.constant 0 : i32
    %eq3A_1494 = vector.broadcast %eq3A_1493 : i32 to vector<16xi32>
    %eq3A_1495 = arith.cmpi eq, %get3A_1492, %eq3A_1494 : vector<16xi32>
    %jit3A_1496 = arith.constant 1.000000e+00 : f32
    %broadcast_in_dim3A_1497 = vector.broadcast %jit3A_1496 : f32 to vector<16xf32>
    %select_n3A_1498 = arith.select %eq3A_1495, %broadcast_in_dim3A_1497, %div3A_1490 : vector<16xi1>, vector<16xf32>
    %swap3A_1499 = arith.constant 208 : index
    %swap3A_1500 = tpu.vector_load %arg19[%swap3A_1499] {strides = array<i32>} : memref<256xf32, #tpu.memory_space<vmem>>, vector<16xf32>,
    tpu.vector_store %arg19[%swap3A_1499], %select_n3A_1498 {strides = array<i32>} : memref<256xf32, #tpu.memory_space<vmem>>, vector<16xf32>,
    %swap3A_1501 = arith.constant 208 : index
    %swap3A_1502 = tpu.vector_load %arg17[%swap3A_1501] {strides = array<i32>} : memref<256xf32, #tpu.memory_space<vmem>>, vector<16xf32>,
    tpu.vector_store %arg17[%swap3A_1501], %gather3A_1437 {strides = array<i32>} : memref<256xf32, #tpu.memory_space<vmem>>, vector<16xf32>,
    %swap3A_1503 = arith.constant 208 : index
    %swap3A_1504 = tpu.vector_load %arg18[%swap3A_1503] {strides = array<i32>} : memref<256xf32, #tpu.memory_space<vmem>>, vector<16xf32>,
    tpu.vector_store %arg18[%swap3A_1503], %gather3A_1443 {strides = array<i32>} : memref<256xf32, #tpu.memory_space<vmem>>, vector<16xf32>,
    %add3A_1505 = arith.constant 32 : i32
    %add3A_1506 = vector.broadcast %add3A_1505 : i32 to vector<16xi32>
    %add3A_1507 = arith.addi %iota3A, %add3A_1506 : vector<16xi32>
    %gather3A_1508 = arith.constant 1 : i32
    %gather3A_1509 = arith.constant 0 : i32
    %gather3A_1510 = arith.constant 0 : i32
    %gather3A_1511 = tpu.memref_slice %arg15[%gather3A_1508, %gather3A_1509, %gather3A_1510] : memref<2x64x512xf32, #tpu.memory_space<vmem>> -> memref<1x64x512xf32, #tpu.memory_space<vmem>>
    %gather3A_1512 = tpu.memref_squeeze %gather3A_1511 : memref<1x64x512xf32, #tpu.memory_space<vmem>> -> memref<64x512xf32, #tpu.memory_space<vmem>>
    %gather3A_1513 = tpu.vector_load_idx %gather3A_1512[%add3A_1507, %broadcast_in_dim3A_3] : memref<64x512xf32, #tpu.memory_space<vmem>>[vector<16xi32>, vector<16xi32>], vector<16xf32>,
    %gather3A_1514 = arith.constant 1 : i32
    %gather3A_1515 = arith.constant 0 : i32
    %gather3A_1516 = arith.constant 0 : i32
    %gather3A_1517 = tpu.memref_slice %arg15[%gather3A_1514, %gather3A_1515, %gather3A_1516] : memref<2x64x512xf32, #tpu.memory_space<vmem>> -> memref<1x64x512xf32, #tpu.memory_space<vmem>>
    %gather3A_1518 = tpu.memref_squeeze %gather3A_1517 : memref<1x64x512xf32, #tpu.memory_space<vmem>> -> memref<64x512xf32, #tpu.memory_space<vmem>>
    %gather3A_1519 = tpu.vector_load_idx %gather3A_1518[%add3A_1507, %broadcast_in_dim3A_5] : memref<64x512xf32, #tpu.memory_space<vmem>>[vector<16xi32>, vector<16xi32>], vector<16xf32>,
    %gather3A_1520 = tpu.vector_load_idx %arg16[%add3A_1507, %broadcast_in_dim3A_3] : memref<64x512xf32, #tpu.memory_space<vmem>>[vector<16xi32>, vector<16xi32>], vector<16xf32>,
    %sub3A_1521 = arith.subf %gather3A_1513, %gather3A_1520 : vector<16xf32>
    %gather3A_1522 = tpu.vector_load_idx %arg16[%add3A_1507, %broadcast_in_dim3A_5] : memref<64x512xf32, #tpu.memory_space<vmem>>[vector<16xi32>, vector<16xi32>], vector<16xf32>,
    %sub3A_1523 = arith.subf %gather3A_1519, %gather3A_1522 : vector<16xf32>
    %mul3A_1524 = arith.mulf %sub3A_1521, %sub3A_1521 : vector<16xf32>
    %mul3A_1525 = arith.mulf %sub3A_1523, %sub3A_1523 : vector<16xf32>
    %add3A_1526 = arith.addf %mul3A_1524, %mul3A_1525 : vector<16xf32>
    %mul3A_1527 = vector.broadcast %squeeze3A_39 : f32 to vector<16xf32>
    %mul3A_1528 = arith.mulf %add3A_1526, %mul3A_1527 : vector<16xf32>
    %bitcast3A_1529 = vector.bitcast %mul3A_1528 : vector<16xf32> to vector<16xi32>
    %shift_right_arithmetic3A_1530 = arith.constant 1 : i32
    %shift_right_arithmetic3A_1531 = vector.broadcast %shift_right_arithmetic3A_1530 : i32 to vector<16xi32>
    %shift_right_arithmetic3A_1532 = arith.shrsi %bitcast3A_1529, %shift_right_arithmetic3A_1531 : vector<16xi32>
    %sub3A_1533 = arith.constant 1597463007 : i32
    %sub3A_1534 = vector.broadcast %sub3A_1533 : i32 to vector<16xi32>
    %sub3A_1535 = arith.subi %sub3A_1534, %shift_right_arithmetic3A_1532 : vector<16xi32>
    %bitcast3A_1536 = vector.bitcast %sub3A_1535 : vector<16xi32> to vector<16xf32>
    %mul3A_1537 = arith.constant 5.000000e-01 : f32
    %mul3A_1538 = vector.broadcast %mul3A_1537 : f32 to vector<16xf32>
    %mul3A_1539 = arith.mulf %mul3A_1528, %mul3A_1538 : vector<16xf32>
    %mul3A_1540 = arith.mulf %mul3A_1539, %bitcast3A_1536 : vector<16xf32>
    %mul3A_1541 = arith.mulf %mul3A_1540, %bitcast3A_1536 : vector<16xf32>
    %sub3A_1542 = arith.constant 1.500000e+00 : f32
    %sub3A_1543 = vector.broadcast %sub3A_1542 : f32 to vector<16xf32>
    %sub3A_1544 = arith.subf %sub3A_1543, %mul3A_1541 : vector<16xf32>
    %mul3A_1545 = arith.mulf %bitcast3A_1536, %sub3A_1544 : vector<16xf32>
    %mul3A_1546 = arith.mulf %mul3A_1539, %mul3A_1545 : vector<16xf32>
    %mul3A_1547 = arith.mulf %mul3A_1546, %mul3A_1545 : vector<16xf32>
    %sub3A_1548 = arith.constant 1.500000e+00 : f32
    %sub3A_1549 = vector.broadcast %sub3A_1548 : f32 to vector<16xf32>
    %sub3A_1550 = arith.subf %sub3A_1549, %mul3A_1547 : vector<16xf32>
    %mul3A_1551 = arith.mulf %mul3A_1545, %sub3A_1550 : vector<16xf32>
    %mul3A_1552 = arith.mulf %mul3A_1539, %mul3A_1551 : vector<16xf32>
    %mul3A_1553 = arith.mulf %mul3A_1552, %mul3A_1551 : vector<16xf32>
    %sub3A_1554 = arith.constant 1.500000e+00 : f32
    %sub3A_1555 = vector.broadcast %sub3A_1554 : f32 to vector<16xf32>
    %sub3A_1556 = arith.subf %sub3A_1555, %mul3A_1553 : vector<16xf32>
    %mul3A_1557 = arith.mulf %mul3A_1551, %sub3A_1556 : vector<16xf32>
    %mul3A_1558 = arith.mulf %mul3A_1539, %mul3A_1557 : vector<16xf32>
    %mul3A_1559 = arith.mulf %mul3A_1558, %mul3A_1557 : vector<16xf32>
    %sub3A_1560 = arith.constant 1.500000e+00 : f32
    %sub3A_1561 = vector.broadcast %sub3A_1560 : f32 to vector<16xf32>
    %sub3A_1562 = arith.subf %sub3A_1561, %mul3A_1559 : vector<16xf32>
    %mul3A_1563 = arith.mulf %mul3A_1557, %sub3A_1562 : vector<16xf32>
    %mul3A_1564 = arith.mulf %mul3A_1528, %mul3A_1563 : vector<16xf32>
    %div3A_1565 = vector.broadcast %squeeze3A : f32 to vector<16xf32>
    %div3A_1566 = arith.divf %mul3A_1564, %div3A_1565 : vector<16xf32>
    %get3A_1567 = arith.constant 224 : index
    %get3A_1568 = tpu.vector_load %arg8[%get3A_1567] {strides = array<i32>} : memref<256xi32, #tpu.memory_space<vmem>>, vector<16xi32>,
    %eq3A_1569 = arith.constant 0 : i32
    %eq3A_1570 = vector.broadcast %eq3A_1569 : i32 to vector<16xi32>
    %eq3A_1571 = arith.cmpi eq, %get3A_1568, %eq3A_1570 : vector<16xi32>
    %jit3A_1572 = arith.constant 1.000000e+00 : f32
    %broadcast_in_dim3A_1573 = vector.broadcast %jit3A_1572 : f32 to vector<16xf32>
    %select_n3A_1574 = arith.select %eq3A_1571, %broadcast_in_dim3A_1573, %div3A_1566 : vector<16xi1>, vector<16xf32>
    %swap3A_1575 = arith.constant 224 : index
    %swap3A_1576 = tpu.vector_load %arg19[%swap3A_1575] {strides = array<i32>} : memref<256xf32, #tpu.memory_space<vmem>>, vector<16xf32>,
    tpu.vector_store %arg19[%swap3A_1575], %select_n3A_1574 {strides = array<i32>} : memref<256xf32, #tpu.memory_space<vmem>>, vector<16xf32>,
    %swap3A_1577 = arith.constant 224 : index
    %swap3A_1578 = tpu.vector_load %arg17[%swap3A_1577] {strides = array<i32>} : memref<256xf32, #tpu.memory_space<vmem>>, vector<16xf32>,
    tpu.vector_store %arg17[%swap3A_1577], %gather3A_1513 {strides = array<i32>} : memref<256xf32, #tpu.memory_space<vmem>>, vector<16xf32>,
    %swap3A_1579 = arith.constant 224 : index
    %swap3A_1580 = tpu.vector_load %arg18[%swap3A_1579] {strides = array<i32>} : memref<256xf32, #tpu.memory_space<vmem>>, vector<16xf32>,
    tpu.vector_store %arg18[%swap3A_1579], %gather3A_1519 {strides = array<i32>} : memref<256xf32, #tpu.memory_space<vmem>>, vector<16xf32>,
    %add3A_1581 = arith.constant 48 : i32
    %add3A_1582 = vector.broadcast %add3A_1581 : i32 to vector<16xi32>
    %add3A_1583 = arith.addi %iota3A, %add3A_1582 : vector<16xi32>
    %gather3A_1584 = arith.constant 1 : i32
    %gather3A_1585 = arith.constant 0 : i32
    %gather3A_1586 = arith.constant 0 : i32
    %gather3A_1587 = tpu.memref_slice %arg15[%gather3A_1584, %gather3A_1585, %gather3A_1586] : memref<2x64x512xf32, #tpu.memory_space<vmem>> -> memref<1x64x512xf32, #tpu.memory_space<vmem>>
    %gather3A_1588 = tpu.memref_squeeze %gather3A_1587 : memref<1x64x512xf32, #tpu.memory_space<vmem>> -> memref<64x512xf32, #tpu.memory_space<vmem>>
    %gather3A_1589 = tpu.vector_load_idx %gather3A_1588[%add3A_1583, %broadcast_in_dim3A_3] : memref<64x512xf32, #tpu.memory_space<vmem>>[vector<16xi32>, vector<16xi32>], vector<16xf32>,
    %gather3A_1590 = arith.constant 1 : i32
    %gather3A_1591 = arith.constant 0 : i32
    %gather3A_1592 = arith.constant 0 : i32
    %gather3A_1593 = tpu.memref_slice %arg15[%gather3A_1590, %gather3A_1591, %gather3A_1592] : memref<2x64x512xf32, #tpu.memory_space<vmem>> -> memref<1x64x512xf32, #tpu.memory_space<vmem>>
    %gather3A_1594 = tpu.memref_squeeze %gather3A_1593 : memref<1x64x512xf32, #tpu.memory_space<vmem>> -> memref<64x512xf32, #tpu.memory_space<vmem>>
    %gather3A_1595 = tpu.vector_load_idx %gather3A_1594[%add3A_1583, %broadcast_in_dim3A_5] : memref<64x512xf32, #tpu.memory_space<vmem>>[vector<16xi32>, vector<16xi32>], vector<16xf32>,
    %gather3A_1596 = tpu.vector_load_idx %arg16[%add3A_1583, %broadcast_in_dim3A_3] : memref<64x512xf32, #tpu.memory_space<vmem>>[vector<16xi32>, vector<16xi32>], vector<16xf32>,
    %sub3A_1597 = arith.subf %gather3A_1589, %gather3A_1596 : vector<16xf32>
    %gather3A_1598 = tpu.vector_load_idx %arg16[%add3A_1583, %broadcast_in_dim3A_5] : memref<64x512xf32, #tpu.memory_space<vmem>>[vector<16xi32>, vector<16xi32>], vector<16xf32>,
    %sub3A_1599 = arith.subf %gather3A_1595, %gather3A_1598 : vector<16xf32>
    %mul3A_1600 = arith.mulf %sub3A_1597, %sub3A_1597 : vector<16xf32>
    %mul3A_1601 = arith.mulf %sub3A_1599, %sub3A_1599 : vector<16xf32>
    %add3A_1602 = arith.addf %mul3A_1600, %mul3A_1601 : vector<16xf32>
    %mul3A_1603 = vector.broadcast %squeeze3A_39 : f32 to vector<16xf32>
    %mul3A_1604 = arith.mulf %add3A_1602, %mul3A_1603 : vector<16xf32>
    %bitcast3A_1605 = vector.bitcast %mul3A_1604 : vector<16xf32> to vector<16xi32>
    %shift_right_arithmetic3A_1606 = arith.constant 1 : i32
    %shift_right_arithmetic3A_1607 = vector.broadcast %shift_right_arithmetic3A_1606 : i32 to vector<16xi32>
    %shift_right_arithmetic3A_1608 = arith.shrsi %bitcast3A_1605, %shift_right_arithmetic3A_1607 : vector<16xi32>
    %sub3A_1609 = arith.constant 1597463007 : i32
    %sub3A_1610 = vector.broadcast %sub3A_1609 : i32 to vector<16xi32>
    %sub3A_1611 = arith.subi %sub3A_1610, %shift_right_arithmetic3A_1608 : vector<16xi32>
    %bitcast3A_1612 = vector.bitcast %sub3A_1611 : vector<16xi32> to vector<16xf32>
    %mul3A_1613 = arith.constant 5.000000e-01 : f32
    %mul3A_1614 = vector.broadcast %mul3A_1613 : f32 to vector<16xf32>
    %mul3A_1615 = arith.mulf %mul3A_1604, %mul3A_1614 : vector<16xf32>
    %mul3A_1616 = arith.mulf %mul3A_1615, %bitcast3A_1612 : vector<16xf32>
    %mul3A_1617 = arith.mulf %mul3A_1616, %bitcast3A_1612 : vector<16xf32>
    %sub3A_1618 = arith.constant 1.500000e+00 : f32
    %sub3A_1619 = vector.broadcast %sub3A_1618 : f32 to vector<16xf32>
    %sub3A_1620 = arith.subf %sub3A_1619, %mul3A_1617 : vector<16xf32>
    %mul3A_1621 = arith.mulf %bitcast3A_1612, %sub3A_1620 : vector<16xf32>
    %mul3A_1622 = arith.mulf %mul3A_1615, %mul3A_1621 : vector<16xf32>
    %mul3A_1623 = arith.mulf %mul3A_1622, %mul3A_1621 : vector<16xf32>
    %sub3A_1624 = arith.constant 1.500000e+00 : f32
    %sub3A_1625 = vector.broadcast %sub3A_1624 : f32 to vector<16xf32>
    %sub3A_1626 = arith.subf %sub3A_1625, %mul3A_1623 : vector<16xf32>
    %mul3A_1627 = arith.mulf %mul3A_1621, %sub3A_1626 : vector<16xf32>
    %mul3A_1628 = arith.mulf %mul3A_1615, %mul3A_1627 : vector<16xf32>
    %mul3A_1629 = arith.mulf %mul3A_1628, %mul3A_1627 : vector<16xf32>
    %sub3A_1630 = arith.constant 1.500000e+00 : f32
    %sub3A_1631 = vector.broadcast %sub3A_1630 : f32 to vector<16xf32>
    %sub3A_1632 = arith.subf %sub3A_1631, %mul3A_1629 : vector<16xf32>
    %mul3A_1633 = arith.mulf %mul3A_1627, %sub3A_1632 : vector<16xf32>
    %mul3A_1634 = arith.mulf %mul3A_1615, %mul3A_1633 : vector<16xf32>
    %mul3A_1635 = arith.mulf %mul3A_1634, %mul3A_1633 : vector<16xf32>
    %sub3A_1636 = arith.constant 1.500000e+00 : f32
    %sub3A_1637 = vector.broadcast %sub3A_1636 : f32 to vector<16xf32>
    %sub3A_1638 = arith.subf %sub3A_1637, %mul3A_1635 : vector<16xf32>
    %mul3A_1639 = arith.mulf %mul3A_1633, %sub3A_1638 : vector<16xf32>
    %mul3A_1640 = arith.mulf %mul3A_1604, %mul3A_1639 : vector<16xf32>
    %div3A_1641 = vector.broadcast %squeeze3A : f32 to vector<16xf32>
    %div3A_1642 = arith.divf %mul3A_1640, %div3A_1641 : vector<16xf32>
    %get3A_1643 = arith.constant 240 : index
    %get3A_1644 = tpu.vector_load %arg8[%get3A_1643] {strides = array<i32>} : memref<256xi32, #tpu.memory_space<vmem>>, vector<16xi32>,
    %eq3A_1645 = arith.constant 0 : i32
    %eq3A_1646 = vector.broadcast %eq3A_1645 : i32 to vector<16xi32>
    %eq3A_1647 = arith.cmpi eq, %get3A_1644, %eq3A_1646 : vector<16xi32>
    %jit3A_1648 = arith.constant 1.000000e+00 : f32
    %broadcast_in_dim3A_1649 = vector.broadcast %jit3A_1648 : f32 to vector<16xf32>
    %select_n3A_1650 = arith.select %eq3A_1647, %broadcast_in_dim3A_1649, %div3A_1642 : vector<16xi1>, vector<16xf32>
    %swap3A_1651 = arith.constant 240 : index
    %swap3A_1652 = tpu.vector_load %arg19[%swap3A_1651] {strides = array<i32>} : memref<256xf32, #tpu.memory_space<vmem>>, vector<16xf32>,
    tpu.vector_store %arg19[%swap3A_1651], %select_n3A_1650 {strides = array<i32>} : memref<256xf32, #tpu.memory_space<vmem>>, vector<16xf32>,
    %swap3A_1653 = arith.constant 240 : index
    %swap3A_1654 = tpu.vector_load %arg17[%swap3A_1653] {strides = array<i32>} : memref<256xf32, #tpu.memory_space<vmem>>, vector<16xf32>,
    tpu.vector_store %arg17[%swap3A_1653], %gather3A_1589 {strides = array<i32>} : memref<256xf32, #tpu.memory_space<vmem>>, vector<16xf32>,
    %swap3A_1655 = arith.constant 240 : index
    %swap3A_1656 = tpu.vector_load %arg18[%swap3A_1655] {strides = array<i32>} : memref<256xf32, #tpu.memory_space<vmem>>, vector<16xf32>,
    tpu.vector_store %arg18[%swap3A_1655], %gather3A_1595 {strides = array<i32>} : memref<256xf32, #tpu.memory_space<vmem>>, vector<16xf32>,
    %add3A_1657 = arith.constant 192 : i32
    %add3A_1658 = arith.addi %mul3A_2, %add3A_1657 : i32
    %dma_start3A_1659 = arith.constant 1 : i32
    %dma_start3A_1660 = arith.constant 1 : i32
    %dma_start3A_1661 = arith.constant 0 : i32
    %dma_start3A_1662 = arith.constant 0 : i32
    %dma_start3A_1663 = tpu.memref_slice %arg15[%dma_start3A_1659, %dma_start3A_1661, %dma_start3A_1662] : memref<2x64x512xf32, #tpu.memory_space<vmem>> -> memref<1x64x512xf32, #tpu.memory_space<vmem>>
    %dma_start3A_1664 = tpu.memref_squeeze %dma_start3A_1663 : memref<1x64x512xf32, #tpu.memory_space<vmem>> -> memref<64x512xf32, #tpu.memory_space<vmem>>
    %dma_start3A_1665 = arith.constant 0 : i32
    %dma_start3A_1666 = tpu.memref_slice %arg4[%add3A_1658, %dma_start3A_1665] : memref<8192x512xf32, #tpu.memory_space<hbm>> -> memref<64x512xf32, #tpu.memory_space<hbm>>
    %dma_start3A_1667 = tpu.memref_slice %arg21[%dma_start3A_1660] : memref<2x!tpu.dma_semaphore, #tpu.memory_space<semaphore_mem>> -> memref<1x!tpu.dma_semaphore, #tpu.memory_space<semaphore_mem>>
    %dma_start3A_1668 = tpu.memref_squeeze %dma_start3A_1667 : memref<1x!tpu.dma_semaphore, #tpu.memory_space<semaphore_mem>> -> memref<!tpu.dma_semaphore, #tpu.memory_space<semaphore_mem>>
    %dma_start3A_1669 = arith.constant 0 : i32
    %dma_start3A_1670 = tpu.memref_slice %arg4[%add3A_1658, %dma_start3A_1669] : memref<8192x512xf32, #tpu.memory_space<hbm>> -> memref<64x512xf32, #tpu.memory_space<hbm>>
    %dma_start3A_1671 = arith.constant 0 : i32
    %dma_start3A_1672 = arith.constant 0 : i32
    %dma_start3A_1673 = tpu.memref_slice %arg15[%dma_start3A_1659, %dma_start3A_1671, %dma_start3A_1672] : memref<2x64x512xf32, #tpu.memory_space<vmem>> -> memref<1x64x512xf32, #tpu.memory_space<vmem>>
    %dma_start3A_1674 = tpu.memref_squeeze %dma_start3A_1673 : memref<1x64x512xf32, #tpu.memory_space<vmem>> -> memref<64x512xf32, #tpu.memory_space<vmem>>
    tpu.enqueue_dma source(%dma_start3A_1674 : memref<64x512xf32, #tpu.memory_space<vmem>>) target(%dma_start3A_1670 : memref<64x512xf32, #tpu.memory_space<hbm>>) target_semaphore(%dma_start3A_1668 : memref<!tpu.dma_semaphore, #tpu.memory_space<semaphore_mem>>)
    "tpu.region"() ({
      %run_scoped3A = tpu.sem_alloc : memref<!tpu.dma_semaphore, #tpu.memory_space<semaphore_mem>>
      %dma_start3A_1707 = tpu.memref_slice %arg7[%mul3A_2] : memref<8192xf32, #tpu.memory_space<hbm>> -> memref<256xf32, #tpu.memory_space<hbm>>
      %dma_start3A_1708 = tpu.memref_slice %arg7[%mul3A_2] : memref<8192xf32, #tpu.memory_space<hbm>> -> memref<256xf32, #tpu.memory_space<hbm>>
      tpu.enqueue_dma source(%arg19 : memref<256xf32, #tpu.memory_space<vmem>>) target(%dma_start3A_1708 : memref<256xf32, #tpu.memory_space<hbm>>) target_semaphore(%run_scoped3A : memref<!tpu.dma_semaphore, #tpu.memory_space<semaphore_mem>>)
      %dma_wait3A_1709 = tpu.memref_slice %arg7[%mul3A_2] : memref<8192xf32, #tpu.memory_space<hbm>> -> memref<256xf32, #tpu.memory_space<hbm>>
      %dma_wait3A_1710 = tpu.memref_slice %arg7[%mul3A_2] : memref<8192xf32, #tpu.memory_space<hbm>> -> memref<256xf32, #tpu.memory_space<hbm>>
      tpu.wait_dma2 semaphore(%run_scoped3A : memref<!tpu.dma_semaphore, #tpu.memory_space<semaphore_mem>>) src(%arg19 : memref<256xf32, #tpu.memory_space<vmem>>) dst(%dma_wait3A_1710 : memref<256xf32, #tpu.memory_space<hbm>>)
      tpu.yield
    }) : () -> ()
    "tpu.region"() ({
      %run_scoped3A = tpu.sem_alloc : memref<!tpu.dma_semaphore, #tpu.memory_space<semaphore_mem>>
      %dma_start3A_1707 = tpu.memref_slice %arg5[%mul3A_2] : memref<8192xf32, #tpu.memory_space<hbm>> -> memref<256xf32, #tpu.memory_space<hbm>>
      %dma_start3A_1708 = tpu.memref_slice %arg5[%mul3A_2] : memref<8192xf32, #tpu.memory_space<hbm>> -> memref<256xf32, #tpu.memory_space<hbm>>
      tpu.enqueue_dma source(%arg17 : memref<256xf32, #tpu.memory_space<vmem>>) target(%dma_start3A_1708 : memref<256xf32, #tpu.memory_space<hbm>>) target_semaphore(%run_scoped3A : memref<!tpu.dma_semaphore, #tpu.memory_space<semaphore_mem>>)
      %dma_wait3A_1709 = tpu.memref_slice %arg5[%mul3A_2] : memref<8192xf32, #tpu.memory_space<hbm>> -> memref<256xf32, #tpu.memory_space<hbm>>
      %dma_wait3A_1710 = tpu.memref_slice %arg5[%mul3A_2] : memref<8192xf32, #tpu.memory_space<hbm>> -> memref<256xf32, #tpu.memory_space<hbm>>
      tpu.wait_dma2 semaphore(%run_scoped3A : memref<!tpu.dma_semaphore, #tpu.memory_space<semaphore_mem>>) src(%arg17 : memref<256xf32, #tpu.memory_space<vmem>>) dst(%dma_wait3A_1710 : memref<256xf32, #tpu.memory_space<hbm>>)
      tpu.yield
    }) : () -> ()
    "tpu.region"() ({
      %run_scoped3A = tpu.sem_alloc : memref<!tpu.dma_semaphore, #tpu.memory_space<semaphore_mem>>
      %dma_start3A_1707 = tpu.memref_slice %arg6[%mul3A_2] : memref<8192xf32, #tpu.memory_space<hbm>> -> memref<256xf32, #tpu.memory_space<hbm>>
      %dma_start3A_1708 = tpu.memref_slice %arg6[%mul3A_2] : memref<8192xf32, #tpu.memory_space<hbm>> -> memref<256xf32, #tpu.memory_space<hbm>>
      tpu.enqueue_dma source(%arg18 : memref<256xf32, #tpu.memory_space<vmem>>) target(%dma_start3A_1708 : memref<256xf32, #tpu.memory_space<hbm>>) target_semaphore(%run_scoped3A : memref<!tpu.dma_semaphore, #tpu.memory_space<semaphore_mem>>)
      %dma_wait3A_1709 = tpu.memref_slice %arg6[%mul3A_2] : memref<8192xf32, #tpu.memory_space<hbm>> -> memref<256xf32, #tpu.memory_space<hbm>>
      %dma_wait3A_1710 = tpu.memref_slice %arg6[%mul3A_2] : memref<8192xf32, #tpu.memory_space<hbm>> -> memref<256xf32, #tpu.memory_space<hbm>>
      tpu.wait_dma2 semaphore(%run_scoped3A : memref<!tpu.dma_semaphore, #tpu.memory_space<semaphore_mem>>) src(%arg18 : memref<256xf32, #tpu.memory_space<vmem>>) dst(%dma_wait3A_1710 : memref<256xf32, #tpu.memory_space<hbm>>)
      tpu.yield
    }) : () -> ()
    %dma_wait3A_1675 = arith.constant 0 : i32
    %dma_wait3A_1676 = arith.constant 0 : i32
    %dma_wait3A_1677 = arith.constant 0 : i32
    %dma_wait3A_1678 = arith.constant 0 : i32
    %dma_wait3A_1679 = tpu.memref_slice %arg15[%dma_wait3A_1675, %dma_wait3A_1677, %dma_wait3A_1678] : memref<2x64x512xf32, #tpu.memory_space<vmem>> -> memref<1x64x512xf32, #tpu.memory_space<vmem>>
    %dma_wait3A_1680 = tpu.memref_squeeze %dma_wait3A_1679 : memref<1x64x512xf32, #tpu.memory_space<vmem>> -> memref<64x512xf32, #tpu.memory_space<vmem>>
    %dma_wait3A_1681 = arith.constant 0 : i32
    %dma_wait3A_1682 = tpu.memref_slice %arg4[%add3A_1269, %dma_wait3A_1681] : memref<8192x512xf32, #tpu.memory_space<hbm>> -> memref<64x512xf32, #tpu.memory_space<hbm>>
    %dma_wait3A_1683 = tpu.memref_slice %arg21[%dma_wait3A_1676] : memref<2x!tpu.dma_semaphore, #tpu.memory_space<semaphore_mem>> -> memref<1x!tpu.dma_semaphore, #tpu.memory_space<semaphore_mem>>
    %dma_wait3A_1684 = tpu.memref_squeeze %dma_wait3A_1683 : memref<1x!tpu.dma_semaphore, #tpu.memory_space<semaphore_mem>> -> memref<!tpu.dma_semaphore, #tpu.memory_space<semaphore_mem>>
    %dma_wait3A_1685 = arith.constant 0 : i32
    %dma_wait3A_1686 = tpu.memref_slice %arg4[%add3A_1269, %dma_wait3A_1685] : memref<8192x512xf32, #tpu.memory_space<hbm>> -> memref<64x512xf32, #tpu.memory_space<hbm>>
    %dma_wait3A_1687 = arith.constant 0 : i32
    %dma_wait3A_1688 = arith.constant 0 : i32
    %dma_wait3A_1689 = tpu.memref_slice %arg15[%dma_wait3A_1675, %dma_wait3A_1687, %dma_wait3A_1688] : memref<2x64x512xf32, #tpu.memory_space<vmem>> -> memref<1x64x512xf32, #tpu.memory_space<vmem>>
    %dma_wait3A_1690 = tpu.memref_squeeze %dma_wait3A_1689 : memref<1x64x512xf32, #tpu.memory_space<vmem>> -> memref<64x512xf32, #tpu.memory_space<vmem>>
    tpu.wait_dma2 semaphore(%dma_wait3A_1684 : memref<!tpu.dma_semaphore, #tpu.memory_space<semaphore_mem>>) src(%dma_wait3A_1690 : memref<64x512xf32, #tpu.memory_space<vmem>>) dst(%dma_wait3A_1686 : memref<64x512xf32, #tpu.memory_space<hbm>>)
    %dma_wait3A_1691 = arith.constant 1 : i32
    %dma_wait3A_1692 = arith.constant 1 : i32
    %dma_wait3A_1693 = arith.constant 0 : i32
    %dma_wait3A_1694 = arith.constant 0 : i32
    %dma_wait3A_1695 = tpu.memref_slice %arg15[%dma_wait3A_1691, %dma_wait3A_1693, %dma_wait3A_1694] : memref<2x64x512xf32, #tpu.memory_space<vmem>> -> memref<1x64x512xf32, #tpu.memory_space<vmem>>
    %dma_wait3A_1696 = tpu.memref_squeeze %dma_wait3A_1695 : memref<1x64x512xf32, #tpu.memory_space<vmem>> -> memref<64x512xf32, #tpu.memory_space<vmem>>
    %dma_wait3A_1697 = arith.constant 0 : i32
    %dma_wait3A_1698 = tpu.memref_slice %arg4[%add3A_1658, %dma_wait3A_1697] : memref<8192x512xf32, #tpu.memory_space<hbm>> -> memref<64x512xf32, #tpu.memory_space<hbm>>
    %dma_wait3A_1699 = tpu.memref_slice %arg21[%dma_wait3A_1692] : memref<2x!tpu.dma_semaphore, #tpu.memory_space<semaphore_mem>> -> memref<1x!tpu.dma_semaphore, #tpu.memory_space<semaphore_mem>>
    %dma_wait3A_1700 = tpu.memref_squeeze %dma_wait3A_1699 : memref<1x!tpu.dma_semaphore, #tpu.memory_space<semaphore_mem>> -> memref<!tpu.dma_semaphore, #tpu.memory_space<semaphore_mem>>
    %dma_wait3A_1701 = arith.constant 0 : i32
    %dma_wait3A_1702 = tpu.memref_slice %arg4[%add3A_1658, %dma_wait3A_1701] : memref<8192x512xf32, #tpu.memory_space<hbm>> -> memref<64x512xf32, #tpu.memory_space<hbm>>
    %dma_wait3A_1703 = arith.constant 0 : i32
    %dma_wait3A_1704 = arith.constant 0 : i32
    %dma_wait3A_1705 = tpu.memref_slice %arg15[%dma_wait3A_1691, %dma_wait3A_1703, %dma_wait3A_1704] : memref<2x64x512xf32, #tpu.memory_space<vmem>> -> memref<1x64x512xf32, #tpu.memory_space<vmem>>
    %dma_wait3A_1706 = tpu.memref_squeeze %dma_wait3A_1705 : memref<1x64x512xf32, #tpu.memory_space<vmem>> -> memref<64x512xf32, #tpu.memory_space<vmem>>
    tpu.wait_dma2 semaphore(%dma_wait3A_1700 : memref<!tpu.dma_semaphore, #tpu.memory_space<semaphore_mem>>) src(%dma_wait3A_1706 : memref<64x512xf32, #tpu.memory_space<vmem>>) dst(%dma_wait3A_1702 : memref<64x512xf32, #tpu.memory_space<hbm>>)
    return
  }
}

module attributes {stable_mosaic.version = 14 : i64} {
  func.func @_unpack_body(%arg0: i32, %arg1: memref<4096x512xf32, #tpu.memory_space<vmem>>, %arg2: memref<31x16x4096xf32, #tpu.memory_space<vmem>>) attributes {dimension_semantics = [#tpu.dimension_semantics<arbitrary>], iteration_bounds = array<i64: 2>, scalar_prefetch = 0 : i64, scratch_operands = 0 : i64, tpu.core_type = #tpu.core_type<tc>, window_params = [{transform_indices = @transform_0, window_bounds = array<i64: 4096, 512>}, {transform_indices = @transform_1, window_bounds = array<i64: 31, 16, 4096>}]} {
    %get3A = arith.constant 0 : index
    %get3A_0 = arith.constant 0 : index
    %get3A_1 = vector.load %arg1[%get3A, %get3A_0] : memref<4096x512xf32, #tpu.memory_space<vmem>>, vector<4096x512xf32>
    %slice3A = vector.extract_strided_slice %get3A_1 {offsets = [0, 0], sizes = [4096, 496], strides = [1, 1]} : vector<4096x512xf32> to vector<4096x496xf32>
    %transpose3A = tpu.transpose %slice3A, [1, 0] : vector<4096x496xf32> -> vector<496x4096xf32>
    %reshape3A = vector.shape_cast %transpose3A : vector<496x4096xf32> to vector<31x16x4096xf32>
    %swap3A = arith.constant 0 : index
    %swap3A_2 = arith.constant 0 : index
    %swap3A_3 = arith.constant 0 : index
    %swap3A_4 = vector.load %arg2[%swap3A, %swap3A_2, %swap3A_3] : memref<31x16x4096xf32, #tpu.memory_space<vmem>>, vector<31x16x4096xf32>
    tpu.vector_store %arg2[%swap3A, %swap3A_2, %swap3A_3], %reshape3A {strides = array<i32>} : memref<31x16x4096xf32, #tpu.memory_space<vmem>>, vector<31x16x4096xf32>,
    return
  }
  func.func @transform_0(%arg0: i32) -> (i32, i32) {
    %c0_i32 = arith.constant 0 : i32
    %c0_i32_0 = arith.constant 0 : i32
    return %arg0, %c0_i32 : i32, i32
  }
  func.func @transform_1(%arg0: i32) -> (i32, i32, i32) {
    %c0_i32 = arith.constant 0 : i32
    %c0_i32_0 = arith.constant 0 : i32
    %c0_i32_1 = arith.constant 0 : i32
    return %c0_i32, %c0_i32_0, %arg0 : i32, i32, i32
  }
}

module attributes {stable_mosaic.version = 14 : i64} {
  func.func @_build_body(%arg0: i32, %arg1: memref<31x16x4096xf32, #tpu.memory_space<vmem>>, %arg2: memref<2x4096xf32, #tpu.memory_space<vmem>>, %arg3: memref<8x4096xi32, #tpu.memory_space<vmem>>, %arg4: memref<4096x512xf32, #tpu.memory_space<vmem>>) attributes {dimension_semantics = [#tpu.dimension_semantics<arbitrary>], iteration_bounds = array<i64: 13>, scalar_prefetch = 0 : i64, scratch_operands = 0 : i64, tpu.core_type = #tpu.core_type<tc>, window_params = [{transform_indices = @transform_0, window_bounds = array<i64: 31, 16, 4096>}, {transform_indices = @transform_1, window_bounds = array<i64: 2, 4096>}, {transform_indices = @transform_2, window_bounds = array<i64: 8, 4096>}, {transform_indices = @transform_3, window_bounds = array<i64: 4096, 512>}]} {
    %get3A = arith.constant 0 : index
    %get3A_0 = arith.constant 0 : index
    %get3A_1 = arith.constant 0 : index
    %get3A_2 = vector.load %arg1[%get3A, %get3A_0, %get3A_1] : memref<31x16x4096xf32, #tpu.memory_space<vmem>>, vector<31x16x4096xf32>
    %reshape3A = vector.shape_cast %get3A_2 : vector<31x16x4096xf32> to vector<496x4096xf32>
    %get3A_3 = arith.constant 0 : index
    %get3A_4 = arith.constant 0 : index
    %get3A_5 = vector.load %arg2[%get3A_3, %get3A_4] : memref<2x4096xf32, #tpu.memory_space<vmem>>, vector<2x4096xf32>
    %get3A_6 = arith.constant 0 : index
    %get3A_7 = arith.constant 0 : index
    %get3A_8 = vector.load %arg3[%get3A_6, %get3A_7] : memref<8x4096xi32, #tpu.memory_space<vmem>>, vector<1x4096xi32>
    %convert_element_type3A = arith.sitofp %get3A_8 : vector<1x4096xi32> to vector<1x4096xf32>
    %broadcast_in_dim3A = arith.constant 0.000000e+00 : f32
    %broadcast_in_dim3A_9 = vector.broadcast %broadcast_in_dim3A : f32 to vector<5x4096xf32>
    %concatenate3A = tpu.concatenate %reshape3A, %get3A_5, %convert_element_type3A, %broadcast_in_dim3A_9 in 0 : vector<496x4096xf32>, vector<2x4096xf32>, vector<1x4096xf32>, vector<5x4096xf32> -> vector<504x4096xf32>
    %transpose3A = tpu.transpose %concatenate3A, [1, 0] : vector<504x4096xf32> -> vector<4096x504xf32>
    %swap3A = arith.constant 0 : index
    %swap3A_10 = arith.constant 0 : index
    %swap3A_11 = vector.load %arg4[%swap3A, %swap3A_10] : memref<4096x512xf32, #tpu.memory_space<vmem>>, vector<4096x504xf32>
    tpu.vector_store %arg4[%swap3A, %swap3A_10], %transpose3A {strides = array<i32>} : memref<4096x512xf32, #tpu.memory_space<vmem>>, vector<4096x504xf32>,
    %broadcast_in_dim3A_12 = arith.constant 0.000000e+00 : f32
    %broadcast_in_dim3A_13 = vector.broadcast %broadcast_in_dim3A_12 : f32 to vector<4096x8xf32>
    %swap3A_14 = arith.constant 0 : index
    %swap3A_15 = arith.constant 504 : index
    %swap3A_16 = vector.load %arg4[%swap3A_14, %swap3A_15] : memref<4096x512xf32, #tpu.memory_space<vmem>>, vector<4096x8xf32>
    tpu.vector_store %arg4[%swap3A_14, %swap3A_15], %broadcast_in_dim3A_13 {strides = array<i32>} : memref<4096x512xf32, #tpu.memory_space<vmem>>, vector<4096x8xf32>,
    return
  }
  func.func @transform_0(%arg0: i32) -> (i32, i32, i32) {
    %c0_i32 = arith.constant 0 : i32
    %c0_i32_0 = arith.constant 0 : i32
    %c0_i32_1 = arith.constant 0 : i32
    return %c0_i32, %c0_i32_0, %arg0 : i32, i32, i32
  }
  func.func @transform_1(%arg0: i32) -> (i32, i32) {
    %c0_i32 = arith.constant 0 : i32
    %c0_i32_0 = arith.constant 0 : i32
    return %c0_i32, %arg0 : i32, i32
  }
  func.func @transform_2(%arg0: i32) -> (i32, i32) {
    %c0_i32 = arith.constant 0 : i32
    %c0_i32_0 = arith.constant 0 : i32
    return %c0_i32, %arg0 : i32, i32
  }
  func.func @transform_3(%arg0: i32) -> (i32, i32) {
    %c0_i32 = arith.constant 0 : i32
    %c0_i32_0 = arith.constant 0 : i32
    return %arg0, %c0_i32 : i32, i32
  }
}

</mosaic_0001>

<sc_bundles>
// kernel: kernel.5.cloned.1.call-start
scs
__scs_entry_jumppad:
0x0: {  	(pc) =	sbr.rel $0x88, $3  }
0x1: {  	(tag) =	ssettag $0x0;
	lr =	simm.s32 $0x1  }
0x2: {  	[smem:$0x3F9D] =	sst lr;
	_ =	strace $0xD0000000  }
0x3: {  	_ = 	snop  }
0x4: {  	_ = 	snop  }
0x5: {  	_ = 	snop  }
0x6: {  	_ = 	snop  }
0x7: {  	_ = 	snop  }
__scs_overlays_trampoline_lowered:
0x8: {  	[smem:$0x3FAC] =	sst s0  }
0x9: {  	[smem:$0x3FAD] =	sst s1  }
0xa: {  	[smem:$0x3FAE] =	sst s2  }
0xb: {  	[smem:$0x3FAF] =	sst s3  }
0xc: {  	[smem:$0x3FB0] =	sst s4  }
0xd: {  	[smem:$0x3FB1] =	sst s5  }
0xe: {  	[smem:$0x3FB2] =	sst s6  }
0xf: {  	[smem:$0x3FB3] =	sst s7  }
0x10: {  	[smem:$0x3FB4] =	sst s8  }
0x11: {  	[smem:$0x3FB5] =	sst s9;
	s0 =	simm.s32 @!p0 $0x0  }
0x12: {  	s1 =	sld [smem:$0x3F9B];
	s0 =	simm.s32 @p0 $0x1  }
0x13: {  	[smem:$0x3FB6] =	sst s0;
	s0 =	simm.s32 @!p1 $0x0  }
0x14: {  	s2 =	sld [smem:$0x3F9A];
	s0 =	simm.s32 @p1 $0x1  }
0x15: {  	[smem:$0x3FB7] =	sst s0;
	s0 =	simm.s32 @!p2 $0x0  }
0x16: {  	s3 =	sld [smem:$0x3FDB];
	s0 =	simm.s32 @p2 $0x1  }
0x17: {  	s4 =	simm.s32 $0x1BF5;
	[smem:$0x3FB9] =	sst s0  }
0x18: {  	s0 =	sld [smem:$0x3F9C];
	_ =	swait.ge [sflag:s4], $0x0  }
0x19: {  	s7 =	sld [smem:$0x3F9D]  }
0x1a: {  	s8 =	sadd.s32 $0xFFFFE003, lr  }
0x1b: {  	s9 =	sadd.s32 $0xFFFFFEF7, lr;
	s5 =	simm.s32 $0xFFFFFFFF;
	p2 =	slt.u32 s8, $0xFFFFF086  }
0x1c: {  	p1 =	slt.u32 s9, $0xF7A;
	s5 =	simm.s32 @!p2 $0x0  }
0x1d: {  	s5 =	simm.s32 @p1 $0x1;
	p0 =	seq.s32 s7, s2  }
0x1e: {  	s7 =	smul.u32 @!p0 $0xF7A, s2;
	p2 =	seq.s32 @!p0 s5, $0x0  }
0x1f: {  	s9 =	smul.u32 $0xF7A, s1;
	s8 =	simm.s32 @!p0 $0x1BF5;
	p2 =	por !p2, p0  }
0x20: {  	[sflag:s8] =	ssyncset.s32 @!p0 $0xFFFFF086;
	s6 =	sadd.s32 @!p0 s3, s7;
	s7 =	simm.s32 @!p0 $0x108  }
0x21: {  	s3 =	sadd.s32 s3, s9;
	s6 =	sadd.s32 @!p0 $0x88, s6;
	s7 =	simm.s32 @p2 $0x1082  }
0x22: {  	[simem:s7], [sflag:s8] =	dma.local @!p0 [hbm:s6], $0xF7A  }
0x23: {  	s9 =	sor.u32 $0xD0000000, s2;
	s6 =	simm.s32 $0x108;
	_ =	swait.ge @!p0 [sflag:s8], $0x0  }
0x24: {  	s3 =	sadd.s32 $0x88, s3;
	s6 =	simm.s32 @!p1 $0x1082;
	[sflag:s4] =	ssyncset.s32 $0xFFFFF086  }
0x25: {  	[simem:s6], [sflag:s4] =	dma.local [hbm:s3], $0xF7A  }
0x26: {  	[smem:$0x3F9D] =	sst s1;
	(tag) =	ssettag s2;
	_ =	strace s9  }
0x27: {  	s1 =	sld [smem:$0x3FAD]  }
0x28: {  	s2 =	sld [smem:$0x3FAE]  }
0x29: {  	s4 =	sld [smem:$0x3FB0]  }
0x2a: {  	p0 =	seq.s32 s5, $0x0;
	s5 =	sld [smem:$0x3FB1]  }
0x2b: {  	s6 =	sld [smem:$0x3FB2]  }
0x2c: {  	s7 =	sld [smem:$0x3FB3]  }
0x2d: {  	s3 =	simm.s32 $0x108;
	s8 =	sld [smem:$0x3FB4]  }
0x2e: {  	s3 =	simm.s32 @!p0 $0x1082;
	s9 =	sld [smem:$0x3FB5]  }
0x2f: {  	lr =	sadd.s32 s0, s3;
	s0 =	sld [smem:$0x3FAC]  }
0x30: {  	s3 =	sld [smem:$0x3FAF]  }
0x31: {  	[smem:$0x3FB8] =	sst s10  }
0x32: {  	s10 =	sld [smem:$0x3FB6];
	_ =	sdelay $0x3  }
0x33: {  	p0 =	seq.s32 s10, $0x1;
	s10 =	sld [smem:$0x3FB8];
	_ =	sdelay $0x3  }
0x34: {  	[smem:$0x3FB8] =	sst s10  }
0x35: {  	s10 =	sld [smem:$0x3FB7];
	_ =	sdelay $0x3  }
0x36: {  	p1 =	seq.s32 s10, $0x1;
	s10 =	sld [smem:$0x3FB8];
	_ =	sdelay $0x3  }
0x37: {  	[smem:$0x3FB8] =	sst s10  }
0x38: {  	s10 =	sld [smem:$0x3FB9]  }
0x39: {  	_ = 	snop;
	(pc) =	sbr.ind lr, $3  }
0x3a: {  	_ = 	snop  }
0x3b: {  	_ = 	snop  }
0x3c: {  	p2 =	seq.s32 s10, $0x1;
	s10 =	sld [smem:$0x3FB8]  }
0x3d: {  	_ =	shalt  }
0x3e: {  	_ =	shalt  }
0x3f: {  	_ =	shalt  }
0x40: {  	_ =	shalt  }
0x41: {  	_ =	shalt  }
0x42: {  	_ =	shalt  }
0x43: {  	_ =	shalt  }
0x44: {  	_ =	shalt  }
0x45: {  	_ =	shalt  }
0x46: {  	_ =	shalt  }
0x47: {  	_ =	shalt  }
0x48: {  	_ =	shalt  }
0x49: {  	_ =	shalt  }
0x4a: {  	_ =	shalt  }
0x4b: {  	_ =	shalt  }
0x4c: {  	_ =	shalt  }
0x4d: {  	_ =	shalt  }
0x4e: {  	_ =	shalt  }
0x4f: {  	_ =	shalt  }
0x50: {  	_ =	shalt  }
0x51: {  	_ =	shalt  }
0x52: {  	_ =	shalt  }
0x53: {  	_ =	shalt  }
0x54: {  	_ =	shalt  }
0x55: {  	_ =	shalt  }
0x56: {  	_ =	shalt  }
0x57: {  	_ =	shalt  }
0x58: {  	_ =	shalt  }
0x59: {  	_ =	shalt  }
0x5a: {  	_ =	shalt  }
0x5b: {  	_ =	shalt  }
0x5c: {  	_ =	shalt  }
0x5d: {  	_ =	shalt  }
0x5e: {  	_ =	shalt  }
0x5f: {  	_ =	shalt  }
0x60: {  	_ =	shalt  }
0x61: {  	_ =	shalt  }
0x62: {  	_ =	shalt  }
0x63: {  	_ =	shalt  }
0x64: {  	_ =	shalt  }
0x65: {  	_ =	shalt  }
0x66: {  	_ =	shalt  }
0x67: {  	_ =	shalt  }
0x68: {  	_ =	shalt  }
0x69: {  	_ =	shalt  }
0x6a: {  	_ =	shalt  }
0x6b: {  	_ =	shalt  }
0x6c: {  	_ =	shalt  }
0x6d: {  	_ =	shalt  }
0x6e: {  	_ =	shalt  }
0x6f: {  	_ =	shalt  }
0x70: {  	_ =	shalt  }
0x71: {  	_ =	shalt  }
0x72: {  	_ =	shalt  }
0x73: {  	_ =	shalt  }
0x74: {  	_ =	shalt  }
0x75: {  	_ =	shalt  }
0x76: {  	_ =	shalt  }
0x77: {  	_ =	shalt  }
0x78: {  	_ =	shalt  }
0x79: {  	_ =	shalt  }
0x7a: {  	_ =	shalt  }
0x7b: {  	_ =	shalt  }
0x7c: {  	_ =	shalt  }
0x7d: {  	_ =	shalt  }
0x7e: {  	_ =	shalt  }
0x7f: {  	_ =	shalt  }
0x80: {  	_ =	shalt  }
0x81: {  	_ =	shalt  }
0x82: {  	_ =	shalt  }
0x83: {  	_ =	shalt  }
0x84: {  	_ =	shalt  }
0x85: {  	_ =	shalt  }
0x86: {  	_ =	shalt  }
0x87: {  	_ =	shalt  }
.Lfunc_end0:
.L_simem_size_0:
called_computation_lowered:
.L_overlay_start_0:
0x88: {  	s2 =	sld [smem:$0x3FD9]  }
0x89: {  	s3 =	sld [smem:$0x3FFE];
	_ =	sdelay $0x1  }
0x8a: {  	s1 =	srdreg.scid  }
0x8b: {  	s0 =	sand.u32 $0x1, s1  }
0x8c: {  	s14 =	sshll.u32 s0, $0xA;
	s2 =	sadd.s32 s3, s2  }
0x8d: {  	s2 =	sadd.s32 s2, s14  }
0x8e: {  	[smem:$0x3FC4] =	sst s2  }
0x8f: {  	_ = 	snop  }
0x90: {  	s2 =	sld [smem:$0x3FD0];
	_ =	sdelay $0x2  }
0x91: {  	s4 =	simm.s32 $0xA;
	s5 =	simm.s32 $0x10;
	s15 =	sld [smem:$0x3FC6]  }
0x92: {  	[smem:s5], [sflag:s4] =	dma.local [hbm:s2], $0x1  }
0x93: {  	_ =	swait.eq [sflag:s4], $0x1  }
0x94: {  	[sflag:s4] =	ssyncset.done $0x0  }
0x95: {  	s16 =	sld [smem:$0x10];
	[sflag:s4] =	ssyncadd.s32 $0xFFFFFFFF  }
0x96: {  	s17 =	sld [smem:$0x12];
	(tm) =	ssettm $0x1  }
0x97: {  	s18 =	sld [smem:$0x3FFB];
	_ =	sdelay $0x3  }
0x98: {  	_ =	strace s18  }
0x99: {  	s5 =	sld [smem:$0x3FFC];
	_ =	sdelay $0x3  }
0x9a: {  	_ =	strace s5  }
0x9b: {  	s5 =	sld [smem:$0x3FFD];
	_ =	sdelay $0x3  }
0x9c: {  	_ =	strace s5  }
0x9d: {  	_ =	strace $0x8FFFFFFF  }
0x9e: {  	s19 =	sld [smem:$0x3FDB];
	_ =	sdelay $0x1  }
0x9f: {  	s6 =	simm.s32 $_scs_section_size  }
0xa0: {  	s7 =	simm.s32 $_size__tile_overlayer_lowered;
	s8 =	simm.s32 $_tile_overlayer_lowered  }
0xa1: {  	s22 =	simm.s32 $0x1BFF;
	s21 =	sshll.u32 s8, $0x1;
	s5 =	sadd.s32 s6, s19  }
0xa2: {  	s9 =	simm.s32 $0x0;
	s20 =	sshll.u32 s7, $0x1;
	s7 =	sadd.s32 s21, s5  }
0xa3: {  	[timem:s9], [sflag:s22] =	dma.local [hbm:s7], s20  }
0xa4: {  	_ =	swait.ge [sflag:s22], s20  }
0xa5: {  	s6 =	ssub.s32 $0x0, s20;
	[sflag:s22] =	ssyncset.done $0x0  }
0xa6: {  	[sflag:s22] =	ssyncadd.s32 s6;
	_ =	sdelay $0x1  }
0xa7: {  	s23 =	simm.s32 $0x1B8B  }
0xa8: {  	_ =	swait.ge [sflag:s23], $0x1  }
0xa9: {  	[sflag:s23] =	ssyncset.done $0x0  }
0xaa: {  	s25 =	simm.s32 $0x1B8E;
	s24 =	sld [smem:$0x3FFE];
	[sflag:s23] =	ssyncadd.s32 $0xFFFFFFFF  }
0xab: {  	s26 =	simm.s32 $execute0_lowered;
	[smem:$0x3FD2] =	sst s25  }
0xac: {  	s7 =	sshll.u32 s26, $0x1;
	_ =	strace $0x80000046;
	[dreg:$0x1] =	wrdreg $0xFFFFFFFF  }
0xad: {  	s28 =	simm.s32 $_size_execute0_lowered;
	s5 =	sadd.s32 s5, s7;
	[dreg:$0x0] =	wrdreg $0x0  }
0xae: {  	s7 =	sshll.u32 s28, $0x1;
	[dreg:$0x2] =	wrdreg s5  }
0xaf: {  	[dreg:$0x3] =	wrdreg s7  }
0xb0: {  	[dreg:$0x4] =	wrdreg $0xC0  }
0xb1: {  	_ =	task [dreg:s9], $0x5FFFF  }
0xb2: {  	[dreg:$0x1] =	wrdreg $0xFFFFFFFF  }
0xb3: {  	[dreg:$0x0] =	wrdreg $0x60  }
0xb4: {  	[dreg:$0x2] =	wrdreg s24  }
0xb5: {  	[dreg:$0x3] =	wrdreg s15  }
0xb6: {  	[dreg:$0x4] =	wrdreg s16  }
0xb7: {  	[dreg:$0x5] =	wrdreg s17  }
0xb8: {  	[dreg:$0x6] =	wrdreg $0x9  }
0xb9: {  	_ =	task.clear_ibuf [dreg:s9], $0x7FFFF;
	_ =	strace $0x90000046  }
0xba: {  	s29 =	simm.s32 $0x9;
	_ =	strace $0x80000048  }
0xbb: {  	_ =	swait.ge [sflag:s29], $0x1  }
0xbc: {  	[sflag:s29] =	ssyncadd.s32 $0xFFFFFFFF  }
0xbd: {  	_ =	strace $0x90000048  }
0xbe: {  	_ =	sfence  }
0xbf: {  	s30 =	sld [smem:$0x0];
	_ =	sdelay $0x2  }
0xc0: {  	s31 =	sshll.u32 s1, $0xD;
	s1 =	sshrl.u32 s1, $0x2  }
0xc1: {  	s3 =	sand.u32 $0x4000, s31;
	s1 =	sadd.s32 s1, s30  }
0xc2: {  	s0 =	sor.u32 s3, s0;
	s1 =	sshll.u32 s1, $0x11  }
0xc3: {  	s0 =	sor.u32 s1, s0  }
0xc4: {  	s0 =	sadd.s32 $0x8F2B, s0  }
0xc5: {  	[sflag:s0] =	ssyncadd.remote.s32 $0x1  }
0xc6: {  	_ =	sfence.sel $0xFFFF  }
0xc7: {  	[dreg:$0x0] =	wrdreg $0xFFFFFFFF;
	(pc) =	sbr.abs _section_cstart, $3  }
0xc8: {  	[dreg:$0x1] =	wrdreg $0xFFFFFFFF  }
0xc9: {  	_ =	task.clear_ibuf [dreg:s9], $0x2FFFF;
	_ =	strace $0x9FFFFFFF  }
0xca: {  	(tm) =	ssettm $0x7FFFFFFF  }
0xcb: {  	_ =	shalt  }
tec
execute0_lowered:
.L_overlay_start_1:
0x0: {  	(tag) =	ssettag $0x1  }
0x1: {  	v0 =	vimm.s32 $0x13121514;
	v1 =	vimm.s32 $0x17161918  }
0x2: {  	vm0 =	vcmask $0x1700;
	v2 =	vimm.s32 $0x1B1A1D1C;
	v4 =	vlaneseq.u32  }
0x3: {  	vm1 =	vcmask $0x3B38;
	v6 =	vimm.s32 $0x1FF0;
	vm15 =	vcmask $0x300  }
0x4: {  	vm14 =	vcmask $0x704;
	vm12 =	vcmask $0xB08;
	vm13 =	vcmask $0xF0C  }
0x5: {  	vm11 =	vcmask $0x1310;
	vm10 =	vcmask $0x1714;
	vm9 =	vcmask $0x1B18  }
0x6: {  	v7 =	vimm.s32 $0x1FF1;
	v8 =	vimm.s32 $0x1FF2;
	vm2 =	vcmask $0x1F1C  }
0x7: {  	vm3 =	vcmask $0x2320;
	vm4 =	vcmask $0x2724;
	vm5 =	vcmask $0x2B28  }
0x8: {  	vm6 =	vcmask $0x2F2C;
	vm7 =	vcmask $0x3330;
	vm8 =	vcmask $0x3734  }
0x9: {  	v9 =	vimm.s32 $0x3FF2;
	v10 =	vimm.s32 $0x5FF2;
	v11 =	vimm.s32 $0x7FF2  }
0xa: {  	v12 =	vimm.s32 $0x3FF0;
	v13 =	vimm.s32 $0x3FF1;
	v14 =	vimm.s32 $0x5FF0  }
0xb: {  	v15 =	vimm.s32 $0x5FF1;
	v16 =	vimm.s32 $0x7FF0;
	v17 =	vimm.s32 $0x7FF1  }
0xc: {  	v0 =	vunpack.c.0.s8.s32 v0;
	v1 =	vunpack.c.0.s8.s32 v1;
	v2 =	vunpack.c.0.s8.s32 v2  }
0xd: {  	v6 =	vsel vm15, $0xC70, v6;
	v7 =	vsel vm15, $0xC71, v7;
	v8 =	vsel vm15, $0xC72, v8  }
0xe: {  	v9 =	vsel vm15, $0x2C72, v9;
	v10 =	vsel vm15, $0x4C72, v10;
	v11 =	vsel vm15, $0x6C72, v11  }
0xf: {  	v12 =	vsel vm15, $0x2C70, v12;
	v13 =	vsel vm15, $0x2C71, v13;
	v14 =	vsel vm15, $0x4C70, v14  }
0x10: {  	v15 =	vsel vm15, $0x4C71, v15;
	v16 =	vsel vm15, $0x6C70, v16;
	v17 =	vsel vm15, $0x6C71, v17  }
0x11: {  	v6 =	vsel vm14, $0xCF0, v6;
	v7 =	vsel vm14, $0xCF1, v7;
	v8 =	vsel vm14, $0xCF2, v8  }
0x12: {  	v9 =	vsel vm14, $0x2CF2, v9;
	v10 =	vsel vm14, $0x4CF2, v10;
	v11 =	vsel vm14, $0x6CF2, v11  }
0x13: {  	v12 =	vsel vm14, $0x2CF0, v12;
	v13 =	vsel vm14, $0x2CF1, v13;
	v14 =	vsel vm14, $0x4CF0, v14  }
0x14: {  	v15 =	vsel vm14, $0x4CF1, v15;
	v16 =	vsel vm14, $0x6CF0, v16;
	v17 =	vsel vm14, $0x6CF1, v17  }
0x15: {  	v0 =	vnsel vm0, $0x1F, v0;
	vm0 =	vcmask $0x2718;
	v6 =	vsel vm12, $0xD70, v6  }
0x16: {  	v7 =	vsel vm12, $0xD71, v7;
	v8 =	vsel vm12, $0xD72, v8;
	v9 =	vsel vm12, $0x2D72, v9  }
0x17: {  	v10 =	vsel vm12, $0x4D72, v10;
	v11 =	vsel vm12, $0x6D72, v11;
	v12 =	vsel vm12, $0x2D70, v12  }
0x18: {  	v13 =	vsel vm12, $0x2D71, v13;
	v14 =	vsel vm12, $0x4D70, v14;
	v15 =	vsel vm12, $0x4D71, v15  }
0x19: {  	v16 =	vsel vm12, $0x6D70, v16;
	v17 =	vsel vm12, $0x6D71, v17;
	v0 =	vsel vm0, v1, v0  }
0x1a: {  	vm0 =	vcmask $0x3728;
	v1 =	vmul.u32 $0x4, v4;
	v6 =	vsel vm13, $0xDF0, v6  }
0x1b: {  	v7 =	vsel vm13, $0xDF1, v7;
	v8 =	vsel vm13, $0xDF2, v8;
	v9 =	vsel vm13, $0x2DF2, v9  }
0x1c: {  	v10 =	vsel vm13, $0x4DF2, v10;
	v11 =	vsel vm13, $0x6DF2, v11;
	v12 =	vsel vm13, $0x2DF0, v12  }
0x1d: {  	v13 =	vsel vm13, $0x2DF1, v13;
	v14 =	vsel vm13, $0x4DF0, v14;
	v15 =	vsel vm13, $0x4DF1, v15  }
0x1e: {  	v16 =	vsel vm13, $0x6DF0, v16;
	v17 =	vsel vm13, $0x6DF1, v17;
	v0 =	vsel vm0, v2, v0  }
0x1f: {  	vm0 =	vmmov $0x3;
	v6 =	vsel vm11, $0xE70, v6;
	v7 =	vsel vm11, $0xE71, v7  }
0x20: {  	v8 =	vsel vm11, $0xE72, v8;
	v9 =	vsel vm11, $0x2E72, v9;
	v10 =	vsel vm11, $0x4E72, v10  }
0x21: {  	v11 =	vsel vm11, $0x6E72, v11;
	v12 =	vsel vm11, $0x2E70, v12;
	v13 =	vsel vm11, $0x2E71, v13  }
0x22: {  	v14 =	vsel vm11, $0x4E70, v14;
	v15 =	vsel vm11, $0x4E71, v15;
	v16 =	vsel vm11, $0x6E70, v16  }
0x23: {  	v17 =	vsel vm11, $0x6E71, v17;
	v0 =	vsel vm1, $0x1E, v0;
	v1 =	vor.u32 $0x1, v1  }
0x24: {  	s0 =	srdreg.scid;
	s1 =	stileid.u32;
	v6 =	vsel vm10, $0xEF0, v6;
	v7 =	vsel vm10, $0xEF1, v7;
	v8 =	vsel vm10, $0xEF2, v8  }
0x25: {  	s0 =	sand.u32 $0x1, s0;
	s1 =	sshll.u32 s1, $0x1;
	v9 =	vsel vm10, $0x2EF2, v9;
	v10 =	vsel vm10, $0x4EF2, v10;
	v11 =	vsel vm10, $0x6EF2, v11  }
0x26: {  	s1 =	sor.u32 s0, s1;
	v12 =	vsel vm10, $0x2EF0, v12;
	v13 =	vsel vm10, $0x2EF1, v13;
	v14 =	vsel vm10, $0x4EF0, v14  }
0x27: {  	s2 =	sshll.u32 s1, $0x4;
	v15 =	vsel vm10, $0x4EF1, v15;
	v16 =	vsel vm10, $0x6EF0, v16;
	v17 =	vsel vm10, $0x6EF1, v17  }
0x28: {  	v0 =	vadd.s32 s2, v0;
	v6 =	vsel vm9, $0xF70, v6;
	v7 =	vsel vm9, $0xF71, v7  }
0x29: {  	v8 =	vsel vm9, $0xF72, v8;
	v9 =	vsel vm9, $0x2F72, v9;
	v10 =	vsel vm9, $0x4F72, v10  }
0x2a: {  	v11 =	vsel vm9, $0x6F72, v11;
	v12 =	vsel vm9, $0x2F70, v12;
	v13 =	vsel vm9, $0x2F71, v13  }
0x2b: {  	v14 =	vsel vm9, $0x4F70, v14;
	v15 =	vsel vm9, $0x4F71, v15;
	v16 =	vsel vm9, $0x6F70, v16  }
0x2c: {  	v17 =	vsel vm9, $0x6F71, v17;
	v0 =	vsel vm0, v1, v0;
	vm0 =	vmmov $0xffff  }
0x2d: {  	v6 =	vsel vm2, $0xFF0, v6;
	v7 =	vsel vm2, $0xFF1, v7;
	v8 =	vsel vm2, $0xFF2, v8  }
0x2e: {  	v9 =	vsel vm2, $0x2FF2, v9;
	v10 =	vsel vm2, $0x4FF2, v10;
	v11 =	vsel vm2, $0x6FF2, v11  }
0x2f: {  	v12 =	vsel vm2, $0x2FF0, v12;
	v13 =	vsel vm2, $0x2FF1, v13;
	v14 =	vsel vm2, $0x4FF0, v14  }
0x30: {  	v15 =	vsel vm2, $0x4FF1, v15;
	v16 =	vsel vm2, $0x6FF0, v16;
	v17 =	vsel vm2, $0x6FF1, v17  }
0x31: {  	v1 =	vshll.u32 v0, $0x2;
	v2 =	vand.u32 $0x7, v0;
	v6 =	vsel vm3, $0x1C70, v6  }
0x32: {  	v7 =	vsel vm3, $0x1C71, v7;
	v8 =	vsel vm3, $0x1C72, v8;
	v9 =	vsel vm3, $0x3C72, v9  }
0x33: {  	v10 =	vsel vm3, $0x5C72, v10;
	v11 =	vsel vm3, $0x7C72, v11;
	v12 =	vsel vm3, $0x3C70, v12  }
0x34: {  	v13 =	vsel vm3, $0x3C71, v13;
	v14 =	vsel vm3, $0x5C70, v14;
	v15 =	vsel vm3, $0x5C71, v15  }
0x35: {  	v16 =	vsel vm3, $0x7C70, v16;
	v17 =	vsel vm3, $0x7C71, v17;
	v1 =	vand.u32 $0xFFFFFFE0, v1  }
0x36: {  	v6 =	vsel vm4, $0x1CF0, v6;
	v7 =	vsel vm4, $0x1CF1, v7;
	v8 =	vsel vm4, $0x1CF2, v8  }
0x37: {  	v9 =	vsel vm4, $0x3CF2, v9;
	v10 =	vsel vm4, $0x5CF2, v10;
	v11 =	vsel vm4, $0x7CF2, v11  }
0x38: {  	v12 =	vsel vm4, $0x3CF0, v12;
	v13 =	vsel vm4, $0x3CF1, v13;
	v14 =	vsel vm4, $0x5CF0, v14  }
0x39: {  	v15 =	vsel vm4, $0x5CF1, v15;
	v16 =	vsel vm4, $0x7CF0, v16;
	v17 =	vsel vm4, $0x7CF1, v17  }
0x3a: {  	s4 =	rddreg [dreg:$0x0];
	v5 =	vor.u32 v2, v1;
	v1 =	vand.u32 $0x7, v4;
	v2 =	vshrl.u32 v4, $0x3  }
0x3b: {  	s3 =	rddreg [dreg:$0x1];
	v4 =	vor.u32 $0x8, v4;
	v6 =	vsel vm5, $0x1D70, v6;
	v7 =	vsel vm5, $0x1D71, v7  }
0x3c: {  	s5 =	rddreg [dreg:$0x2];
	v8 =	vsel vm5, $0x1D72, v8;
	v9 =	vsel vm5, $0x3D72, v9;
	v10 =	vsel vm5, $0x5D72, v10  }
0x3d: {  	s6 =	rddreg [dreg:$0x3];
	v11 =	vsel vm5, $0x7D72, v11;
	v12 =	vsel vm5, $0x3D70, v12;
	v13 =	vsel vm5, $0x3D71, v13  }
0x3e: {  	s7 =	sshll.u32 s1, $0xE;
	s1 =	sshll.u32 s1, $0x5;
	s2 =	simm.s32 $0x0;
	v14 =	vsel vm5, $0x5D70, v14;
	v15 =	vsel vm5, $0x5D71, v15;
	v16 =	vsel vm5, $0x7D70, v16  }
0x3f: {  	s7 =	sadd.s32 s7, s4;
	s3 =	sadd.s32 s3, s1;
	[smem:$0x7FF] =	sst s2;
	v17 =	vsel vm5, $0x7D71, v17;
	v3 =	vperm.xlane v5, v1;
	v2 =	vmul.u32 $0x8, v2  }
0x40: {  	s16 =	sadd.s32 $0x30E600, s7;
	_ =	strace $0x80000047;
	[dreg:$0x5] =	wrdreg s3;
	v5 =	vperm.xlane v5, v4;
	v6 =	vsel vm6, $0x1DF0, v6;
	v7 =	vsel vm6, $0x1DF1, v7  }
0x41: {  	s17 =	sadd.s32 $0x30F600, s7;
	[dreg:$0x6] =	wrdreg s16;
	v8 =	vsel vm6, $0x1DF2, v8;
	v9 =	vsel vm6, $0x3DF2, v9;
	v10 =	vsel vm6, $0x5DF2, v10  }
0x42: {  	s21 =	simm.s32 $0xB00;
	s8 =	sadd.s32 $0x310600, s7;
	[dreg:$0x7] =	wrdreg s17;
	v11 =	vsel vm6, $0x7DF2, v11;
	v12 =	vsel vm6, $0x3DF0, v12;
	v13 =	vsel vm6, $0x3DF1, v13  }
0x43: {  	s22 =	simm.s32 $0x1300;
	s7 =	sadd.s32 $0x311600, s7;
	[dreg:$0x8] =	wrdreg s8;
	v14 =	vsel vm6, $0x5DF0, v14;
	v15 =	vsel vm6, $0x5DF1, v15;
	v16 =	vsel vm6, $0x7DF0, v16  }
0x44: {  	s23 =	simm.s32 $0x1B00;
	s6 =	sadd.s32 s6, s1;
	[dreg:$0x9] =	wrdreg s7;
	v17 =	vsel vm6, $0x7DF1, v17;
	v6 =	vsel vm7, $0x1E70, v6;
	v7 =	vsel vm7, $0x1E71, v7  }
0x45: {  	s18 =	sadd.s32 s1, s4;
	s1 =	sadd.s32 s5, s1;
	[dreg:$0xa] =	wrdreg s6;
	v8 =	vsel vm7, $0x1E72, v8;
	v9 =	vsel vm7, $0x3E72, v9;
	v10 =	vsel vm7, $0x5E72, v10  }
0x46: {  	s24 =	simm.s32 $0x2B00;
	s20 =	sadd.s32 $0x38E600, s18;
	[dreg:$0xb] =	wrdreg s1;
	v11 =	vsel vm7, $0x7E72, v11;
	v12 =	vsel vm7, $0x3E70, v12;
	v13 =	vsel vm7, $0x3E71, v13  }
0x47: {  	s25 =	simm.s32 $0x3300;
	s26 =	simm.s32 $0x3B00;
	[dreg:$0xc] =	wrdreg s20;
	v14 =	vsel vm7, $0x5E70, v14;
	v15 =	vsel vm7, $0x5E71, v15;
	v16 =	vsel vm7, $0x7E70, v16  }
0x48: {  	s9 =	simm.s32 $0x4300;
	s28 =	simm.s32 $0x1C500;
	[dreg:$0xd] =	wrdreg s21;
	v17 =	vsel vm7, $0x7E71, v17;
	v3 =	vadd.s32 v2, v3;
	v5 =	vadd.s32 v2, v5  }
0x49: {  	s29 =	simm.s32 $0x1C300;
	s30 =	simm.s32 $0x1C400;
	[dreg:$0xe] =	wrdreg s22;
	v6 =	vsel vm8, $0x1EF0, v6;
	v7 =	vsel vm8, $0x1EF1, v7;
	v8 =	vsel vm8, $0x1EF2, v8  }
0x4a: {  	s13 =	simm.s32 $0x5;
	s0 =	ssub.s32 $0x2, s0;
	[dreg:$0xf] =	wrdreg s23;
	v9 =	vsel vm8, $0x3EF2, v9;
	v10 =	vsel vm8, $0x5EF2, v10;
	v11 =	vsel vm8, $0x7EF2, v11  }
0x4b: {  	s31 =	simm.s32 $0xA300;
	s19 =	sshrl.u32 s0, $0x1;
	[dreg:$0x10] =	wrdreg s24;
	v12 =	vsel vm8, $0x3EF0, v12;
	v13 =	vsel vm8, $0x3EF1, v13;
	v14 =	vsel vm8, $0x5EF0, v14  }
0x4c: {  	s15 =	simm.s32 $0x15B00;
	s0 =	ssub.s32 s0, s19;
	[dreg:$0x11] =	wrdreg s25;
	v15 =	vsel vm8, $0x5EF1, v15;
	v16 =	vsel vm8, $0x7EF0, v16;
	v17 =	vsel vm8, $0x7EF1, v17  }
0x4d: {  	s19 =	simm.s32 $0x14300;
	s5 =	smax.u32 s0, $0x1;
	[dreg:$0x12] =	wrdreg s26;
	v6 =	vsel vm1, $0x1F70, v6;
	v7 =	vsel vm1, $0x1F71, v7;
	v8 =	vsel vm1, $0x1F72, v8  }
0x4e: {  	s18 =	simm.s32 $0x16B00;
	s3 =	sadd.s32 $0x1200, s4;
	[dreg:$0x13] =	wrdreg s28;
	v9 =	vsel vm1, $0x3F72, v9;
	v10 =	vsel vm1, $0x5F72, v10;
	v11 =	vsel vm1, $0x7F72, v11  }
0x4f: {  	s4 =	sadd.s32 $0x1300, s4;
	s6 =	simm.s32 $0x6;
	[dreg:$0x14] =	wrdreg s29;
	v12 =	vsel vm1, $0x3F70, v12;
	v13 =	vsel vm1, $0x3F71, v13;
	v14 =	vsel vm1, $0x5F70, v14  }
0x50: {  	[dreg:$0x15] =	wrdreg s30;
	s25 =	simm.s32 $0xC300;
	s16 =	simm.s32 $0x16300;
	v15 =	vsel vm1, $0x5F71, v15;
	v16 =	vsel vm1, $0x7F70, v16;
	v17 =	vsel vm1, $0x7F71, v17  }
.LBB2_1:
0x51: {  	s17 =	rddreg [dreg:$0x5]  }
0x52: {  	[tilespmem:s2], [sflag:$0x6] =	stream.linear.gather [hbm4b:s17+s2], $0x100, $0x38;
	[tilespmem:$0x1C600] =	vst v63  }
0x53: {  	_ =	swait.ge [sflag:s6], $0x100  }
0x54: {  	[sflag:s6] =	ssyncset.done $0x0  }
0x55: {  	[sflag:s6] =	ssyncadd.s32 $0xFFFFFF00  }
0x56: {  	s7 =	simm.s32 $0x300;
	[tilespmem:$0x100] =	vst v0  }
0x57: {  	[tilespmem:s7], [sflag:$0x6] =	stream.indirect_vreg.gather [hbm4b:s3+s2], $0x80, v3, vm0, $0xb8;
	[tilespmem:$0x1C600] =	vst v63  }
0x58: {  	s24 =	rddreg [dreg:$0xd]  }
0x59: {  	[tilespmem:s24], [sflag:$0x6] =	stream.indirect_vreg.gather [hbm4b:s4+s2], $0x80, v3, vm0, $0xb8;
	[tilespmem:$0x1C600] =	vst v63  }
0x5a: {  	s8 =	rddreg [dreg:$0xe]  }
0x5b: {  	[tilespmem:s8], [sflag:$0x6] =	stream.indirect_vreg.gather [hbm4b:s3+s2], $0x80, v5, vm0, $0xb8;
	[tilespmem:$0x1C600] =	vst v63  }
0x5c: {  	s26 =	rddreg [dreg:$0xf]  }
0x5d: {  	[tilespmem:s26], [sflag:$0x6] =	stream.indirect_vreg.gather [hbm4b:s4+s2], $0x80, v5, vm0, $0xb8;
	[tilespmem:$0x1C600] =	vst v63  }
0x5e: {  	_ =	swait.ge [sflag:s6], $0x2000  }
0x5f: {  	[sflag:s6] =	ssyncset.done $0x0  }
0x60: {  	[sflag:s6] =	ssyncadd.s32 $0xFFFFE000  }
0x61: {  	v18 =	vld.idx.msk [tilespmem:v8+s7+$0x0], $0xffff;
	_ =	sdelay $0x4  }
0x62: {  	v18 =	vtrunc.f32 v18  }
0x63: {  	v18 =	vcvt.f32.s32 v18;
	_ =	sdelay $0x1  }
0x64: {  	v19 =	vshll.u32 v18, $0x2  }
0x65: {  	v20 =	vand.u32 $0x7, v18;
	v19 =	vand.u32 $0xFFFFFFE0, v19  }
0x66: {  	v19 =	vor.u32 v20, v19  }
0x67: {  	v20 =	vperm.xlane v19, v1;
	_ =	sdelay $0x1  }
0x68: {  	v20 =	vadd.s32 v2, v20;
	_ =	sdelay $0x1  }
0x69: {  	v19 =	vperm.xlane v19, v4  }
0x6a: {  	v21 =	vld.idx.msk [tilespmem:v6+s7+$0x0], $0xffff  }
0x6b: {  	s29 =	simm.s32 $0x2300;
	v22 =	vld.idx.msk [tilespmem:v7+s7+$0x0], $0xffff;
	[tilespmem:$0x180] =	vst v18;
	v18 =	vadd.s32 v2, v19  }
0x6c: {  	[tilespmem:s29], [sflag:$0x6] =	stream.indirect_vreg.gather [hbm4b:s3+s2], $0x80, v20, vm0, $0xb8;
	[tilespmem:$0x1C600] =	vst v63  }
0x6d: {  	s28 =	rddreg [dreg:$0x10]  }
0x6e: {  	[tilespmem:s28], [sflag:$0x6] =	stream.indirect_vreg.gather [hbm4b:s4+s2], $0x80, v20, vm0, $0xb8;
	[tilespmem:$0x1C600] =	vst v63  }
0x6f: {  	s30 =	rddreg [dreg:$0x11]  }
0x70: {  	[tilespmem:s30], [sflag:$0x6] =	stream.indirect_vreg.gather [hbm4b:s3+s2], $0x80, v18, vm0, $0xb8;
	[tilespmem:$0x1C600] =	vst v63  }
0x71: {  	s0 =	rddreg [dreg:$0x12]  }
0x72: {  	[tilespmem:s0], [sflag:$0x6] =	stream.indirect_vreg.gather [hbm4b:s4+s2], $0x80, v18, vm0, $0xb8;
	[tilespmem:$0x1C600] =	vst v63  }
0x73: {  	_ =	swait.ge [sflag:s6], $0x2000  }
0x74: {  	[sflag:s6] =	ssyncset.done $0x0  }
0x75: {  	[sflag:s6] =	ssyncadd.s32 $0xFFFFE000  }
0x76: {  	v18 =	vld [tilespmem:$0x0];
	_ =	sdelay $0x1  }
0x77: {  	v19 =	vld.idx.msk [tilespmem:v6+s29+$0x0], $0xffff  }
0x78: {  	v39 =	vld.idx.msk [tilespmem:v7+s29+$0x0], $0xffff;
	_ =	sdelay $0x1  }
0x79: {  	v23 =	vshll.u32 v18, $0x2  }
0x7a: {  	v18 =	vand.u32 $0x7, v18;
	v23 =	vand.u32 $0xFFFFFFE0, v23  }
0x7b: {  	v18 =	vor.u32 v18, v23  }
0x7c: {  	v19 =	vsub.f32 v21, v19;
	v20 =	vsub.f32 v22, v39;
	v40 =	vperm.xlane v18, v1;
	_ =	sdelay $0x1  }
0x7d: {  	v19 =	vmul.f32 v19, v19;
	v20 =	vmul.f32 v20, v20;
	v21 =	vadd.s32 v2, v40;
	_ =	sdelay $0x1  }
0x7e: {  	v18 =	vperm.xlane v18, v4;
	v19 =	vadd.f32 v20, v19;
	_ =	sdelay $0x1  }
0x7f: {  	v18 =	vadd.s32 v2, v18;
	[tilespmem:$0x200] =	vst v19  }
0x80: {  	[tilespmem:s9], [sflag:$0x1] =	stream.indirect_vreg.gather [hbm4b:s3+s2], $0x80, v21, vm0, $0xb8;
	[tilespmem:$0x1C600] =	vst v63  }
0x81: {  	s7 =	simm.s32 $0x4B00  }
0x82: {  	[tilespmem:s7], [sflag:$0x1] =	stream.indirect_vreg.gather [hbm4b:s4+s2], $0x80, v21, vm0, $0xb8;
	[tilespmem:$0x1C600] =	vst v63  }
0x83: {  	s17 =	simm.s32 $0x5300  }
0x84: {  	[tilespmem:s17], [sflag:$0x1] =	stream.indirect_vreg.gather [hbm4b:s3+s2], $0x80, v18, vm0, $0xb8;
	[tilespmem:$0x1C600] =	vst v63  }
0x85: {  	s20 =	simm.s32 $0x5B00  }
0x86: {  	[tilespmem:s20], [sflag:$0x1] =	stream.indirect_vreg.gather [hbm4b:s4+s2], $0x80, v18, vm0, $0xb8;
	[tilespmem:$0x1C600] =	vst v63  }
0x87: {  	v18 =	vld [tilespmem:$0x10];
	_ =	sdelay $0x4  }
0x88: {  	v41 =	vshll.u32 v18, $0x2  }
0x89: {  	v18 =	vand.u32 $0x7, v18;
	v20 =	vand.u32 $0xFFFFFFE0, v41  }
0x8a: {  	v18 =	vor.u32 v18, v20  }
0x8b: {  	v20 =	vperm.xlane v18, v1;
	_ =	sdelay $0x1  }
0x8c: {  	v20 =	vadd.s32 v2, v20;
	_ =	sdelay $0x1  }
0x8d: {  	v18 =	vperm.xlane v18, v4;
	_ =	sdelay $0x1  }
0x8e: {  	s21 =	simm.s32 $0x6300;
	v18 =	vadd.s32 v2, v18  }
0x8f: {  	[tilespmem:s21], [sflag:$0x1] =	stream.indirect_vreg.gather [hbm4b:s3+s2], $0x80, v20, vm0, $0xb8;
	[tilespmem:$0x1C600] =	vst v63  }
0x90: {  	s22 =	simm.s32 $0x6B00  }
0x91: {  	[tilespmem:s22], [sflag:$0x1] =	stream.indirect_vreg.gather [hbm4b:s4+s2], $0x80, v20, vm0, $0xb8;
	[tilespmem:$0x1C600] =	vst v63  }
0x92: {  	s23 =	simm.s32 $0x7300  }
0x93: {  	[tilespmem:s23], [sflag:$0x1] =	stream.indirect_vreg.gather [hbm4b:s3+s2], $0x80, v18, vm0, $0xb8;
	[tilespmem:$0x1C600] =	vst v63  }
0x94: {  	s24 =	simm.s32 $0x7B00  }
0x95: {  	[tilespmem:s24], [sflag:$0x1] =	stream.indirect_vreg.gather [hbm4b:s4+s2], $0x80, v18, vm0, $0xb8;
	[tilespmem:$0x1C600] =	vst v63  }
0x96: {  	v18 =	vld [tilespmem:$0x20];
	_ =	sdelay $0x4  }
0x97: {  	v42 =	vshll.u32 v18, $0x2  }
0x98: {  	v18 =	vand.u32 $0x7, v18;
	v20 =	vand.u32 $0xFFFFFFE0, v42  }
0x99: {  	v18 =	vor.u32 v18, v20  }
0x9a: {  	v20 =	vperm.xlane v18, v1;
	_ =	sdelay $0x1  }
0x9b: {  	v20 =	vadd.s32 v2, v20;
	_ =	sdelay $0x1  }
0x9c: {  	v18 =	vperm.xlane v18, v4;
	_ =	sdelay $0x1  }
0x9d: {  	s26 =	simm.s32 $0x8300;
	v18 =	vadd.s32 v2, v18  }
0x9e: {  	[tilespmem:s26], [sflag:$0x1] =	stream.indirect_vreg.gather [hbm4b:s3+s2], $0x80, v20, vm0, $0xb8;
	[tilespmem:$0x1C600] =	vst v63  }
0x9f: {  	s28 =	simm.s32 $0x8B00  }
0xa0: {  	[tilespmem:s28], [sflag:$0x1] =	stream.indirect_vreg.gather [hbm4b:s4+s2], $0x80, v20, vm0, $0xb8;
	[tilespmem:$0x1C600] =	vst v63  }
0xa1: {  	s29 =	simm.s32 $0x9300  }
0xa2: {  	[tilespmem:s29], [sflag:$0x1] =	stream.indirect_vreg.gather [hbm4b:s3+s2], $0x80, v18, vm0, $0xb8;
	[tilespmem:$0x1C600] =	vst v63  }
0xa3: {  	s30 =	simm.s32 $0x9B00  }
0xa4: {  	[tilespmem:s30], [sflag:$0x1] =	stream.indirect_vreg.gather [hbm4b:s4+s2], $0x80, v18, vm0, $0xb8;
	[tilespmem:$0x1C600] =	vst v63  }
0xa5: {  	v18 =	vld [tilespmem:$0x30];
	_ =	sdelay $0x4  }
0xa6: {  	v43 =	vshll.u32 v18, $0x2  }
0xa7: {  	v18 =	vand.u32 $0x7, v18;
	v20 =	vand.u32 $0xFFFFFFE0, v43  }
0xa8: {  	v18 =	vor.u32 v18, v20  }
0xa9: {  	v20 =	vperm.xlane v18, v1;
	_ =	sdelay $0x1  }
0xaa: {  	v20 =	vadd.s32 v2, v20;
	_ =	sdelay $0x1  }
0xab: {  	v18 =	vperm.xlane v18, v4;
	_ =	sdelay $0x1  }
0xac: {  	v18 =	vadd.s32 v2, v18  }
0xad: {  	[tilespmem:s31], [sflag:$0x1] =	stream.indirect_vreg.gather [hbm4b:s3+s2], $0x80, v20, vm0, $0xb8;
	[tilespmem:$0x1C600] =	vst v63  }
0xae: {  	s12 =	simm.s32 $0xAB00  }
0xaf: {  	[tilespmem:s12], [sflag:$0x1] =	stream.indirect_vreg.gather [hbm4b:s4+s2], $0x80, v20, vm0, $0xb8;
	[tilespmem:$0x1C600] =	vst v63  }
0xb0: {  	s11 =	simm.s32 $0xB300  }
0xb1: {  	[tilespmem:s11], [sflag:$0x1] =	stream.indirect_vreg.gather [hbm4b:s3+s2], $0x80, v18, vm0, $0xb8;
	[tilespmem:$0x1C600] =	vst v63  }
0xb2: {  	s10 =	simm.s32 $0xBB00  }
0xb3: {  	[tilespmem:s10], [sflag:$0x1] =	stream.indirect_vreg.gather [hbm4b:s4+s2], $0x80, v18, vm0, $0xb8;
	[tilespmem:$0x1C600] =	vst v63  }
0xb4: {  	v18 =	vld [tilespmem:$0x40];
	_ =	sdelay $0x4  }
0xb5: {  	v44 =	vshll.u32 v18, $0x2  }
0xb6: {  	v18 =	vand.u32 $0x7, v18;
	v20 =	vand.u32 $0xFFFFFFE0, v44  }
0xb7: {  	v18 =	vor.u32 v18, v20  }
0xb8: {  	v20 =	vperm.xlane v18, v1;
	_ =	sdelay $0x1  }
0xb9: {  	v20 =	vadd.s32 v2, v20;
	_ =	sdelay $0x1  }
0xba: {  	v18 =	vperm.xlane v18, v4;
	_ =	sdelay $0x1  }
0xbb: {  	v18 =	vadd.s32 v2, v18  }
0xbc: {  	[tilespmem:s25], [sflag:$0x2] =	stream.indirect_vreg.gather [hbm4b:s3+s2], $0x80, v20, vm0, $0xb8;
	[tilespmem:$0x1C600] =	vst v63  }
0xbd: {  	s0 =	simm.s32 $0xCB00  }
0xbe: {  	[tilespmem:s0], [sflag:$0x2] =	stream.indirect_vreg.gather [hbm4b:s4+s2], $0x80, v20, vm0, $0xb8;
	[tilespmem:$0x1C600] =	vst v63  }
0xbf: {  	s1 =	simm.s32 $0xD300  }
0xc0: {  	[tilespmem:s1], [sflag:$0x2] =	stream.indirect_vreg.gather [hbm4b:s3+s2], $0x80, v18, vm0, $0xb8;
	[tilespmem:$0x1C600] =	vst v63  }
0xc1: {  	s8 =	simm.s32 $0xDB00  }
0xc2: {  	[tilespmem:s8], [sflag:$0x2] =	stream.indirect_vreg.gather [hbm4b:s4+s2], $0x80, v18, vm0, $0xb8;
	[tilespmem:$0x1C600] =	vst v63  }
0xc3: {  	v18 =	vld [tilespmem:$0x50];
	_ =	sdelay $0x4  }
0xc4: {  	v45 =	vshll.u32 v18, $0x2  }
0xc5: {  	v18 =	vand.u32 $0x7, v18;
	v20 =	vand.u32 $0xFFFFFFE0, v45  }
0xc6: {  	v18 =	vor.u32 v18, v20  }
0xc7: {  	v20 =	vperm.xlane v18, v1;
	_ =	sdelay $0x1  }
0xc8: {  	v20 =	vadd.s32 v2, v20;
	_ =	sdelay $0x1  }
0xc9: {  	v18 =	vperm.xlane v18, v4;
	_ =	sdelay $0x1  }
0xca: {  	s14 =	simm.s32 $0xE300;
	v18 =	vadd.s32 v2, v18  }
0xcb: {  	[tilespmem:s14], [sflag:$0x2] =	stream.indirect_vreg.gather [hbm4b:s3+s2], $0x80, v20, vm0, $0xb8;
	[tilespmem:$0x1C600] =	vst v63  }
0xcc: {  	s1 =	simm.s32 $0xEB00  }
0xcd: {  	[tilespmem:s1], [sflag:$0x2] =	stream.indirect_vreg.gather [hbm4b:s4+s2], $0x80, v20, vm0, $0xb8;
	[tilespmem:$0x1C600] =	vst v63  }
0xce: {  	s8 =	simm.s32 $0xF300  }
0xcf: {  	[tilespmem:s8], [sflag:$0x2] =	stream.indirect_vreg.gather [hbm4b:s3+s2], $0x80, v18, vm0, $0xb8;
	[tilespmem:$0x1C600] =	vst v63  }
0xd0: {  	s14 =	simm.s32 $0xFB00  }
0xd1: {  	[tilespmem:s14], [sflag:$0x2] =	stream.indirect_vreg.gather [hbm4b:s4+s2], $0x80, v18, vm0, $0xb8;
	[tilespmem:$0x1C600] =	vst v63  }
0xd2: {  	v18 =	vld [tilespmem:$0x60];
	_ =	sdelay $0x4  }
0xd3: {  	v46 =	vshll.u32 v18, $0x2  }
0xd4: {  	v18 =	vand.u32 $0x7, v18;
	v20 =	vand.u32 $0xFFFFFFE0, v46  }
0xd5: {  	v18 =	vor.u32 v18, v20  }
0xd6: {  	v20 =	vperm.xlane v18, v1;
	_ =	sdelay $0x1  }
0xd7: {  	v20 =	vadd.s32 v2, v20;
	_ =	sdelay $0x1  }
0xd8: {  	v18 =	vperm.xlane v18, v4;
	_ =	sdelay $0x1  }
0xd9: {  	s1 =	simm.s32 $0x10300;
	v18 =	vadd.s32 v2, v18  }
0xda: {  	[tilespmem:s1], [sflag:$0x2] =	stream.indirect_vreg.gather [hbm4b:s3+s2], $0x80, v20, vm0, $0xb8;
	[tilespmem:$0x1C600] =	vst v63  }
0xdb: {  	s8 =	simm.s32 $0x10B00  }
0xdc: {  	[tilespmem:s8], [sflag:$0x2] =	stream.indirect_vreg.gather [hbm4b:s4+s2], $0x80, v20, vm0, $0xb8;
	[tilespmem:$0x1C600] =	vst v63  }
0xdd: {  	s14 =	simm.s32 $0x11300  }
0xde: {  	[tilespmem:s14], [sflag:$0x2] =	stream.indirect_vreg.gather [hbm4b:s3+s2], $0x80, v18, vm0, $0xb8;
	[tilespmem:$0x1C600] =	vst v63  }
0xdf: {  	s1 =	simm.s32 $0x11B00  }
0xe0: {  	[tilespmem:s1], [sflag:$0x2] =	stream.indirect_vreg.gather [hbm4b:s4+s2], $0x80, v18, vm0, $0xb8;
	[tilespmem:$0x1C600] =	vst v63  }
0xe1: {  	v18 =	vld [tilespmem:$0x70];
	_ =	sdelay $0x4  }
0xe2: {  	v47 =	vshll.u32 v18, $0x2  }
0xe3: {  	v18 =	vand.u32 $0x7, v18;
	v20 =	vand.u32 $0xFFFFFFE0, v47  }
0xe4: {  	v18 =	vor.u32 v18, v20  }
0xe5: {  	v20 =	vperm.xlane v18, v1;
	_ =	sdelay $0x1  }
0xe6: {  	v20 =	vadd.s32 v2, v20;
	_ =	sdelay $0x1  }
0xe7: {  	v18 =	vperm.xlane v18, v4;
	_ =	sdelay $0x1  }
0xe8: {  	s8 =	simm.s32 $0x12300;
	v18 =	vadd.s32 v2, v18  }
0xe9: {  	[tilespmem:s8], [sflag:$0x2] =	stream.indirect_vreg.gather [hbm4b:s3+s2], $0x80, v20, vm0, $0xb8;
	[tilespmem:$0x1C600] =	vst v63  }
0xea: {  	s14 =	simm.s32 $0x12B00  }
0xeb: {  	[tilespmem:s14], [sflag:$0x2] =	stream.indirect_vreg.gather [hbm4b:s4+s2], $0x80, v20, vm0, $0xb8;
	[tilespmem:$0x1C600] =	vst v63  }
0xec: {  	s1 =	simm.s32 $0x13300  }
0xed: {  	[tilespmem:s1], [sflag:$0x2] =	stream.indirect_vreg.gather [hbm4b:s3+s2], $0x80, v18, vm0, $0xb8;
	[tilespmem:$0x1C600] =	vst v63  }
0xee: {  	s0 =	simm.s32 $0x1;
	s8 =	simm.s32 $0x13B00  }
0xef: {  	[tilespmem:s8], [sflag:$0x2] =	stream.indirect_vreg.gather [hbm4b:s4+s2], $0x80, v18, vm0, $0xb8;
	[tilespmem:$0x1C600] =	vst v63  }
0xf0: {  	_ =	swait.ge [sflag:s0], $0x8000  }
0xf1: {  	[sflag:s0] =	ssyncset.done $0x0  }
0xf2: {  	[sflag:s0] =	ssyncadd.s32 $0xFFFF8000  }
0xf3: {  	v18 =	vld.idx.msk [tilespmem:v8+s9+$0x0], $0xffff;
	_ =	sdelay $0x4  }
0xf4: {  	v18 =	vtrunc.f32 v18  }
0xf5: {  	v18 =	vcvt.f32.s32 v18;
	_ =	sdelay $0x1  }
0xf6: {  	[tilespmem:$0x280] =	vst v18  }
0xf7: {  	v48 =	vld.idx.msk [tilespmem:v9+s9+$0x0], $0xffff;
	_ =	sdelay $0x4  }
0xf8: {  	v20 =	vtrunc.f32 v48  }
0xf9: {  	v20 =	vcvt.f32.s32 v20;
	_ =	sdelay $0x1  }
0xfa: {  	[tilespmem:$0x290] =	vst v20  }
0xfb: {  	v20 =	vld.idx.msk [tilespmem:v10+s9+$0x0], $0xffff;
	_ =	sdelay $0x4  }
0xfc: {  	v20 =	vtrunc.f32 v20  }
0xfd: {  	v20 =	vcvt.f32.s32 v20;
	_ =	sdelay $0x1  }
0xfe: {  	v49 =	vshll.u32 v18, $0x2;
	[tilespmem:$0x2A0] =	vst v20  }
0xff: {  	v18 =	vand.u32 $0x7, v18;
	v20 =	vand.u32 $0xFFFFFFE0, v49;
	v50 =	vld.idx.msk [tilespmem:v11+s9+$0x0], $0xffff  }
0x100: {  	v18 =	vor.u32 v18, v20  }
0x101: {  	v20 =	vperm.xlane v18, v1;
	_ =	sdelay $0x1  }
0x102: {  	v20 =	vadd.s32 v2, v20  }
0x103: {  	v21 =	vtrunc.f32 v50  }
0x104: {  	v18 =	vperm.xlane v18, v4;
	v21 =	vcvt.f32.s32 v21;
	_ =	sdelay $0x1  }
0x105: {  	v18 =	vadd.s32 v2, v18;
	[tilespmem:$0x2B0] =	vst v21  }
0x106: {  	[tilespmem:s19], [sflag:$0x5] =	stream.indirect_vreg.gather [hbm4b:s3+s2], $0x80, v20, vm0, $0xb8;
	[tilespmem:$0x1C600] =	vst v63  }
0x107: {  	s1 =	simm.s32 $0x14B00  }
0x108: {  	[tilespmem:s1], [sflag:$0x5] =	stream.indirect_vreg.gather [hbm4b:s4+s2], $0x80, v20, vm0, $0xb8;
	[tilespmem:$0x1C600] =	vst v63  }
0x109: {  	s14 =	simm.s32 $0x15300  }
0x10a: {  	[tilespmem:s14], [sflag:$0x5] =	stream.indirect_vreg.gather [hbm4b:s3+s2], $0x80, v18, vm0, $0xb8;
	[tilespmem:$0x1C600] =	vst v63  }
0x10b: {  	_ = 	snop  }
0x10c: {  	[tilespmem:s15], [sflag:$0x5] =	stream.indirect_vreg.gather [hbm4b:s4+s2], $0x80, v18, vm0, $0xb8;
	[tilespmem:$0x1C600] =	vst v63  }
0x10d: {  	v18 =	vld [tilespmem:$0x290];
	_ =	sdelay $0x4  }
0x10e: {  	v51 =	vshll.u32 v18, $0x2  }
0x10f: {  	v18 =	vand.u32 $0x7, v18;
	v20 =	vand.u32 $0xFFFFFFE0, v51  }
0x110: {  	v18 =	vor.u32 v18, v20  }
0x111: {  	v20 =	vperm.xlane v18, v1;
	_ =	sdelay $0x1  }
0x112: {  	v20 =	vadd.s32 v2, v20;
	_ =	sdelay $0x1  }
0x113: {  	v18 =	vperm.xlane v18, v4;
	_ =	sdelay $0x1  }
0x114: {  	v18 =	vadd.s32 v2, v18  }
0x115: {  	[tilespmem:s16], [sflag:$0x5] =	stream.indirect_vreg.gather [hbm4b:s3+s2], $0x80, v20, vm0, $0xb8;
	[tilespmem:$0x1C600] =	vst v63  }
0x116: {  	_ = 	snop  }
0x117: {  	[tilespmem:s18], [sflag:$0x5] =	stream.indirect_vreg.gather [hbm4b:s4+s2], $0x80, v20, vm0, $0xb8;
	[tilespmem:$0x1C600] =	vst v63  }
0x118: {  	s8 =	simm.s32 $0x17300  }
0x119: {  	[tilespmem:s8], [sflag:$0x5] =	stream.indirect_vreg.gather [hbm4b:s3+s2], $0x80, v18, vm0, $0xb8;
	[tilespmem:$0x1C600] =	vst v63  }
0x11a: {  	s14 =	simm.s32 $0x17B00  }
0x11b: {  	[tilespmem:s14], [sflag:$0x5] =	stream.indirect_vreg.gather [hbm4b:s4+s2], $0x80, v18, vm0, $0xb8;
	[tilespmem:$0x1C600] =	vst v63  }
0x11c: {  	v18 =	vld [tilespmem:$0x2A0];
	_ =	sdelay $0x4  }
0x11d: {  	v52 =	vshll.u32 v18, $0x2  }
0x11e: {  	v18 =	vand.u32 $0x7, v18;
	v20 =	vand.u32 $0xFFFFFFE0, v52  }
0x11f: {  	v18 =	vor.u32 v18, v20  }
0x120: {  	v20 =	vperm.xlane v18, v1;
	_ =	sdelay $0x1  }
0x121: {  	v20 =	vadd.s32 v2, v20;
	_ =	sdelay $0x1  }
0x122: {  	v18 =	vperm.xlane v18, v4;
	_ =	sdelay $0x1  }
0x123: {  	s8 =	simm.s32 $0x18300;
	v18 =	vadd.s32 v2, v18  }
0x124: {  	[tilespmem:s8], [sflag:$0x5] =	stream.indirect_vreg.gather [hbm4b:s3+s2], $0x80, v20, vm0, $0xb8;
	[tilespmem:$0x1C600] =	vst v63  }
0x125: {  	s14 =	simm.s32 $0x18B00  }
0x126: {  	[tilespmem:s14], [sflag:$0x5] =	stream.indirect_vreg.gather [hbm4b:s4+s2], $0x80, v20, vm0, $0xb8;
	[tilespmem:$0x1C600] =	vst v63  }
0x127: {  	s8 =	simm.s32 $0x19300  }
0x128: {  	[tilespmem:s8], [sflag:$0x5] =	stream.indirect_vreg.gather [hbm4b:s3+s2], $0x80, v18, vm0, $0xb8;
	[tilespmem:$0x1C600] =	vst v63  }
0x129: {  	s14 =	simm.s32 $0x19B00  }
0x12a: {  	[tilespmem:s14], [sflag:$0x5] =	stream.indirect_vreg.gather [hbm4b:s4+s2], $0x80, v18, vm0, $0xb8;
	[tilespmem:$0x1C600] =	vst v63  }
0x12b: {  	v18 =	vld [tilespmem:$0x2B0];
	_ =	sdelay $0x4  }
0x12c: {  	v53 =	vshll.u32 v18, $0x2  }
0x12d: {  	v18 =	vand.u32 $0x7, v18;
	v20 =	vand.u32 $0xFFFFFFE0, v53  }
0x12e: {  	v18 =	vor.u32 v18, v20  }
0x12f: {  	v20 =	vperm.xlane v18, v1;
	_ =	sdelay $0x1  }
0x130: {  	v20 =	vadd.s32 v2, v20;
	_ =	sdelay $0x1  }
0x131: {  	v18 =	vperm.xlane v18, v4;
	_ =	sdelay $0x1  }
0x132: {  	s8 =	simm.s32 $0x1A300;
	v18 =	vadd.s32 v2, v18  }
0x133: {  	[tilespmem:s8], [sflag:$0x5] =	stream.indirect_vreg.gather [hbm4b:s3+s2], $0x80, v20, vm0, $0xb8;
	[tilespmem:$0x1C600] =	vst v63  }
0x134: {  	s14 =	simm.s32 $0x1AB00  }
0x135: {  	[tilespmem:s14], [sflag:$0x5] =	stream.indirect_vreg.gather [hbm4b:s4+s2], $0x80, v20, vm0, $0xb8;
	[tilespmem:$0x1C600] =	vst v63  }
0x136: {  	s8 =	simm.s32 $0x1B300  }
0x137: {  	[tilespmem:s8], [sflag:$0x5] =	stream.indirect_vreg.gather [hbm4b:s3+s2], $0x80, v18, vm0, $0xb8;
	[tilespmem:$0x1C600] =	vst v63  }
0x138: {  	s14 =	simm.s32 $0x1BB00  }
0x139: {  	[tilespmem:s14], [sflag:$0x5] =	stream.indirect_vreg.gather [hbm4b:s4+s2], $0x80, v18, vm0, $0xb8;
	[tilespmem:$0x1C600] =	vst v63  }
0x13a: {  	_ =	swait.ge [sflag:s13], $0x8000  }
0x13b: {  	[sflag:s13] =	ssyncset.done $0x0  }
0x13c: {  	[sflag:s13] =	ssyncadd.s32 $0xFFFF8000  }
0x13d: {  	v54 =	vld.idx.msk [tilespmem:v6+s9+$0x0], $0xffff  }
0x13e: {  	v55 =	vld.idx.msk [tilespmem:v7+s9+$0x0], $0xffff  }
0x13f: {  	v18 =	vld.idx.msk [tilespmem:v6+s19+$0x0], $0xffff  }
0x140: {  	v56 =	vld.idx.msk [tilespmem:v7+s19+$0x0], $0xffff;
	_ =	sdelay $0x4  }
0x141: {  	v18 =	vsub.f32 v54, v18;
	v22 =	vsub.f32 v55, v56;
	_ =	sdelay $0x1  }
0x142: {  	v18 =	vmul.f32 v18, v18;
	v22 =	vmul.f32 v22, v22;
	_ =	sdelay $0x1  }
0x143: {  	v22 =	vadd.f32 v22, v18;
	v18 =	vbroadcast v19, $0x1;
	_ =	sdelay $0x1  }
0x144: {  	v22 =	vmul.f32 v22, v18;
	_ =	sdelay $0x1  }
0x145: {  	v57 =	vshra.s32 v22, $0x1;
	v24 =	vmul.f32 $5.000000000e-01, v22  }
0x146: {  	v23 =	vsub.s32 $0x5F3759DF, v57  }
0x147: {  	v25 =	vmul.f32 v23, v24;
	_ =	sdelay $0x1  }
0x148: {  	v25 =	vmul.f32 v23, v25;
	_ =	sdelay $0x1  }
0x149: {  	v25 =	vsub.f32 $1.500000000e+00, v25;
	_ =	sdelay $0x1  }
0x14a: {  	v23 =	vmul.f32 v23, v25;
	_ =	sdelay $0x1  }
0x14b: {  	v25 =	vmul.f32 v23, v24;
	_ =	sdelay $0x1  }
0x14c: {  	v25 =	vmul.f32 v25, v23;
	_ =	sdelay $0x1  }
0x14d: {  	v25 =	vsub.f32 $1.500000000e+00, v25;
	_ =	sdelay $0x1  }
0x14e: {  	v23 =	vmul.f32 v25, v23;
	_ =	sdelay $0x1  }
0x14f: {  	v25 =	vmul.f32 v23, v24;
	_ =	sdelay $0x1  }
0x150: {  	v25 =	vmul.f32 v25, v23;
	_ =	sdelay $0x1  }
0x151: {  	v25 =	vsub.f32 $1.500000000e+00, v25;
	_ =	sdelay $0x1  }
0x152: {  	v23 =	vmul.f32 v25, v23  }
0x153: {  	v19 =	vbroadcast v19, $0x0  }
0x154: {  	v24 =	vmul.f32 v23, v24  }
0x155: {  	(erf) = vrcp.f32 v19  }
0x156: {  	v19 =	vmul.f32 v24, v23;
	_ =	sdelay $0x1  }
0x157: {  	v19 =	vsub.f32 $1.500000000e+00, v19;
	_ =	sdelay $0x1  }
0x158: {  	v19 =	vmul.f32 v19, v23  }
0x159: {  	v58 =	vld [tilespmem:$0x0];
	_ =	sdelay $0x1  }
0x15a: {  	v22 =	vmul.f32 v19, v22  }
0x15b: {  	v19 =	vpop (erf)  }
0x15c: {  	v22 =	vmul.f32 v22, v19  }
0x15d: {  	vm1 =	veq.s32 v58, $0x0;
	[tilespmem:$0x1C300] =	vst v54  }
0x15e: {  	[tilespmem:$0x1C400] =	vst v55;
	v22 =	vsel vm1, $0x3F800000, v22  }
0x15f: {  	[tilespmem:$0x1C500] =	vst v22  }
0x160: {  	v20 =	vld.idx.msk [tilespmem:v12+s9+$0x0], $0xffff  }
0x161: {  	v21 =	vld.idx.msk [tilespmem:v13+s9+$0x0], $0xffff  }
0x162: {  	v22 =	vld.idx.msk [tilespmem:v12+s19+$0x0], $0xffff  }
0x163: {  	v59 =	vld.idx.msk [tilespmem:v13+s19+$0x0], $0xffff;
	_ =	sdelay $0x4  }
0x164: {  	v22 =	vsub.f32 v20, v22;
	v23 =	vsub.f32 v21, v59;
	_ =	sdelay $0x1  }
0x165: {  	v22 =	vmul.f32 v22, v22;
	v23 =	vmul.f32 v23, v23;
	_ =	sdelay $0x1  }
0x166: {  	v22 =	vadd.f32 v23, v22;
	_ =	sdelay $0x1  }
0x167: {  	v22 =	vmul.f32 v22, v18;
	_ =	sdelay $0x1  }
0x168: {  	v60 =	vshra.s32 v22, $0x1;
	v61 =	vmul.f32 $5.000000000e-01, v22  }
0x169: {  	v23 =	vsub.s32 $0x5F3759DF, v60  }
0x16a: {  	v62 =	vmul.f32 v23, v61;
	_ =	sdelay $0x1  }
0x16b: {  	v25 =	vmul.f32 v23, v62;
	_ =	sdelay $0x1  }
0x16c: {  	v25 =	vsub.f32 $1.500000000e+00, v25;
	_ =	sdelay $0x1  }
0x16d: {  	v23 =	vmul.f32 v23, v25;
	_ =	sdelay $0x1  }
0x16e: {  	v25 =	vmul.f32 v23, v61;
	_ =	sdelay $0x1  }
0x16f: {  	v25 =	vmul.f32 v25, v23;
	_ =	sdelay $0x1  }
0x170: {  	v25 =	vsub.f32 $1.500000000e+00, v25;
	_ =	sdelay $0x1  }
0x171: {  	v23 =	vmul.f32 v25, v23;
	_ =	sdelay $0x1  }
0x172: {  	v25 =	vmul.f32 v23, v61;
	_ =	sdelay $0x1  }
0x173: {  	v25 =	vmul.f32 v25, v23;
	_ =	sdelay $0x1  }
0x174: {  	v25 =	vsub.f32 $1.500000000e+00, v25;
	_ =	sdelay $0x1  }
0x175: {  	v23 =	vmul.f32 v25, v23;
	_ =	sdelay $0x1  }
0x176: {  	v24 =	vmul.f32 v23, v61;
	_ =	sdelay $0x1  }
0x177: {  	v24 =	vmul.f32 v24, v23;
	_ =	sdelay $0x1  }
0x178: {  	v24 =	vsub.f32 $1.500000000e+00, v24;
	_ =	sdelay $0x1  }
0x179: {  	v63 =	vld [tilespmem:$0x10];
	v23 =	vmul.f32 v24, v23;
	_ =	sdelay $0x1  }
0x17a: {  	v22 =	vmul.f32 v23, v22;
	_ =	sdelay $0x1  }
0x17b: {  	v22 =	vmul.f32 v22, v19  }
0x17c: {  	vm1 =	veq.s32 v63, $0x0;
	[tilespmem:$0x1C310] =	vst v20  }
0x17d: {  	[tilespmem:$0x1C410] =	vst v21;
	v22 =	vsel vm1, $0x3F800000, v22  }
0x17e: {  	[tilespmem:$0x1C510] =	vst v22  }
0x17f: {  	v20 =	vld.idx.msk [tilespmem:v14+s9+$0x0], $0xffff  }
0x180: {  	v21 =	vld.idx.msk [tilespmem:v15+s9+$0x0], $0xffff  }
0x181: {  	v22 =	vld.idx.msk [tilespmem:v14+s19+$0x0], $0xffff  }
0x182: {  	v27 =	vld.idx.msk [tilespmem:v15+s19+$0x0], $0xffff;
	_ =	sdelay $0x4  }
0x183: {  	v22 =	vsub.f32 v20, v22;
	v23 =	vsub.f32 v21, v27;
	_ =	sdelay $0x1  }
0x184: {  	v22 =	vmul.f32 v22, v22;
	v23 =	vmul.f32 v23, v23;
	_ =	sdelay $0x1  }
0x185: {  	v22 =	vadd.f32 v23, v22;
	_ =	sdelay $0x1  }
0x186: {  	v22 =	vmul.f32 v22, v18;
	_ =	sdelay $0x1  }
0x187: {  	v28 =	vshra.s32 v22, $0x1;
	v29 =	vmul.f32 $5.000000000e-01, v22  }
0x188: {  	v23 =	vsub.s32 $0x5F3759DF, v28  }
0x189: {  	v30 =	vmul.f32 v23, v29;
	_ =	sdelay $0x1  }
0x18a: {  	v25 =	vmul.f32 v23, v30;
	_ =	sdelay $0x1  }
0x18b: {  	v25 =	vsub.f32 $1.500000000e+00, v25;
	_ =	sdelay $0x1  }
0x18c: {  	v23 =	vmul.f32 v23, v25;
	_ =	sdelay $0x1  }
0x18d: {  	v25 =	vmul.f32 v23, v29;
	_ =	sdelay $0x1  }
0x18e: {  	v25 =	vmul.f32 v25, v23;
	_ =	sdelay $0x1  }
0x18f: {  	v25 =	vsub.f32 $1.500000000e+00, v25;
	_ =	sdelay $0x1  }
0x190: {  	v23 =	vmul.f32 v25, v23;
	_ =	sdelay $0x1  }
0x191: {  	v25 =	vmul.f32 v23, v29;
	_ =	sdelay $0x1  }
0x192: {  	v25 =	vmul.f32 v25, v23;
	_ =	sdelay $0x1  }
0x193: {  	v25 =	vsub.f32 $1.500000000e+00, v25;
	_ =	sdelay $0x1  }
0x194: {  	v23 =	vmul.f32 v25, v23;
	_ =	sdelay $0x1  }
0x195: {  	v24 =	vmul.f32 v23, v29;
	_ =	sdelay $0x1  }
0x196: {  	v24 =	vmul.f32 v24, v23;
	_ =	sdelay $0x1  }
0x197: {  	v24 =	vsub.f32 $1.500000000e+00, v24;
	_ =	sdelay $0x1  }
0x198: {  	v31 =	vld [tilespmem:$0x20];
	v23 =	vmul.f32 v24, v23;
	_ =	sdelay $0x1  }
0x199: {  	v22 =	vmul.f32 v23, v22;
	_ =	sdelay $0x1  }
0x19a: {  	v22 =	vmul.f32 v22, v19  }
0x19b: {  	vm1 =	veq.s32 v31, $0x0;
	[tilespmem:$0x1C320] =	vst v20  }
0x19c: {  	[tilespmem:$0x1C420] =	vst v21;
	v22 =	vsel vm1, $0x3F800000, v22  }
0x19d: {  	[tilespmem:$0x1C520] =	vst v22  }
0x19e: {  	v20 =	vld.idx.msk [tilespmem:v16+s9+$0x0], $0xffff  }
0x19f: {  	v21 =	vld.idx.msk [tilespmem:v17+s9+$0x0], $0xffff  }
0x1a0: {  	v22 =	vld.idx.msk [tilespmem:v16+s19+$0x0], $0xffff  }
0x1a1: {  	v32 =	vld.idx.msk [tilespmem:v17+s19+$0x0], $0xffff;
	_ =	sdelay $0x4  }
0x1a2: {  	v22 =	vsub.f32 v20, v22;
	v23 =	vsub.f32 v21, v32;
	_ =	sdelay $0x1  }
0x1a3: {  	v22 =	vmul.f32 v22, v22;
	v23 =	vmul.f32 v23, v23;
	_ =	sdelay $0x1  }
0x1a4: {  	v22 =	vadd.f32 v23, v22;
	_ =	sdelay $0x1  }
0x1a5: {  	v22 =	vmul.f32 v22, v18;
	_ =	sdelay $0x1  }
0x1a6: {  	v33 =	vshra.s32 v22, $0x1;
	v34 =	vmul.f32 $5.000000000e-01, v22  }
0x1a7: {  	v23 =	vsub.s32 $0x5F3759DF, v33  }
0x1a8: {  	v35 =	vmul.f32 v23, v34;
	_ =	sdelay $0x1  }
0x1a9: {  	v25 =	vmul.f32 v23, v35;
	_ =	sdelay $0x1  }
0x1aa: {  	v25 =	vsub.f32 $1.500000000e+00, v25;
	_ =	sdelay $0x1  }
0x1ab: {  	v23 =	vmul.f32 v23, v25;
	_ =	sdelay $0x1  }
0x1ac: {  	v25 =	vmul.f32 v23, v34;
	_ =	sdelay $0x1  }
0x1ad: {  	v25 =	vmul.f32 v25, v23;
	_ =	sdelay $0x1  }
0x1ae: {  	v25 =	vsub.f32 $1.500000000e+00, v25;
	_ =	sdelay $0x1  }
0x1af: {  	v23 =	vmul.f32 v25, v23;
	_ =	sdelay $0x1  }
0x1b0: {  	v25 =	vmul.f32 v23, v34;
	_ =	sdelay $0x1  }
0x1b1: {  	v25 =	vmul.f32 v25, v23;
	_ =	sdelay $0x1  }
0x1b2: {  	v25 =	vsub.f32 $1.500000000e+00, v25;
	_ =	sdelay $0x1  }
0x1b3: {  	v23 =	vmul.f32 v25, v23;
	_ =	sdelay $0x1  }
0x1b4: {  	v24 =	vmul.f32 v23, v34;
	_ =	sdelay $0x1  }
0x1b5: {  	v24 =	vmul.f32 v24, v23;
	_ =	sdelay $0x1  }
0x1b6: {  	v24 =	vsub.f32 $1.500000000e+00, v24;
	_ =	sdelay $0x1  }
0x1b7: {  	v36 =	vld [tilespmem:$0x30];
	v23 =	vmul.f32 v24, v23;
	_ =	sdelay $0x1  }
0x1b8: {  	v22 =	vmul.f32 v23, v22;
	_ =	sdelay $0x1  }
0x1b9: {  	v22 =	vmul.f32 v22, v19  }
0x1ba: {  	vm1 =	veq.s32 v36, $0x0;
	[tilespmem:$0x1C330] =	vst v20  }
0x1bb: {  	[tilespmem:$0x1C430] =	vst v21;
	v22 =	vsel vm1, $0x3F800000, v22  }
0x1bc: {  	s1 =	rddreg [dreg:$0x6];
	[tilespmem:$0x1C530] =	vst v22  }
0x1bd: {  	[hbm4b:s1+s2] =	stream.linear.scatter [tilespmem:s9], [sflag:$0x3], $0x8000, $0x38;
	[tilespmem:$0x1C600] =	vst v63  }
0x1be: {  	s1 =	simm.s32 $0x3  }
0x1bf: {  	_ =	swait.ge [sflag:s1], $0x8000  }
0x1c0: {  	[sflag:s1] =	ssyncset.done $0x0  }
0x1c1: {  	[sflag:s1] =	ssyncadd.s32 $0xFFFF8000  }
0x1c2: {  	v37 =	vld [tilespmem:$0x80];
	_ =	sdelay $0x4  }
0x1c3: {  	v38 =	vshll.u32 v37, $0x2  }
0x1c4: {  	v20 =	vand.u32 $0x7, v37;
	v21 =	vand.u32 $0xFFFFFFE0, v38  }
0x1c5: {  	v20 =	vor.u32 v20, v21  }
0x1c6: {  	v21 =	vperm.xlane v20, v1;
	_ =	sdelay $0x1  }
0x1c7: {  	v21 =	vadd.s32 v2, v21;
	_ =	sdelay $0x1  }
0x1c8: {  	v20 =	vperm.xlane v20, v4;
	_ =	sdelay $0x1  }
0x1c9: {  	v20 =	vadd.s32 v2, v20  }
0x1ca: {  	[tilespmem:s9], [sflag:$0x1] =	stream.indirect_vreg.gather [hbm4b:s3+s2], $0x80, v21, vm0, $0xb8;
	[tilespmem:$0x1C600] =	vst v63  }
0x1cb: {  	_ = 	snop  }
0x1cc: {  	[tilespmem:s7], [sflag:$0x1] =	stream.indirect_vreg.gather [hbm4b:s4+s2], $0x80, v21, vm0, $0xb8;
	[tilespmem:$0x1C600] =	vst v63  }
0x1cd: {  	_ = 	snop  }
0x1ce: {  	[tilespmem:s17], [sflag:$0x1] =	stream.indirect_vreg.gather [hbm4b:s3+s2], $0x80, v20, vm0, $0xb8;
	[tilespmem:$0x1C600] =	vst v63  }
0x1cf: {  	_ = 	snop  }
0x1d0: {  	[tilespmem:s20], [sflag:$0x1] =	stream.indirect_vreg.gather [hbm4b:s4+s2], $0x80, v20, vm0, $0xb8;
	[tilespmem:$0x1C600] =	vst v63  }
0x1d1: {  	v20 =	vld [tilespmem:$0x90];
	_ =	sdelay $0x4  }
0x1d2: {  	v39 =	vshll.u32 v20, $0x2  }
0x1d3: {  	v20 =	vand.u32 $0x7, v20;
	v21 =	vand.u32 $0xFFFFFFE0, v39  }
0x1d4: {  	v20 =	vor.u32 v20, v21  }
0x1d5: {  	v21 =	vperm.xlane v20, v1;
	_ =	sdelay $0x1  }
0x1d6: {  	v21 =	vadd.s32 v2, v21;
	_ =	sdelay $0x1  }
0x1d7: {  	v20 =	vperm.xlane v20, v4;
	_ =	sdelay $0x1  }
0x1d8: {  	v20 =	vadd.s32 v2, v20  }
0x1d9: {  	[tilespmem:s21], [sflag:$0x1] =	stream.indirect_vreg.gather [hbm4b:s3+s2], $0x80, v21, vm0, $0xb8;
	[tilespmem:$0x1C600] =	vst v63  }
0x1da: {  	_ = 	snop  }
0x1db: {  	[tilespmem:s22], [sflag:$0x1] =	stream.indirect_vreg.gather [hbm4b:s4+s2], $0x80, v21, vm0, $0xb8;
	[tilespmem:$0x1C600] =	vst v63  }
0x1dc: {  	_ = 	snop  }
0x1dd: {  	[tilespmem:s23], [sflag:$0x1] =	stream.indirect_vreg.gather [hbm4b:s3+s2], $0x80, v20, vm0, $0xb8;
	[tilespmem:$0x1C600] =	vst v63  }
0x1de: {  	_ = 	snop  }
0x1df: {  	[tilespmem:s24], [sflag:$0x1] =	stream.indirect_vreg.gather [hbm4b:s4+s2], $0x80, v20, vm0, $0xb8;
	[tilespmem:$0x1C600] =	vst v63  }
0x1e0: {  	v20 =	vld [tilespmem:$0xA0];
	_ =	sdelay $0x4  }
0x1e1: {  	v40 =	vshll.u32 v20, $0x2  }
0x1e2: {  	v20 =	vand.u32 $0x7, v20;
	v21 =	vand.u32 $0xFFFFFFE0, v40  }
0x1e3: {  	v20 =	vor.u32 v20, v21  }
0x1e4: {  	v21 =	vperm.xlane v20, v1;
	_ =	sdelay $0x1  }
0x1e5: {  	v21 =	vadd.s32 v2, v21;
	_ =	sdelay $0x1  }
0x1e6: {  	v20 =	vperm.xlane v20, v4;
	_ =	sdelay $0x1  }
0x1e7: {  	v20 =	vadd.s32 v2, v20  }
0x1e8: {  	[tilespmem:s26], [sflag:$0x1] =	stream.indirect_vreg.gather [hbm4b:s3+s2], $0x80, v21, vm0, $0xb8;
	[tilespmem:$0x1C600] =	vst v63  }
0x1e9: {  	_ = 	snop  }
0x1ea: {  	[tilespmem:s28], [sflag:$0x1] =	stream.indirect_vreg.gather [hbm4b:s4+s2], $0x80, v21, vm0, $0xb8;
	[tilespmem:$0x1C600] =	vst v63  }
0x1eb: {  	_ = 	snop  }
0x1ec: {  	[tilespmem:s29], [sflag:$0x1] =	stream.indirect_vreg.gather [hbm4b:s3+s2], $0x80, v20, vm0, $0xb8;
	[tilespmem:$0x1C600] =	vst v63  }
0x1ed: {  	_ = 	snop  }
0x1ee: {  	[tilespmem:s30], [sflag:$0x1] =	stream.indirect_vreg.gather [hbm4b:s4+s2], $0x80, v20, vm0, $0xb8;
	[tilespmem:$0x1C600] =	vst v63  }
0x1ef: {  	v20 =	vld [tilespmem:$0xB0];
	_ =	sdelay $0x4  }
0x1f0: {  	v41 =	vshll.u32 v20, $0x2  }
0x1f1: {  	v20 =	vand.u32 $0x7, v20;
	v21 =	vand.u32 $0xFFFFFFE0, v41  }
0x1f2: {  	v20 =	vor.u32 v20, v21  }
0x1f3: {  	v21 =	vperm.xlane v20, v1;
	_ =	sdelay $0x1  }
0x1f4: {  	v21 =	vadd.s32 v2, v21;
	_ =	sdelay $0x1  }
0x1f5: {  	v20 =	vperm.xlane v20, v4;
	_ =	sdelay $0x1  }
0x1f6: {  	v20 =	vadd.s32 v2, v20  }
0x1f7: {  	[tilespmem:s31], [sflag:$0x1] =	stream.indirect_vreg.gather [hbm4b:s3+s2], $0x80, v21, vm0, $0xb8;
	[tilespmem:$0x1C600] =	vst v63  }
0x1f8: {  	_ = 	snop  }
0x1f9: {  	[tilespmem:s12], [sflag:$0x1] =	stream.indirect_vreg.gather [hbm4b:s4+s2], $0x80, v21, vm0, $0xb8;
	[tilespmem:$0x1C600] =	vst v63  }
0x1fa: {  	_ = 	snop  }
0x1fb: {  	[tilespmem:s11], [sflag:$0x1] =	stream.indirect_vreg.gather [hbm4b:s3+s2], $0x80, v20, vm0, $0xb8;
	[tilespmem:$0x1C600] =	vst v63  }
0x1fc: {  	s7 =	simm.s32 $0x2  }
0x1fd: {  	[tilespmem:s10], [sflag:$0x1] =	stream.indirect_vreg.gather [hbm4b:s4+s2], $0x80, v20, vm0, $0xb8;
	[tilespmem:$0x1C600] =	vst v63  }
0x1fe: {  	_ =	swait.ge [sflag:s7], $0x8000  }
0x1ff: {  	[sflag:s7] =	ssyncset.done $0x0  }
0x200: {  	[sflag:s7] =	ssyncadd.s32 $0xFFFF8000  }
0x201: {  	v42 =	vld.idx.msk [tilespmem:v8+s25+$0x0], $0xffff;
	_ =	sdelay $0x4  }
0x202: {  	v20 =	vtrunc.f32 v42  }
0x203: {  	v20 =	vcvt.f32.s32 v20;
	_ =	sdelay $0x1  }
0x204: {  	[tilespmem:$0x280] =	vst v20  }
0x205: {  	v43 =	vld.idx.msk [tilespmem:v9+s25+$0x0], $0xffff;
	_ =	sdelay $0x4  }
0x206: {  	v21 =	vtrunc.f32 v43  }
0x207: {  	v21 =	vcvt.f32.s32 v21;
	_ =	sdelay $0x1  }
0x208: {  	[tilespmem:$0x290] =	vst v21  }
0x209: {  	v21 =	vld.idx.msk [tilespmem:v10+s25+$0x0], $0xffff;
	_ =	sdelay $0x4  }
0x20a: {  	v21 =	vtrunc.f32 v21  }
0x20b: {  	v21 =	vcvt.f32.s32 v21;
	_ =	sdelay $0x1  }
0x20c: {  	v44 =	vshll.u32 v20, $0x2;
	[tilespmem:$0x2A0] =	vst v21  }
0x20d: {  	v20 =	vand.u32 $0x7, v20;
	v21 =	vand.u32 $0xFFFFFFE0, v44;
	v45 =	vld.idx.msk [tilespmem:v11+s25+$0x0], $0xffff  }
0x20e: {  	v20 =	vor.u32 v20, v21  }
0x20f: {  	v21 =	vperm.xlane v20, v1;
	_ =	sdelay $0x1  }
0x210: {  	v21 =	vadd.s32 v2, v21  }
0x211: {  	v22 =	vtrunc.f32 v45  }
0x212: {  	v20 =	vperm.xlane v20, v4;
	v22 =	vcvt.f32.s32 v22;
	_ =	sdelay $0x1  }
0x213: {  	v20 =	vadd.s32 v2, v20;
	[tilespmem:$0x2B0] =	vst v22  }
0x214: {  	[tilespmem:s19], [sflag:$0x5] =	stream.indirect_vreg.gather [hbm4b:s3+s2], $0x80, v21, vm0, $0xb8;
	[tilespmem:$0x1C600] =	vst v63  }
0x215: {  	s11 =	simm.s32 $0x14B00  }
0x216: {  	[tilespmem:s11], [sflag:$0x5] =	stream.indirect_vreg.gather [hbm4b:s4+s2], $0x80, v21, vm0, $0xb8;
	[tilespmem:$0x1C600] =	vst v63  }
0x217: {  	s30 =	simm.s32 $0x15300  }
0x218: {  	[tilespmem:s30], [sflag:$0x5] =	stream.indirect_vreg.gather [hbm4b:s3+s2], $0x80, v20, vm0, $0xb8;
	[tilespmem:$0x1C600] =	vst v63  }
0x219: {  	_ = 	snop  }
0x21a: {  	[tilespmem:s15], [sflag:$0x5] =	stream.indirect_vreg.gather [hbm4b:s4+s2], $0x80, v20, vm0, $0xb8;
	[tilespmem:$0x1C600] =	vst v63  }
0x21b: {  	v20 =	vld [tilespmem:$0x290];
	_ =	sdelay $0x4  }
0x21c: {  	v46 =	vshll.u32 v20, $0x2  }
0x21d: {  	v20 =	vand.u32 $0x7, v20;
	v21 =	vand.u32 $0xFFFFFFE0, v46  }
0x21e: {  	v20 =	vor.u32 v20, v21  }
0x21f: {  	v21 =	vperm.xlane v20, v1;
	_ =	sdelay $0x1  }
0x220: {  	v21 =	vadd.s32 v2, v21;
	_ =	sdelay $0x1  }
0x221: {  	v20 =	vperm.xlane v20, v4;
	_ =	sdelay $0x1  }
0x222: {  	v20 =	vadd.s32 v2, v20  }
0x223: {  	[tilespmem:s16], [sflag:$0x5] =	stream.indirect_vreg.gather [hbm4b:s3+s2], $0x80, v21, vm0, $0xb8;
	[tilespmem:$0x1C600] =	vst v63  }
0x224: {  	_ = 	snop  }
0x225: {  	[tilespmem:s18], [sflag:$0x5] =	stream.indirect_vreg.gather [hbm4b:s4+s2], $0x80, v21, vm0, $0xb8;
	[tilespmem:$0x1C600] =	vst v63  }
0x226: {  	s12 =	simm.s32 $0x17300  }
0x227: {  	[tilespmem:s12], [sflag:$0x5] =	stream.indirect_vreg.gather [hbm4b:s3+s2], $0x80, v20, vm0, $0xb8;
	[tilespmem:$0x1C600] =	vst v63  }
0x228: {  	s26 =	simm.s32 $0x17B00  }
0x229: {  	[tilespmem:s26], [sflag:$0x5] =	stream.indirect_vreg.gather [hbm4b:s4+s2], $0x80, v20, vm0, $0xb8;
	[tilespmem:$0x1C600] =	vst v63  }
0x22a: {  	v20 =	vld [tilespmem:$0x2A0];
	_ =	sdelay $0x4  }
0x22b: {  	v47 =	vshll.u32 v20, $0x2  }
0x22c: {  	v20 =	vand.u32 $0x7, v20;
	v21 =	vand.u32 $0xFFFFFFE0, v47  }
0x22d: {  	v20 =	vor.u32 v20, v21  }
0x22e: {  	v21 =	vperm.xlane v20, v1;
	_ =	sdelay $0x1  }
0x22f: {  	v21 =	vadd.s32 v2, v21;
	_ =	sdelay $0x1  }
0x230: {  	v20 =	vperm.xlane v20, v4;
	_ =	sdelay $0x1  }
0x231: {  	s17 =	simm.s32 $0x18300;
	v20 =	vadd.s32 v2, v20  }
0x232: {  	[tilespmem:s17], [sflag:$0x5] =	stream.indirect_vreg.gather [hbm4b:s3+s2], $0x80, v21, vm0, $0xb8;
	[tilespmem:$0x1C600] =	vst v63  }
0x233: {  	s20 =	simm.s32 $0x18B00  }
0x234: {  	[tilespmem:s20], [sflag:$0x5] =	stream.indirect_vreg.gather [hbm4b:s4+s2], $0x80, v21, vm0, $0xb8;
	[tilespmem:$0x1C600] =	vst v63  }
0x235: {  	s21 =	simm.s32 $0x19300  }
0x236: {  	[tilespmem:s21], [sflag:$0x5] =	stream.indirect_vreg.gather [hbm4b:s3+s2], $0x80, v20, vm0, $0xb8;
	[tilespmem:$0x1C600] =	vst v63  }
0x237: {  	s28 =	simm.s32 $0x19B00  }
0x238: {  	[tilespmem:s28], [sflag:$0x5] =	stream.indirect_vreg.gather [hbm4b:s4+s2], $0x80, v20, vm0, $0xb8;
	[tilespmem:$0x1C600] =	vst v63  }
0x239: {  	v20 =	vld [tilespmem:$0x2B0];
	_ =	sdelay $0x4  }
0x23a: {  	v48 =	vshll.u32 v20, $0x2  }
0x23b: {  	v20 =	vand.u32 $0x7, v20;
	v21 =	vand.u32 $0xFFFFFFE0, v48  }
0x23c: {  	v20 =	vor.u32 v20, v21  }
0x23d: {  	v21 =	vperm.xlane v20, v1;
	_ =	sdelay $0x1  }
0x23e: {  	v21 =	vadd.s32 v2, v21;
	_ =	sdelay $0x1  }
0x23f: {  	v20 =	vperm.xlane v20, v4;
	_ =	sdelay $0x1  }
0x240: {  	s22 =	simm.s32 $0x1A300;
	v20 =	vadd.s32 v2, v20  }
0x241: {  	[tilespmem:s22], [sflag:$0x5] =	stream.indirect_vreg.gather [hbm4b:s3+s2], $0x80, v21, vm0, $0xb8;
	[tilespmem:$0x1C600] =	vst v63  }
0x242: {  	s23 =	simm.s32 $0x1AB00  }
0x243: {  	[tilespmem:s23], [sflag:$0x5] =	stream.indirect_vreg.gather [hbm4b:s4+s2], $0x80, v21, vm0, $0xb8;
	[tilespmem:$0x1C600] =	vst v63  }
0x244: {  	s24 =	simm.s32 $0x1B300  }
0x245: {  	[tilespmem:s24], [sflag:$0x5] =	stream.indirect_vreg.gather [hbm4b:s3+s2], $0x80, v20, vm0, $0xb8;
	[tilespmem:$0x1C600] =	vst v63  }
0x246: {  	s14 =	simm.s32 $0x1BB00  }
0x247: {  	[tilespmem:s14], [sflag:$0x5] =	stream.indirect_vreg.gather [hbm4b:s4+s2], $0x80, v20, vm0, $0xb8;
	[tilespmem:$0x1C600] =	vst v63  }
0x248: {  	_ =	swait.ge [sflag:s13], $0x8000  }
0x249: {  	[sflag:s13] =	ssyncset.done $0x0  }
0x24a: {  	[sflag:s13] =	ssyncadd.s32 $0xFFFF8000  }
0x24b: {  	v49 =	vld.idx.msk [tilespmem:v6+s25+$0x0], $0xffff  }
0x24c: {  	v50 =	vld.idx.msk [tilespmem:v7+s25+$0x0], $0xffff  }
0x24d: {  	v51 =	vld.idx.msk [tilespmem:v6+s19+$0x0], $0xffff  }
0x24e: {  	v52 =	vld.idx.msk [tilespmem:v7+s19+$0x0], $0xffff;
	_ =	sdelay $0x4  }
0x24f: {  	v22 =	vsub.f32 v49, v51;
	v23 =	vsub.f32 v50, v52;
	_ =	sdelay $0x1  }
0x250: {  	v22 =	vmul.f32 v22, v22;
	v23 =	vmul.f32 v23, v23;
	_ =	sdelay $0x1  }
0x251: {  	v22 =	vadd.f32 v23, v22;
	_ =	sdelay $0x1  }
0x252: {  	v22 =	vmul.f32 v22, v18;
	_ =	sdelay $0x1  }
0x253: {  	v53 =	vshra.s32 v22, $0x1;
	v54 =	vmul.f32 $5.000000000e-01, v22  }
0x254: {  	v23 =	vsub.s32 $0x5F3759DF, v53  }
0x255: {  	v55 =	vmul.f32 v23, v54;
	_ =	sdelay $0x1  }
0x256: {  	v25 =	vmul.f32 v23, v55;
	_ =	sdelay $0x1  }
0x257: {  	v25 =	vsub.f32 $1.500000000e+00, v25;
	_ =	sdelay $0x1  }
0x258: {  	v23 =	vmul.f32 v23, v25;
	_ =	sdelay $0x1  }
0x259: {  	v25 =	vmul.f32 v23, v54;
	_ =	sdelay $0x1  }
0x25a: {  	v25 =	vmul.f32 v25, v23;
	_ =	sdelay $0x1  }
0x25b: {  	v25 =	vsub.f32 $1.500000000e+00, v25;
	_ =	sdelay $0x1  }
0x25c: {  	v23 =	vmul.f32 v25, v23;
	_ =	sdelay $0x1  }
0x25d: {  	v25 =	vmul.f32 v23, v54;
	_ =	sdelay $0x1  }
0x25e: {  	v25 =	vmul.f32 v25, v23;
	_ =	sdelay $0x1  }
0x25f: {  	v25 =	vsub.f32 $1.500000000e+00, v25;
	_ =	sdelay $0x1  }
0x260: {  	v23 =	vmul.f32 v25, v23;
	_ =	sdelay $0x1  }
0x261: {  	v24 =	vmul.f32 v23, v54;
	_ =	sdelay $0x1  }
0x262: {  	v24 =	vmul.f32 v24, v23;
	_ =	sdelay $0x1  }
0x263: {  	v24 =	vsub.f32 $1.500000000e+00, v24;
	_ =	sdelay $0x1  }
0x264: {  	v56 =	vld [tilespmem:$0x40];
	v23 =	vmul.f32 v24, v23;
	_ =	sdelay $0x1  }
0x265: {  	v22 =	vmul.f32 v23, v22;
	_ =	sdelay $0x1  }
0x266: {  	v22 =	vmul.f32 v22, v19  }
0x267: {  	vm1 =	veq.s32 v56, $0x0;
	[tilespmem:$0x1C340] =	vst v49  }
0x268: {  	[tilespmem:$0x1C440] =	vst v50;
	v22 =	vsel vm1, $0x3F800000, v22  }
0x269: {  	[tilespmem:$0x1C540] =	vst v22  }
0x26a: {  	v20 =	vld.idx.msk [tilespmem:v12+s25+$0x0], $0xffff  }
0x26b: {  	v21 =	vld.idx.msk [tilespmem:v13+s25+$0x0], $0xffff  }
0x26c: {  	v22 =	vld.idx.msk [tilespmem:v12+s19+$0x0], $0xffff  }
0x26d: {  	v57 =	vld.idx.msk [tilespmem:v13+s19+$0x0], $0xffff;
	_ =	sdelay $0x4  }
0x26e: {  	v22 =	vsub.f32 v20, v22;
	v23 =	vsub.f32 v21, v57;
	_ =	sdelay $0x1  }
0x26f: {  	v22 =	vmul.f32 v22, v22;
	v23 =	vmul.f32 v23, v23;
	_ =	sdelay $0x1  }
0x270: {  	v22 =	vadd.f32 v23, v22;
	_ =	sdelay $0x1  }
0x271: {  	v22 =	vmul.f32 v22, v18;
	_ =	sdelay $0x1  }
0x272: {  	v58 =	vshra.s32 v22, $0x1;
	v59 =	vmul.f32 $5.000000000e-01, v22  }
0x273: {  	v23 =	vsub.s32 $0x5F3759DF, v58  }
0x274: {  	v60 =	vmul.f32 v23, v59;
	_ =	sdelay $0x1  }
0x275: {  	v25 =	vmul.f32 v23, v60;
	_ =	sdelay $0x1  }
0x276: {  	v25 =	vsub.f32 $1.500000000e+00, v25;
	_ =	sdelay $0x1  }
0x277: {  	v23 =	vmul.f32 v23, v25;
	_ =	sdelay $0x1  }
0x278: {  	v25 =	vmul.f32 v23, v59;
	_ =	sdelay $0x1  }
0x279: {  	v25 =	vmul.f32 v25, v23;
	_ =	sdelay $0x1  }
0x27a: {  	v25 =	vsub.f32 $1.500000000e+00, v25;
	_ =	sdelay $0x1  }
0x27b: {  	v23 =	vmul.f32 v25, v23;
	_ =	sdelay $0x1  }
0x27c: {  	v25 =	vmul.f32 v23, v59;
	_ =	sdelay $0x1  }
0x27d: {  	v25 =	vmul.f32 v25, v23;
	_ =	sdelay $0x1  }
0x27e: {  	v25 =	vsub.f32 $1.500000000e+00, v25;
	_ =	sdelay $0x1  }
0x27f: {  	v23 =	vmul.f32 v25, v23;
	_ =	sdelay $0x1  }
0x280: {  	v24 =	vmul.f32 v23, v59;
	_ =	sdelay $0x1  }
0x281: {  	v24 =	vmul.f32 v24, v23;
	_ =	sdelay $0x1  }
0x282: {  	v24 =	vsub.f32 $1.500000000e+00, v24;
	_ =	sdelay $0x1  }
0x283: {  	v61 =	vld [tilespmem:$0x50];
	v23 =	vmul.f32 v24, v23;
	_ =	sdelay $0x1  }
0x284: {  	v22 =	vmul.f32 v23, v22;
	_ =	sdelay $0x1  }
0x285: {  	v22 =	vmul.f32 v22, v19  }
0x286: {  	vm1 =	veq.s32 v61, $0x0;
	[tilespmem:$0x1C350] =	vst v20  }
0x287: {  	[tilespmem:$0x1C450] =	vst v21;
	v22 =	vsel vm1, $0x3F800000, v22  }
0x288: {  	[tilespmem:$0x1C550] =	vst v22  }
0x289: {  	v20 =	vld.idx.msk [tilespmem:v14+s25+$0x0], $0xffff  }
0x28a: {  	v21 =	vld.idx.msk [tilespmem:v15+s25+$0x0], $0xffff  }
0x28b: {  	v22 =	vld.idx.msk [tilespmem:v14+s19+$0x0], $0xffff  }
0x28c: {  	v62 =	vld.idx.msk [tilespmem:v15+s19+$0x0], $0xffff;
	_ =	sdelay $0x4  }
0x28d: {  	v22 =	vsub.f32 v20, v22;
	v23 =	vsub.f32 v21, v62;
	_ =	sdelay $0x1  }
0x28e: {  	v22 =	vmul.f32 v22, v22;
	v23 =	vmul.f32 v23, v23;
	_ =	sdelay $0x1  }
0x28f: {  	v22 =	vadd.f32 v23, v22;
	_ =	sdelay $0x1  }
0x290: {  	v22 =	vmul.f32 v22, v18;
	_ =	sdelay $0x1  }
0x291: {  	v63 =	vshra.s32 v22, $0x1;
	v28 =	vmul.f32 $5.000000000e-01, v22  }
0x292: {  	v23 =	vsub.s32 $0x5F3759DF, v63  }
0x293: {  	v29 =	vmul.f32 v23, v28;
	_ =	sdelay $0x1  }
0x294: {  	v25 =	vmul.f32 v23, v29;
	_ =	sdelay $0x1  }
0x295: {  	v25 =	vsub.f32 $1.500000000e+00, v25;
	_ =	sdelay $0x1  }
0x296: {  	v23 =	vmul.f32 v23, v25;
	_ =	sdelay $0x1  }
0x297: {  	v25 =	vmul.f32 v23, v28;
	_ =	sdelay $0x1  }
0x298: {  	v25 =	vmul.f32 v25, v23;
	_ =	sdelay $0x1  }
0x299: {  	v25 =	vsub.f32 $1.500000000e+00, v25;
	_ =	sdelay $0x1  }
0x29a: {  	v23 =	vmul.f32 v25, v23;
	_ =	sdelay $0x1  }
0x29b: {  	v25 =	vmul.f32 v23, v28;
	_ =	sdelay $0x1  }
0x29c: {  	v25 =	vmul.f32 v25, v23;
	_ =	sdelay $0x1  }
0x29d: {  	v25 =	vsub.f32 $1.500000000e+00, v25;
	_ =	sdelay $0x1  }
0x29e: {  	v23 =	vmul.f32 v25, v23;
	_ =	sdelay $0x1  }
0x29f: {  	v24 =	vmul.f32 v23, v28;
	_ =	sdelay $0x1  }
0x2a0: {  	v24 =	vmul.f32 v24, v23;
	_ =	sdelay $0x1  }
0x2a1: {  	v24 =	vsub.f32 $1.500000000e+00, v24;
	_ =	sdelay $0x1  }
0x2a2: {  	v30 =	vld [tilespmem:$0x60];
	v23 =	vmul.f32 v24, v23;
	_ =	sdelay $0x1  }
0x2a3: {  	v22 =	vmul.f32 v23, v22;
	_ =	sdelay $0x1  }
0x2a4: {  	v22 =	vmul.f32 v22, v19  }
0x2a5: {  	vm1 =	veq.s32 v30, $0x0;
	[tilespmem:$0x1C360] =	vst v20  }
0x2a6: {  	[tilespmem:$0x1C460] =	vst v21;
	v22 =	vsel vm1, $0x3F800000, v22  }
0x2a7: {  	[tilespmem:$0x1C560] =	vst v22  }
0x2a8: {  	v20 =	vld.idx.msk [tilespmem:v16+s25+$0x0], $0xffff  }
0x2a9: {  	v21 =	vld.idx.msk [tilespmem:v17+s25+$0x0], $0xffff  }
0x2aa: {  	v22 =	vld.idx.msk [tilespmem:v16+s19+$0x0], $0xffff  }
0x2ab: {  	v31 =	vld.idx.msk [tilespmem:v17+s19+$0x0], $0xffff;
	_ =	sdelay $0x4  }
0x2ac: {  	v22 =	vsub.f32 v20, v22;
	v23 =	vsub.f32 v21, v31;
	_ =	sdelay $0x1  }
0x2ad: {  	v22 =	vmul.f32 v22, v22;
	v23 =	vmul.f32 v23, v23;
	_ =	sdelay $0x1  }
0x2ae: {  	v22 =	vadd.f32 v23, v22;
	_ =	sdelay $0x1  }
0x2af: {  	v22 =	vmul.f32 v22, v18;
	_ =	sdelay $0x1  }
0x2b0: {  	v32 =	vshra.s32 v22, $0x1;
	v33 =	vmul.f32 $5.000000000e-01, v22  }
0x2b1: {  	v23 =	vsub.s32 $0x5F3759DF, v32  }
0x2b2: {  	v34 =	vmul.f32 v23, v33;
	_ =	sdelay $0x1  }
0x2b3: {  	v25 =	vmul.f32 v23, v34;
	_ =	sdelay $0x1  }
0x2b4: {  	v25 =	vsub.f32 $1.500000000e+00, v25;
	_ =	sdelay $0x1  }
0x2b5: {  	v23 =	vmul.f32 v23, v25;
	_ =	sdelay $0x1  }
0x2b6: {  	v25 =	vmul.f32 v23, v33;
	_ =	sdelay $0x1  }
0x2b7: {  	v25 =	vmul.f32 v25, v23;
	_ =	sdelay $0x1  }
0x2b8: {  	v25 =	vsub.f32 $1.500000000e+00, v25;
	_ =	sdelay $0x1  }
0x2b9: {  	v23 =	vmul.f32 v25, v23;
	_ =	sdelay $0x1  }
0x2ba: {  	v25 =	vmul.f32 v23, v33;
	_ =	sdelay $0x1  }
0x2bb: {  	v25 =	vmul.f32 v25, v23;
	_ =	sdelay $0x1  }
0x2bc: {  	v25 =	vsub.f32 $1.500000000e+00, v25;
	_ =	sdelay $0x1  }
0x2bd: {  	v23 =	vmul.f32 v25, v23;
	_ =	sdelay $0x1  }
0x2be: {  	v24 =	vmul.f32 v23, v33;
	_ =	sdelay $0x1  }
0x2bf: {  	v24 =	vmul.f32 v24, v23;
	_ =	sdelay $0x1  }
0x2c0: {  	v24 =	vsub.f32 $1.500000000e+00, v24;
	_ =	sdelay $0x1  }
0x2c1: {  	v35 =	vld [tilespmem:$0x70];
	v23 =	vmul.f32 v24, v23;
	_ =	sdelay $0x1  }
0x2c2: {  	v22 =	vmul.f32 v23, v22;
	_ =	sdelay $0x1  }
0x2c3: {  	v22 =	vmul.f32 v22, v19  }
0x2c4: {  	vm1 =	veq.s32 v35, $0x0;
	[tilespmem:$0x1C370] =	vst v20  }
0x2c5: {  	[tilespmem:$0x1C470] =	vst v21;
	v22 =	vsel vm1, $0x3F800000, v22  }
0x2c6: {  	s10 =	rddreg [dreg:$0x7];
	[tilespmem:$0x1C570] =	vst v22  }
0x2c7: {  	[hbm4b:s10+s2] =	stream.linear.scatter [tilespmem:s25], [sflag:$0x4], $0x8000, $0x38;
	[tilespmem:$0x1C600] =	vst v63  }
0x2c8: {  	s10 =	simm.s32 $0x4  }
0x2c9: {  	_ =	swait.ge [sflag:s10], $0x8000  }
0x2ca: {  	[sflag:s10] =	ssyncset.done $0x0  }
0x2cb: {  	[sflag:s10] =	ssyncadd.s32 $0xFFFF8000  }
0x2cc: {  	v36 =	vld [tilespmem:$0xC0];
	_ =	sdelay $0x4  }
0x2cd: {  	v37 =	vshll.u32 v36, $0x2  }
0x2ce: {  	v20 =	vand.u32 $0x7, v36;
	v21 =	vand.u32 $0xFFFFFFE0, v37  }
0x2cf: {  	v20 =	vor.u32 v20, v21  }
0x2d0: {  	v21 =	vperm.xlane v20, v1;
	_ =	sdelay $0x1  }
0x2d1: {  	v21 =	vadd.s32 v2, v21;
	_ =	sdelay $0x1  }
0x2d2: {  	v20 =	vperm.xlane v20, v4;
	_ =	sdelay $0x1  }
0x2d3: {  	v20 =	vadd.s32 v2, v20  }
0x2d4: {  	[tilespmem:s25], [sflag:$0x2] =	stream.indirect_vreg.gather [hbm4b:s3+s2], $0x80, v21, vm0, $0xb8;
	[tilespmem:$0x1C600] =	vst v63  }
0x2d5: {  	s14 =	simm.s32 $0xCB00  }
0x2d6: {  	[tilespmem:s14], [sflag:$0x2] =	stream.indirect_vreg.gather [hbm4b:s4+s2], $0x80, v21, vm0, $0xb8;
	[tilespmem:$0x1C600] =	vst v63  }
0x2d7: {  	s14 =	simm.s32 $0xD300  }
0x2d8: {  	[tilespmem:s14], [sflag:$0x2] =	stream.indirect_vreg.gather [hbm4b:s3+s2], $0x80, v20, vm0, $0xb8;
	[tilespmem:$0x1C600] =	vst v63  }
0x2d9: {  	s14 =	simm.s32 $0xDB00  }
0x2da: {  	[tilespmem:s14], [sflag:$0x2] =	stream.indirect_vreg.gather [hbm4b:s4+s2], $0x80, v20, vm0, $0xb8;
	[tilespmem:$0x1C600] =	vst v63  }
0x2db: {  	v20 =	vld [tilespmem:$0xD0];
	_ =	sdelay $0x4  }
0x2dc: {  	v38 =	vshll.u32 v20, $0x2  }
0x2dd: {  	v20 =	vand.u32 $0x7, v20;
	v21 =	vand.u32 $0xFFFFFFE0, v38  }
0x2de: {  	v20 =	vor.u32 v20, v21  }
0x2df: {  	v21 =	vperm.xlane v20, v1;
	_ =	sdelay $0x1  }
0x2e0: {  	v21 =	vadd.s32 v2, v21;
	_ =	sdelay $0x1  }
0x2e1: {  	v20 =	vperm.xlane v20, v4;
	_ =	sdelay $0x1  }
0x2e2: {  	s14 =	simm.s32 $0xE300;
	v20 =	vadd.s32 v2, v20  }
0x2e3: {  	[tilespmem:s14], [sflag:$0x2] =	stream.indirect_vreg.gather [hbm4b:s3+s2], $0x80, v21, vm0, $0xb8;
	[tilespmem:$0x1C600] =	vst v63  }
0x2e4: {  	s14 =	simm.s32 $0xEB00  }
0x2e5: {  	[tilespmem:s14], [sflag:$0x2] =	stream.indirect_vreg.gather [hbm4b:s4+s2], $0x80, v21, vm0, $0xb8;
	[tilespmem:$0x1C600] =	vst v63  }
0x2e6: {  	s14 =	simm.s32 $0xF300  }
0x2e7: {  	[tilespmem:s14], [sflag:$0x2] =	stream.indirect_vreg.gather [hbm4b:s3+s2], $0x80, v20, vm0, $0xb8;
	[tilespmem:$0x1C600] =	vst v63  }
0x2e8: {  	s14 =	simm.s32 $0xFB00  }
0x2e9: {  	[tilespmem:s14], [sflag:$0x2] =	stream.indirect_vreg.gather [hbm4b:s4+s2], $0x80, v20, vm0, $0xb8;
	[tilespmem:$0x1C600] =	vst v63  }
0x2ea: {  	v20 =	vld [tilespmem:$0xE0];
	_ =	sdelay $0x4  }
0x2eb: {  	v39 =	vshll.u32 v20, $0x2  }
0x2ec: {  	v20 =	vand.u32 $0x7, v20;
	v21 =	vand.u32 $0xFFFFFFE0, v39  }
0x2ed: {  	v20 =	vor.u32 v20, v21  }
0x2ee: {  	v21 =	vperm.xlane v20, v1;
	_ =	sdelay $0x1  }
0x2ef: {  	v21 =	vadd.s32 v2, v21;
	_ =	sdelay $0x1  }
0x2f0: {  	v20 =	vperm.xlane v20, v4;
	_ =	sdelay $0x1  }
0x2f1: {  	s14 =	simm.s32 $0x10300;
	v20 =	vadd.s32 v2, v20  }
0x2f2: {  	[tilespmem:s14], [sflag:$0x2] =	stream.indirect_vreg.gather [hbm4b:s3+s2], $0x80, v21, vm0, $0xb8;
	[tilespmem:$0x1C600] =	vst v63  }
0x2f3: {  	s14 =	simm.s32 $0x10B00  }
0x2f4: {  	[tilespmem:s14], [sflag:$0x2] =	stream.indirect_vreg.gather [hbm4b:s4+s2], $0x80, v21, vm0, $0xb8;
	[tilespmem:$0x1C600] =	vst v63  }
0x2f5: {  	s14 =	simm.s32 $0x11300  }
0x2f6: {  	[tilespmem:s14], [sflag:$0x2] =	stream.indirect_vreg.gather [hbm4b:s3+s2], $0x80, v20, vm0, $0xb8;
	[tilespmem:$0x1C600] =	vst v63  }
0x2f7: {  	s14 =	simm.s32 $0x11B00  }
0x2f8: {  	[tilespmem:s14], [sflag:$0x2] =	stream.indirect_vreg.gather [hbm4b:s4+s2], $0x80, v20, vm0, $0xb8;
	[tilespmem:$0x1C600] =	vst v63  }
0x2f9: {  	v20 =	vld [tilespmem:$0xF0];
	_ =	sdelay $0x4  }
0x2fa: {  	v40 =	vshll.u32 v20, $0x2  }
0x2fb: {  	v20 =	vand.u32 $0x7, v20;
	v21 =	vand.u32 $0xFFFFFFE0, v40  }
0x2fc: {  	v20 =	vor.u32 v20, v21  }
0x2fd: {  	v21 =	vperm.xlane v20, v1;
	_ =	sdelay $0x1  }
0x2fe: {  	v21 =	vadd.s32 v2, v21;
	_ =	sdelay $0x1  }
0x2ff: {  	v20 =	vperm.xlane v20, v4;
	_ =	sdelay $0x1  }
0x300: {  	s14 =	simm.s32 $0x12300;
	v20 =	vadd.s32 v2, v20  }
0x301: {  	[tilespmem:s14], [sflag:$0x2] =	stream.indirect_vreg.gather [hbm4b:s3+s2], $0x80, v21, vm0, $0xb8;
	[tilespmem:$0x1C600] =	vst v63  }
0x302: {  	s14 =	simm.s32 $0x12B00  }
0x303: {  	[tilespmem:s14], [sflag:$0x2] =	stream.indirect_vreg.gather [hbm4b:s4+s2], $0x80, v21, vm0, $0xb8;
	[tilespmem:$0x1C600] =	vst v63  }
0x304: {  	s14 =	simm.s32 $0x13300  }
0x305: {  	[tilespmem:s14], [sflag:$0x2] =	stream.indirect_vreg.gather [hbm4b:s3+s2], $0x80, v20, vm0, $0xb8;
	[tilespmem:$0x1C600] =	vst v63  }
0x306: {  	s14 =	simm.s32 $0x13B00  }
0x307: {  	[tilespmem:s14], [sflag:$0x2] =	stream.indirect_vreg.gather [hbm4b:s4+s2], $0x80, v20, vm0, $0xb8;
	[tilespmem:$0x1C600] =	vst v63  }
0x308: {  	_ =	swait.ge [sflag:s0], $0x8000  }
0x309: {  	[sflag:s0] =	ssyncset.done $0x0  }
0x30a: {  	[sflag:s0] =	ssyncadd.s32 $0xFFFF8000  }
0x30b: {  	v41 =	vld.idx.msk [tilespmem:v8+s9+$0x0], $0xffff;
	_ =	sdelay $0x4  }
0x30c: {  	v20 =	vtrunc.f32 v41  }
0x30d: {  	v20 =	vcvt.f32.s32 v20;
	_ =	sdelay $0x1  }
0x30e: {  	[tilespmem:$0x280] =	vst v20  }
0x30f: {  	v42 =	vld.idx.msk [tilespmem:v9+s9+$0x0], $0xffff;
	_ =	sdelay $0x4  }
0x310: {  	v21 =	vtrunc.f32 v42  }
0x311: {  	v21 =	vcvt.f32.s32 v21;
	_ =	sdelay $0x1  }
0x312: {  	[tilespmem:$0x290] =	vst v21  }
0x313: {  	v21 =	vld.idx.msk [tilespmem:v10+s9+$0x0], $0xffff;
	_ =	sdelay $0x4  }
0x314: {  	v21 =	vtrunc.f32 v21  }
0x315: {  	v21 =	vcvt.f32.s32 v21;
	_ =	sdelay $0x1  }
0x316: {  	v43 =	vshll.u32 v20, $0x2;
	[tilespmem:$0x2A0] =	vst v21  }
0x317: {  	v20 =	vand.u32 $0x7, v20;
	v21 =	vand.u32 $0xFFFFFFE0, v43;
	v44 =	vld.idx.msk [tilespmem:v11+s9+$0x0], $0xffff  }
0x318: {  	v20 =	vor.u32 v20, v21  }
0x319: {  	v21 =	vperm.xlane v20, v1;
	_ =	sdelay $0x1  }
0x31a: {  	v21 =	vadd.s32 v2, v21  }
0x31b: {  	v22 =	vtrunc.f32 v44  }
0x31c: {  	v20 =	vperm.xlane v20, v4;
	v22 =	vcvt.f32.s32 v22;
	_ =	sdelay $0x1  }
0x31d: {  	v20 =	vadd.s32 v2, v20;
	[tilespmem:$0x2B0] =	vst v22  }
0x31e: {  	[tilespmem:s19], [sflag:$0x5] =	stream.indirect_vreg.gather [hbm4b:s3+s2], $0x80, v21, vm0, $0xb8;
	[tilespmem:$0x1C600] =	vst v63  }
0x31f: {  	_ = 	snop  }
0x320: {  	[tilespmem:s11], [sflag:$0x5] =	stream.indirect_vreg.gather [hbm4b:s4+s2], $0x80, v21, vm0, $0xb8;
	[tilespmem:$0x1C600] =	vst v63  }
0x321: {  	_ = 	snop  }
0x322: {  	[tilespmem:s30], [sflag:$0x5] =	stream.indirect_vreg.gather [hbm4b:s3+s2], $0x80, v20, vm0, $0xb8;
	[tilespmem:$0x1C600] =	vst v63  }
0x323: {  	_ = 	snop  }
0x324: {  	[tilespmem:s15], [sflag:$0x5] =	stream.indirect_vreg.gather [hbm4b:s4+s2], $0x80, v20, vm0, $0xb8;
	[tilespmem:$0x1C600] =	vst v63  }
0x325: {  	v20 =	vld [tilespmem:$0x290];
	_ =	sdelay $0x4  }
0x326: {  	v45 =	vshll.u32 v20, $0x2  }
0x327: {  	v20 =	vand.u32 $0x7, v20;
	v21 =	vand.u32 $0xFFFFFFE0, v45  }
0x328: {  	v20 =	vor.u32 v20, v21  }
0x329: {  	v21 =	vperm.xlane v20, v1;
	_ =	sdelay $0x1  }
0x32a: {  	v21 =	vadd.s32 v2, v21;
	_ =	sdelay $0x1  }
0x32b: {  	v20 =	vperm.xlane v20, v4;
	_ =	sdelay $0x1  }
0x32c: {  	v20 =	vadd.s32 v2, v20  }
0x32d: {  	[tilespmem:s16], [sflag:$0x5] =	stream.indirect_vreg.gather [hbm4b:s3+s2], $0x80, v21, vm0, $0xb8;
	[tilespmem:$0x1C600] =	vst v63  }
0x32e: {  	_ = 	snop  }
0x32f: {  	[tilespmem:s18], [sflag:$0x5] =	stream.indirect_vreg.gather [hbm4b:s4+s2], $0x80, v21, vm0, $0xb8;
	[tilespmem:$0x1C600] =	vst v63  }
0x330: {  	_ = 	snop  }
0x331: {  	[tilespmem:s12], [sflag:$0x5] =	stream.indirect_vreg.gather [hbm4b:s3+s2], $0x80, v20, vm0, $0xb8;
	[tilespmem:$0x1C600] =	vst v63  }
0x332: {  	_ = 	snop  }
0x333: {  	[tilespmem:s26], [sflag:$0x5] =	stream.indirect_vreg.gather [hbm4b:s4+s2], $0x80, v20, vm0, $0xb8;
	[tilespmem:$0x1C600] =	vst v63  }
0x334: {  	v20 =	vld [tilespmem:$0x2A0];
	_ =	sdelay $0x4  }
0x335: {  	v46 =	vshll.u32 v20, $0x2  }
0x336: {  	v20 =	vand.u32 $0x7, v20;
	v21 =	vand.u32 $0xFFFFFFE0, v46  }
0x337: {  	v20 =	vor.u32 v20, v21  }
0x338: {  	v21 =	vperm.xlane v20, v1;
	_ =	sdelay $0x1  }
0x339: {  	v21 =	vadd.s32 v2, v21;
	_ =	sdelay $0x1  }
0x33a: {  	v20 =	vperm.xlane v20, v4;
	_ =	sdelay $0x1  }
0x33b: {  	v20 =	vadd.s32 v2, v20  }
0x33c: {  	[tilespmem:s17], [sflag:$0x5] =	stream.indirect_vreg.gather [hbm4b:s3+s2], $0x80, v21, vm0, $0xb8;
	[tilespmem:$0x1C600] =	vst v63  }
0x33d: {  	_ = 	snop  }
0x33e: {  	[tilespmem:s20], [sflag:$0x5] =	stream.indirect_vreg.gather [hbm4b:s4+s2], $0x80, v21, vm0, $0xb8;
	[tilespmem:$0x1C600] =	vst v63  }
0x33f: {  	_ = 	snop  }
0x340: {  	[tilespmem:s21], [sflag:$0x5] =	stream.indirect_vreg.gather [hbm4b:s3+s2], $0x80, v20, vm0, $0xb8;
	[tilespmem:$0x1C600] =	vst v63  }
0x341: {  	_ = 	snop  }
0x342: {  	[tilespmem:s28], [sflag:$0x5] =	stream.indirect_vreg.gather [hbm4b:s4+s2], $0x80, v20, vm0, $0xb8;
	[tilespmem:$0x1C600] =	vst v63  }
0x343: {  	v20 =	vld [tilespmem:$0x2B0];
	_ =	sdelay $0x4  }
0x344: {  	v47 =	vshll.u32 v20, $0x2  }
0x345: {  	v20 =	vand.u32 $0x7, v20;
	v21 =	vand.u32 $0xFFFFFFE0, v47  }
0x346: {  	v20 =	vor.u32 v20, v21  }
0x347: {  	v21 =	vperm.xlane v20, v1;
	_ =	sdelay $0x1  }
0x348: {  	v21 =	vadd.s32 v2, v21;
	_ =	sdelay $0x1  }
0x349: {  	v20 =	vperm.xlane v20, v4;
	_ =	sdelay $0x1  }
0x34a: {  	v20 =	vadd.s32 v2, v20  }
0x34b: {  	[tilespmem:s22], [sflag:$0x5] =	stream.indirect_vreg.gather [hbm4b:s3+s2], $0x80, v21, vm0, $0xb8;
	[tilespmem:$0x1C600] =	vst v63  }
0x34c: {  	_ = 	snop  }
0x34d: {  	[tilespmem:s23], [sflag:$0x5] =	stream.indirect_vreg.gather [hbm4b:s4+s2], $0x80, v21, vm0, $0xb8;
	[tilespmem:$0x1C600] =	vst v63  }
0x34e: {  	_ = 	snop  }
0x34f: {  	[tilespmem:s24], [sflag:$0x5] =	stream.indirect_vreg.gather [hbm4b:s3+s2], $0x80, v20, vm0, $0xb8;
	[tilespmem:$0x1C600] =	vst v63  }
0x350: {  	s29 =	simm.s32 $0x1BB00  }
0x351: {  	[tilespmem:s29], [sflag:$0x5] =	stream.indirect_vreg.gather [hbm4b:s4+s2], $0x80, v20, vm0, $0xb8;
	[tilespmem:$0x1C600] =	vst v63  }
0x352: {  	_ =	swait.ge [sflag:s13], $0x8000  }
0x353: {  	[sflag:s13] =	ssyncset.done $0x0  }
0x354: {  	[sflag:s13] =	ssyncadd.s32 $0xFFFF8000  }
0x355: {  	v48 =	vld.idx.msk [tilespmem:v6+s9+$0x0], $0xffff  }
0x356: {  	v49 =	vld.idx.msk [tilespmem:v7+s9+$0x0], $0xffff  }
0x357: {  	v50 =	vld.idx.msk [tilespmem:v6+s19+$0x0], $0xffff  }
0x358: {  	v51 =	vld.idx.msk [tilespmem:v7+s19+$0x0], $0xffff;
	_ =	sdelay $0x4  }
0x359: {  	v22 =	vsub.f32 v48, v50;
	v23 =	vsub.f32 v49, v51;
	_ =	sdelay $0x1  }
0x35a: {  	v22 =	vmul.f32 v22, v22;
	v23 =	vmul.f32 v23, v23;
	_ =	sdelay $0x1  }
0x35b: {  	v22 =	vadd.f32 v23, v22;
	_ =	sdelay $0x1  }
0x35c: {  	v22 =	vmul.f32 v22, v18;
	_ =	sdelay $0x1  }
0x35d: {  	v52 =	vshra.s32 v22, $0x1;
	v53 =	vmul.f32 $5.000000000e-01, v22  }
0x35e: {  	v23 =	vsub.s32 $0x5F3759DF, v52  }
0x35f: {  	v54 =	vmul.f32 v23, v53;
	_ =	sdelay $0x1  }
0x360: {  	v25 =	vmul.f32 v23, v54;
	_ =	sdelay $0x1  }
0x361: {  	v25 =	vsub.f32 $1.500000000e+00, v25;
	_ =	sdelay $0x1  }
0x362: {  	v23 =	vmul.f32 v23, v25;
	_ =	sdelay $0x1  }
0x363: {  	v25 =	vmul.f32 v23, v53;
	_ =	sdelay $0x1  }
0x364: {  	v25 =	vmul.f32 v25, v23;
	_ =	sdelay $0x1  }
0x365: {  	v25 =	vsub.f32 $1.500000000e+00, v25;
	_ =	sdelay $0x1  }
0x366: {  	v23 =	vmul.f32 v25, v23;
	_ =	sdelay $0x1  }
0x367: {  	v25 =	vmul.f32 v23, v53;
	_ =	sdelay $0x1  }
0x368: {  	v25 =	vmul.f32 v25, v23;
	_ =	sdelay $0x1  }
0x369: {  	v25 =	vsub.f32 $1.500000000e+00, v25;
	_ =	sdelay $0x1  }
0x36a: {  	v23 =	vmul.f32 v25, v23;
	_ =	sdelay $0x1  }
0x36b: {  	v24 =	vmul.f32 v23, v53;
	_ =	sdelay $0x1  }
0x36c: {  	v24 =	vmul.f32 v24, v23;
	_ =	sdelay $0x1  }
0x36d: {  	v24 =	vsub.f32 $1.500000000e+00, v24;
	_ =	sdelay $0x1  }
0x36e: {  	v55 =	vld [tilespmem:$0x80];
	v23 =	vmul.f32 v24, v23;
	_ =	sdelay $0x1  }
0x36f: {  	v22 =	vmul.f32 v23, v22;
	_ =	sdelay $0x1  }
0x370: {  	v22 =	vmul.f32 v22, v19  }
0x371: {  	vm1 =	veq.s32 v55, $0x0;
	[tilespmem:$0x1C380] =	vst v48  }
0x372: {  	[tilespmem:$0x1C480] =	vst v49;
	v22 =	vsel vm1, $0x3F800000, v22  }
0x373: {  	[tilespmem:$0x1C580] =	vst v22  }
0x374: {  	v20 =	vld.idx.msk [tilespmem:v12+s9+$0x0], $0xffff  }
0x375: {  	v21 =	vld.idx.msk [tilespmem:v13+s9+$0x0], $0xffff  }
0x376: {  	v22 =	vld.idx.msk [tilespmem:v12+s19+$0x0], $0xffff  }
0x377: {  	v56 =	vld.idx.msk [tilespmem:v13+s19+$0x0], $0xffff;
	_ =	sdelay $0x4  }
0x378: {  	v22 =	vsub.f32 v20, v22;
	v23 =	vsub.f32 v21, v56;
	_ =	sdelay $0x1  }
0x379: {  	v22 =	vmul.f32 v22, v22;
	v23 =	vmul.f32 v23, v23;
	_ =	sdelay $0x1  }
0x37a: {  	v22 =	vadd.f32 v23, v22;
	_ =	sdelay $0x1  }
0x37b: {  	v22 =	vmul.f32 v22, v18;
	_ =	sdelay $0x1  }
0x37c: {  	v57 =	vshra.s32 v22, $0x1;
	v58 =	vmul.f32 $5.000000000e-01, v22  }
0x37d: {  	v23 =	vsub.s32 $0x5F3759DF, v57  }
0x37e: {  	v59 =	vmul.f32 v23, v58;
	_ =	sdelay $0x1  }
0x37f: {  	v25 =	vmul.f32 v23, v59;
	_ =	sdelay $0x1  }
0x380: {  	v25 =	vsub.f32 $1.500000000e+00, v25;
	_ =	sdelay $0x1  }
0x381: {  	v23 =	vmul.f32 v23, v25;
	_ =	sdelay $0x1  }
0x382: {  	v25 =	vmul.f32 v23, v58;
	_ =	sdelay $0x1  }
0x383: {  	v25 =	vmul.f32 v25, v23;
	_ =	sdelay $0x1  }
0x384: {  	v25 =	vsub.f32 $1.500000000e+00, v25;
	_ =	sdelay $0x1  }
0x385: {  	v23 =	vmul.f32 v25, v23;
	_ =	sdelay $0x1  }
0x386: {  	v25 =	vmul.f32 v23, v58;
	_ =	sdelay $0x1  }
0x387: {  	v25 =	vmul.f32 v25, v23;
	_ =	sdelay $0x1  }
0x388: {  	v25 =	vsub.f32 $1.500000000e+00, v25;
	_ =	sdelay $0x1  }
0x389: {  	v23 =	vmul.f32 v25, v23;
	_ =	sdelay $0x1  }
0x38a: {  	v24 =	vmul.f32 v23, v58;
	_ =	sdelay $0x1  }
0x38b: {  	v24 =	vmul.f32 v24, v23;
	_ =	sdelay $0x1  }
0x38c: {  	v24 =	vsub.f32 $1.500000000e+00, v24;
	_ =	sdelay $0x1  }
0x38d: {  	v60 =	vld [tilespmem:$0x90];
	v23 =	vmul.f32 v24, v23;
	_ =	sdelay $0x1  }
0x38e: {  	v22 =	vmul.f32 v23, v22;
	_ =	sdelay $0x1  }
0x38f: {  	v22 =	vmul.f32 v22, v19  }
0x390: {  	vm1 =	veq.s32 v60, $0x0;
	[tilespmem:$0x1C390] =	vst v20  }
0x391: {  	[tilespmem:$0x1C490] =	vst v21;
	v22 =	vsel vm1, $0x3F800000, v22  }
0x392: {  	[tilespmem:$0x1C590] =	vst v22  }
0x393: {  	v20 =	vld.idx.msk [tilespmem:v14+s9+$0x0], $0xffff  }
0x394: {  	v21 =	vld.idx.msk [tilespmem:v15+s9+$0x0], $0xffff  }
0x395: {  	v22 =	vld.idx.msk [tilespmem:v14+s19+$0x0], $0xffff  }
0x396: {  	v61 =	vld.idx.msk [tilespmem:v15+s19+$0x0], $0xffff;
	_ =	sdelay $0x4  }
0x397: {  	v22 =	vsub.f32 v20, v22;
	v23 =	vsub.f32 v21, v61;
	_ =	sdelay $0x1  }
0x398: {  	v22 =	vmul.f32 v22, v22;
	v23 =	vmul.f32 v23, v23;
	_ =	sdelay $0x1  }
0x399: {  	v22 =	vadd.f32 v23, v22;
	_ =	sdelay $0x1  }
0x39a: {  	v22 =	vmul.f32 v22, v18;
	_ =	sdelay $0x1  }
0x39b: {  	v62 =	vshra.s32 v22, $0x1;
	v63 =	vmul.f32 $5.000000000e-01, v22  }
0x39c: {  	v23 =	vsub.s32 $0x5F3759DF, v62  }
0x39d: {  	v28 =	vmul.f32 v23, v63;
	_ =	sdelay $0x1  }
0x39e: {  	v25 =	vmul.f32 v23, v28;
	_ =	sdelay $0x1  }
0x39f: {  	v25 =	vsub.f32 $1.500000000e+00, v25;
	_ =	sdelay $0x1  }
0x3a0: {  	v23 =	vmul.f32 v23, v25;
	_ =	sdelay $0x1  }
0x3a1: {  	v25 =	vmul.f32 v23, v63;
	_ =	sdelay $0x1  }
0x3a2: {  	v25 =	vmul.f32 v25, v23;
	_ =	sdelay $0x1  }
0x3a3: {  	v25 =	vsub.f32 $1.500000000e+00, v25;
	_ =	sdelay $0x1  }
0x3a4: {  	v23 =	vmul.f32 v25, v23;
	_ =	sdelay $0x1  }
0x3a5: {  	v25 =	vmul.f32 v23, v63;
	_ =	sdelay $0x1  }
0x3a6: {  	v25 =	vmul.f32 v25, v23;
	_ =	sdelay $0x1  }
0x3a7: {  	v25 =	vsub.f32 $1.500000000e+00, v25;
	_ =	sdelay $0x1  }
0x3a8: {  	v23 =	vmul.f32 v25, v23;
	_ =	sdelay $0x1  }
0x3a9: {  	v24 =	vmul.f32 v23, v63;
	_ =	sdelay $0x1  }
0x3aa: {  	v24 =	vmul.f32 v24, v23;
	_ =	sdelay $0x1  }
0x3ab: {  	v24 =	vsub.f32 $1.500000000e+00, v24;
	_ =	sdelay $0x1  }
0x3ac: {  	v29 =	vld [tilespmem:$0xA0];
	v23 =	vmul.f32 v24, v23;
	_ =	sdelay $0x1  }
0x3ad: {  	v22 =	vmul.f32 v23, v22;
	_ =	sdelay $0x1  }
0x3ae: {  	v22 =	vmul.f32 v22, v19  }
0x3af: {  	vm1 =	veq.s32 v29, $0x0;
	[tilespmem:$0x1C3A0] =	vst v20  }
0x3b0: {  	[tilespmem:$0x1C4A0] =	vst v21;
	v22 =	vsel vm1, $0x3F800000, v22  }
0x3b1: {  	[tilespmem:$0x1C5A0] =	vst v22  }
0x3b2: {  	v20 =	vld.idx.msk [tilespmem:v16+s9+$0x0], $0xffff  }
0x3b3: {  	v21 =	vld.idx.msk [tilespmem:v17+s9+$0x0], $0xffff  }
0x3b4: {  	v22 =	vld.idx.msk [tilespmem:v16+s19+$0x0], $0xffff  }
0x3b5: {  	v30 =	vld.idx.msk [tilespmem:v17+s19+$0x0], $0xffff;
	_ =	sdelay $0x4  }
0x3b6: {  	v22 =	vsub.f32 v20, v22;
	v23 =	vsub.f32 v21, v30;
	_ =	sdelay $0x1  }
0x3b7: {  	v22 =	vmul.f32 v22, v22;
	v23 =	vmul.f32 v23, v23;
	_ =	sdelay $0x1  }
0x3b8: {  	v22 =	vadd.f32 v23, v22;
	_ =	sdelay $0x1  }
0x3b9: {  	v22 =	vmul.f32 v22, v18;
	_ =	sdelay $0x1  }
0x3ba: {  	v31 =	vshra.s32 v22, $0x1;
	v32 =	vmul.f32 $5.000000000e-01, v22  }
0x3bb: {  	v23 =	vsub.s32 $0x5F3759DF, v31  }
0x3bc: {  	v33 =	vmul.f32 v23, v32;
	_ =	sdelay $0x1  }
0x3bd: {  	v25 =	vmul.f32 v23, v33;
	_ =	sdelay $0x1  }
0x3be: {  	v25 =	vsub.f32 $1.500000000e+00, v25;
	_ =	sdelay $0x1  }
0x3bf: {  	v23 =	vmul.f32 v23, v25;
	_ =	sdelay $0x1  }
0x3c0: {  	v25 =	vmul.f32 v23, v32;
	_ =	sdelay $0x1  }
0x3c1: {  	v25 =	vmul.f32 v25, v23;
	_ =	sdelay $0x1  }
0x3c2: {  	v25 =	vsub.f32 $1.500000000e+00, v25;
	_ =	sdelay $0x1  }
0x3c3: {  	v23 =	vmul.f32 v25, v23;
	_ =	sdelay $0x1  }
0x3c4: {  	v25 =	vmul.f32 v23, v32;
	_ =	sdelay $0x1  }
0x3c5: {  	v25 =	vmul.f32 v25, v23;
	_ =	sdelay $0x1  }
0x3c6: {  	v25 =	vsub.f32 $1.500000000e+00, v25;
	_ =	sdelay $0x1  }
0x3c7: {  	v23 =	vmul.f32 v25, v23;
	_ =	sdelay $0x1  }
0x3c8: {  	v24 =	vmul.f32 v23, v32;
	_ =	sdelay $0x1  }
0x3c9: {  	v24 =	vmul.f32 v24, v23;
	_ =	sdelay $0x1  }
0x3ca: {  	v24 =	vsub.f32 $1.500000000e+00, v24;
	_ =	sdelay $0x1  }
0x3cb: {  	v34 =	vld [tilespmem:$0xB0];
	v23 =	vmul.f32 v24, v23;
	_ =	sdelay $0x1  }
0x3cc: {  	v22 =	vmul.f32 v23, v22;
	_ =	sdelay $0x1  }
0x3cd: {  	v22 =	vmul.f32 v22, v19  }
0x3ce: {  	vm1 =	veq.s32 v34, $0x0;
	[tilespmem:$0x1C3B0] =	vst v20  }
0x3cf: {  	[tilespmem:$0x1C4B0] =	vst v21;
	v22 =	vsel vm1, $0x3F800000, v22  }
0x3d0: {  	s30 =	rddreg [dreg:$0x8];
	[tilespmem:$0x1C5B0] =	vst v22  }
0x3d1: {  	[hbm4b:s30+s2] =	stream.linear.scatter [tilespmem:s9], [sflag:$0x3], $0x8000, $0x38;
	[tilespmem:$0x1C600] =	vst v63  }
0x3d2: {  	_ =	swait.ge [sflag:s7], $0x8000  }
0x3d3: {  	[sflag:s7] =	ssyncset.done $0x0  }
0x3d4: {  	[sflag:s7] =	ssyncadd.s32 $0xFFFF8000  }
0x3d5: {  	v35 =	vld.idx.msk [tilespmem:v8+s25+$0x0], $0xffff;
	_ =	sdelay $0x4  }
0x3d6: {  	v20 =	vtrunc.f32 v35  }
0x3d7: {  	v20 =	vcvt.f32.s32 v20;
	_ =	sdelay $0x1  }
0x3d8: {  	[tilespmem:$0x280] =	vst v20  }
0x3d9: {  	v36 =	vld.idx.msk [tilespmem:v9+s25+$0x0], $0xffff;
	_ =	sdelay $0x4  }
0x3da: {  	v21 =	vtrunc.f32 v36  }
0x3db: {  	v21 =	vcvt.f32.s32 v21;
	_ =	sdelay $0x1  }
0x3dc: {  	[tilespmem:$0x290] =	vst v21  }
0x3dd: {  	v21 =	vld.idx.msk [tilespmem:v10+s25+$0x0], $0xffff;
	_ =	sdelay $0x4  }
0x3de: {  	v21 =	vtrunc.f32 v21  }
0x3df: {  	v21 =	vcvt.f32.s32 v21;
	_ =	sdelay $0x1  }
0x3e0: {  	v37 =	vshll.u32 v20, $0x2;
	[tilespmem:$0x2A0] =	vst v21  }
0x3e1: {  	v20 =	vand.u32 $0x7, v20;
	v21 =	vand.u32 $0xFFFFFFE0, v37;
	v38 =	vld.idx.msk [tilespmem:v11+s25+$0x0], $0xffff  }
0x3e2: {  	v20 =	vor.u32 v20, v21  }
0x3e3: {  	v21 =	vperm.xlane v20, v1;
	_ =	sdelay $0x1  }
0x3e4: {  	v21 =	vadd.s32 v2, v21  }
0x3e5: {  	v22 =	vtrunc.f32 v38  }
0x3e6: {  	v20 =	vperm.xlane v20, v4;
	v22 =	vcvt.f32.s32 v22;
	_ =	sdelay $0x1  }
0x3e7: {  	v20 =	vadd.s32 v2, v20;
	[tilespmem:$0x2B0] =	vst v22  }
0x3e8: {  	[tilespmem:s19], [sflag:$0x5] =	stream.indirect_vreg.gather [hbm4b:s3+s2], $0x80, v21, vm0, $0xb8;
	[tilespmem:$0x1C600] =	vst v63  }
0x3e9: {  	s0 =	simm.s32 $0x14B00  }
0x3ea: {  	[tilespmem:s0], [sflag:$0x5] =	stream.indirect_vreg.gather [hbm4b:s4+s2], $0x80, v21, vm0, $0xb8;
	[tilespmem:$0x1C600] =	vst v63  }
0x3eb: {  	s14 =	simm.s32 $0x15300  }
0x3ec: {  	[tilespmem:s14], [sflag:$0x5] =	stream.indirect_vreg.gather [hbm4b:s3+s2], $0x80, v20, vm0, $0xb8;
	[tilespmem:$0x1C600] =	vst v63  }
0x3ed: {  	_ = 	snop  }
0x3ee: {  	[tilespmem:s15], [sflag:$0x5] =	stream.indirect_vreg.gather [hbm4b:s4+s2], $0x80, v20, vm0, $0xb8;
	[tilespmem:$0x1C600] =	vst v63  }
0x3ef: {  	v20 =	vld [tilespmem:$0x290];
	_ =	sdelay $0x4  }
0x3f0: {  	v39 =	vshll.u32 v20, $0x2  }
0x3f1: {  	v20 =	vand.u32 $0x7, v20;
	v21 =	vand.u32 $0xFFFFFFE0, v39  }
0x3f2: {  	v20 =	vor.u32 v20, v21  }
0x3f3: {  	v21 =	vperm.xlane v20, v1;
	_ =	sdelay $0x1  }
0x3f4: {  	v21 =	vadd.s32 v2, v21;
	_ =	sdelay $0x1  }
0x3f5: {  	v20 =	vperm.xlane v20, v4;
	_ =	sdelay $0x1  }
0x3f6: {  	v20 =	vadd.s32 v2, v20  }
0x3f7: {  	[tilespmem:s16], [sflag:$0x5] =	stream.indirect_vreg.gather [hbm4b:s3+s2], $0x80, v21, vm0, $0xb8;
	[tilespmem:$0x1C600] =	vst v63  }
0x3f8: {  	_ = 	snop  }
0x3f9: {  	[tilespmem:s18], [sflag:$0x5] =	stream.indirect_vreg.gather [hbm4b:s4+s2], $0x80, v21, vm0, $0xb8;
	[tilespmem:$0x1C600] =	vst v63  }
0x3fa: {  	s11 =	simm.s32 $0x17300  }
0x3fb: {  	[tilespmem:s11], [sflag:$0x5] =	stream.indirect_vreg.gather [hbm4b:s3+s2], $0x80, v20, vm0, $0xb8;
	[tilespmem:$0x1C600] =	vst v63  }
0x3fc: {  	s26 =	simm.s32 $0x17B00  }
0x3fd: {  	[tilespmem:s26], [sflag:$0x5] =	stream.indirect_vreg.gather [hbm4b:s4+s2], $0x80, v20, vm0, $0xb8;
	[tilespmem:$0x1C600] =	vst v63  }
0x3fe: {  	v20 =	vld [tilespmem:$0x2A0];
	_ =	sdelay $0x4  }
0x3ff: {  	v40 =	vshll.u32 v20, $0x2  }
0x400: {  	v20 =	vand.u32 $0x7, v20;
	v21 =	vand.u32 $0xFFFFFFE0, v40  }
0x401: {  	v20 =	vor.u32 v20, v21  }
0x402: {  	v21 =	vperm.xlane v20, v1;
	_ =	sdelay $0x1  }
0x403: {  	v21 =	vadd.s32 v2, v21;
	_ =	sdelay $0x1  }
0x404: {  	v20 =	vperm.xlane v20, v4;
	_ =	sdelay $0x1  }
0x405: {  	s12 =	simm.s32 $0x18300;
	v20 =	vadd.s32 v2, v20  }
0x406: {  	[tilespmem:s12], [sflag:$0x5] =	stream.indirect_vreg.gather [hbm4b:s3+s2], $0x80, v21, vm0, $0xb8;
	[tilespmem:$0x1C600] =	vst v63  }
0x407: {  	s17 =	simm.s32 $0x18B00  }
0x408: {  	[tilespmem:s17], [sflag:$0x5] =	stream.indirect_vreg.gather [hbm4b:s4+s2], $0x80, v21, vm0, $0xb8;
	[tilespmem:$0x1C600] =	vst v63  }
0x409: {  	s20 =	simm.s32 $0x19300  }
0x40a: {  	[tilespmem:s20], [sflag:$0x5] =	stream.indirect_vreg.gather [hbm4b:s3+s2], $0x80, v20, vm0, $0xb8;
	[tilespmem:$0x1C600] =	vst v63  }
0x40b: {  	s21 =	simm.s32 $0x19B00  }
0x40c: {  	[tilespmem:s21], [sflag:$0x5] =	stream.indirect_vreg.gather [hbm4b:s4+s2], $0x80, v20, vm0, $0xb8;
	[tilespmem:$0x1C600] =	vst v63  }
0x40d: {  	v20 =	vld [tilespmem:$0x2B0];
	_ =	sdelay $0x4  }
0x40e: {  	v41 =	vshll.u32 v20, $0x2  }
0x40f: {  	v20 =	vand.u32 $0x7, v20;
	v21 =	vand.u32 $0xFFFFFFE0, v41  }
0x410: {  	v20 =	vor.u32 v20, v21  }
0x411: {  	v21 =	vperm.xlane v20, v1;
	_ =	sdelay $0x1  }
0x412: {  	v21 =	vadd.s32 v2, v21;
	_ =	sdelay $0x1  }
0x413: {  	v20 =	vperm.xlane v20, v4;
	_ =	sdelay $0x1  }
0x414: {  	s22 =	simm.s32 $0x1A300;
	v20 =	vadd.s32 v2, v20  }
0x415: {  	[tilespmem:s22], [sflag:$0x5] =	stream.indirect_vreg.gather [hbm4b:s3+s2], $0x80, v21, vm0, $0xb8;
	[tilespmem:$0x1C600] =	vst v63  }
0x416: {  	s23 =	simm.s32 $0x1AB00  }
0x417: {  	[tilespmem:s23], [sflag:$0x5] =	stream.indirect_vreg.gather [hbm4b:s4+s2], $0x80, v21, vm0, $0xb8;
	[tilespmem:$0x1C600] =	vst v63  }
0x418: {  	s24 =	simm.s32 $0x1B300  }
0x419: {  	[tilespmem:s24], [sflag:$0x5] =	stream.indirect_vreg.gather [hbm4b:s3+s2], $0x80, v20, vm0, $0xb8;
	[tilespmem:$0x1C600] =	vst v63  }
0x41a: {  	_ = 	snop  }
0x41b: {  	[tilespmem:s29], [sflag:$0x5] =	stream.indirect_vreg.gather [hbm4b:s4+s2], $0x80, v20, vm0, $0xb8;
	[tilespmem:$0x1C600] =	vst v63  }
0x41c: {  	_ =	swait.ge [sflag:s13], $0x8000  }
0x41d: {  	[sflag:s13] =	ssyncset.done $0x0  }
0x41e: {  	[sflag:s13] =	ssyncadd.s32 $0xFFFF8000  }
0x41f: {  	v42 =	vld.idx.msk [tilespmem:v6+s25+$0x0], $0xffff  }
0x420: {  	v43 =	vld.idx.msk [tilespmem:v7+s25+$0x0], $0xffff  }
0x421: {  	v44 =	vld.idx.msk [tilespmem:v6+s19+$0x0], $0xffff  }
0x422: {  	v45 =	vld.idx.msk [tilespmem:v7+s19+$0x0], $0xffff;
	_ =	sdelay $0x4  }
0x423: {  	v22 =	vsub.f32 v42, v44;
	v23 =	vsub.f32 v43, v45;
	_ =	sdelay $0x1  }
0x424: {  	v22 =	vmul.f32 v22, v22;
	v23 =	vmul.f32 v23, v23;
	_ =	sdelay $0x1  }
0x425: {  	v22 =	vadd.f32 v23, v22;
	_ =	sdelay $0x1  }
0x426: {  	v22 =	vmul.f32 v22, v18;
	_ =	sdelay $0x1  }
0x427: {  	v46 =	vshra.s32 v22, $0x1;
	v47 =	vmul.f32 $5.000000000e-01, v22  }
0x428: {  	v23 =	vsub.s32 $0x5F3759DF, v46  }
0x429: {  	v48 =	vmul.f32 v23, v47;
	_ =	sdelay $0x1  }
0x42a: {  	v25 =	vmul.f32 v23, v48;
	_ =	sdelay $0x1  }
0x42b: {  	v25 =	vsub.f32 $1.500000000e+00, v25;
	_ =	sdelay $0x1  }
0x42c: {  	v23 =	vmul.f32 v23, v25;
	_ =	sdelay $0x1  }
0x42d: {  	v25 =	vmul.f32 v23, v47;
	_ =	sdelay $0x1  }
0x42e: {  	v25 =	vmul.f32 v25, v23;
	_ =	sdelay $0x1  }
0x42f: {  	v25 =	vsub.f32 $1.500000000e+00, v25;
	_ =	sdelay $0x1  }
0x430: {  	v23 =	vmul.f32 v25, v23;
	_ =	sdelay $0x1  }
0x431: {  	v25 =	vmul.f32 v23, v47;
	_ =	sdelay $0x1  }
0x432: {  	v25 =	vmul.f32 v25, v23;
	_ =	sdelay $0x1  }
0x433: {  	v25 =	vsub.f32 $1.500000000e+00, v25;
	_ =	sdelay $0x1  }
0x434: {  	v23 =	vmul.f32 v25, v23;
	_ =	sdelay $0x1  }
0x435: {  	v24 =	vmul.f32 v23, v47;
	_ =	sdelay $0x1  }
0x436: {  	v24 =	vmul.f32 v24, v23;
	_ =	sdelay $0x1  }
0x437: {  	v24 =	vsub.f32 $1.500000000e+00, v24;
	_ =	sdelay $0x1  }
0x438: {  	v49 =	vld [tilespmem:$0xC0];
	v23 =	vmul.f32 v24, v23;
	_ =	sdelay $0x1  }
0x439: {  	v22 =	vmul.f32 v23, v22;
	_ =	sdelay $0x1  }
0x43a: {  	v22 =	vmul.f32 v22, v19  }
0x43b: {  	vm1 =	veq.s32 v49, $0x0;
	[tilespmem:$0x1C3C0] =	vst v42  }
0x43c: {  	[tilespmem:$0x1C4C0] =	vst v43;
	v22 =	vsel vm1, $0x3F800000, v22  }
0x43d: {  	[tilespmem:$0x1C5C0] =	vst v22  }
0x43e: {  	v20 =	vld.idx.msk [tilespmem:v12+s25+$0x0], $0xffff  }
0x43f: {  	v21 =	vld.idx.msk [tilespmem:v13+s25+$0x0], $0xffff  }
0x440: {  	v22 =	vld.idx.msk [tilespmem:v12+s19+$0x0], $0xffff  }
0x441: {  	v50 =	vld.idx.msk [tilespmem:v13+s19+$0x0], $0xffff;
	_ =	sdelay $0x4  }
0x442: {  	v22 =	vsub.f32 v20, v22;
	v23 =	vsub.f32 v21, v50;
	_ =	sdelay $0x1  }
0x443: {  	v22 =	vmul.f32 v22, v22;
	v23 =	vmul.f32 v23, v23;
	_ =	sdelay $0x1  }
0x444: {  	v22 =	vadd.f32 v23, v22;
	_ =	sdelay $0x1  }
0x445: {  	v22 =	vmul.f32 v22, v18;
	_ =	sdelay $0x1  }
0x446: {  	v51 =	vshra.s32 v22, $0x1;
	v52 =	vmul.f32 $5.000000000e-01, v22  }
0x447: {  	v23 =	vsub.s32 $0x5F3759DF, v51  }
0x448: {  	v53 =	vmul.f32 v23, v52;
	_ =	sdelay $0x1  }
0x449: {  	v25 =	vmul.f32 v23, v53;
	_ =	sdelay $0x1  }
0x44a: {  	v25 =	vsub.f32 $1.500000000e+00, v25;
	_ =	sdelay $0x1  }
0x44b: {  	v23 =	vmul.f32 v23, v25;
	_ =	sdelay $0x1  }
0x44c: {  	v25 =	vmul.f32 v23, v52;
	_ =	sdelay $0x1  }
0x44d: {  	v25 =	vmul.f32 v25, v23;
	_ =	sdelay $0x1  }
0x44e: {  	v25 =	vsub.f32 $1.500000000e+00, v25;
	_ =	sdelay $0x1  }
0x44f: {  	v23 =	vmul.f32 v25, v23;
	_ =	sdelay $0x1  }
0x450: {  	v25 =	vmul.f32 v23, v52;
	_ =	sdelay $0x1  }
0x451: {  	v25 =	vmul.f32 v25, v23;
	_ =	sdelay $0x1  }
0x452: {  	v25 =	vsub.f32 $1.500000000e+00, v25;
	_ =	sdelay $0x1  }
0x453: {  	v23 =	vmul.f32 v25, v23;
	_ =	sdelay $0x1  }
0x454: {  	v24 =	vmul.f32 v23, v52;
	_ =	sdelay $0x1  }
0x455: {  	v24 =	vmul.f32 v24, v23;
	_ =	sdelay $0x1  }
0x456: {  	v24 =	vsub.f32 $1.500000000e+00, v24;
	_ =	sdelay $0x1  }
0x457: {  	v54 =	vld [tilespmem:$0xD0];
	v23 =	vmul.f32 v24, v23;
	_ =	sdelay $0x1  }
0x458: {  	v22 =	vmul.f32 v23, v22;
	_ =	sdelay $0x1  }
0x459: {  	v22 =	vmul.f32 v22, v19  }
0x45a: {  	vm1 =	veq.s32 v54, $0x0;
	[tilespmem:$0x1C3D0] =	vst v20  }
0x45b: {  	[tilespmem:$0x1C4D0] =	vst v21;
	v22 =	vsel vm1, $0x3F800000, v22  }
0x45c: {  	[tilespmem:$0x1C5D0] =	vst v22  }
0x45d: {  	v20 =	vld.idx.msk [tilespmem:v14+s25+$0x0], $0xffff  }
0x45e: {  	v21 =	vld.idx.msk [tilespmem:v15+s25+$0x0], $0xffff  }
0x45f: {  	v22 =	vld.idx.msk [tilespmem:v14+s19+$0x0], $0xffff  }
0x460: {  	v55 =	vld.idx.msk [tilespmem:v15+s19+$0x0], $0xffff;
	_ =	sdelay $0x4  }
0x461: {  	v22 =	vsub.f32 v20, v22;
	v23 =	vsub.f32 v21, v55;
	_ =	sdelay $0x1  }
0x462: {  	v22 =	vmul.f32 v22, v22;
	v23 =	vmul.f32 v23, v23;
	_ =	sdelay $0x1  }
0x463: {  	v22 =	vadd.f32 v23, v22;
	_ =	sdelay $0x1  }
0x464: {  	v22 =	vmul.f32 v22, v18;
	_ =	sdelay $0x1  }
0x465: {  	v56 =	vshra.s32 v22, $0x1;
	v57 =	vmul.f32 $5.000000000e-01, v22  }
0x466: {  	v23 =	vsub.s32 $0x5F3759DF, v56  }
0x467: {  	v58 =	vmul.f32 v23, v57;
	_ =	sdelay $0x1  }
0x468: {  	v25 =	vmul.f32 v23, v58;
	_ =	sdelay $0x1  }
0x469: {  	v25 =	vsub.f32 $1.500000000e+00, v25;
	_ =	sdelay $0x1  }
0x46a: {  	v23 =	vmul.f32 v23, v25;
	_ =	sdelay $0x1  }
0x46b: {  	v25 =	vmul.f32 v23, v57;
	_ =	sdelay $0x1  }
0x46c: {  	v25 =	vmul.f32 v25, v23;
	_ =	sdelay $0x1  }
0x46d: {  	v25 =	vsub.f32 $1.500000000e+00, v25;
	_ =	sdelay $0x1  }
0x46e: {  	v23 =	vmul.f32 v25, v23;
	_ =	sdelay $0x1  }
0x46f: {  	v25 =	vmul.f32 v23, v57;
	_ =	sdelay $0x1  }
0x470: {  	v25 =	vmul.f32 v25, v23;
	_ =	sdelay $0x1  }
0x471: {  	v25 =	vsub.f32 $1.500000000e+00, v25;
	_ =	sdelay $0x1  }
0x472: {  	v23 =	vmul.f32 v25, v23;
	_ =	sdelay $0x1  }
0x473: {  	v24 =	vmul.f32 v23, v57;
	_ =	sdelay $0x1  }
0x474: {  	v24 =	vmul.f32 v24, v23;
	_ =	sdelay $0x1  }
0x475: {  	v24 =	vsub.f32 $1.500000000e+00, v24;
	_ =	sdelay $0x1  }
0x476: {  	v59 =	vld [tilespmem:$0xE0];
	v23 =	vmul.f32 v24, v23;
	_ =	sdelay $0x1  }
0x477: {  	v22 =	vmul.f32 v23, v22;
	_ =	sdelay $0x1  }
0x478: {  	v22 =	vmul.f32 v22, v19  }
0x479: {  	vm1 =	veq.s32 v59, $0x0;
	[tilespmem:$0x1C3E0] =	vst v20  }
0x47a: {  	[tilespmem:$0x1C4E0] =	vst v21;
	v22 =	vsel vm1, $0x3F800000, v22  }
0x47b: {  	[tilespmem:$0x1C5E0] =	vst v22  }
0x47c: {  	v20 =	vld.idx.msk [tilespmem:v16+s25+$0x0], $0xffff  }
0x47d: {  	v21 =	vld.idx.msk [tilespmem:v17+s25+$0x0], $0xffff  }
0x47e: {  	v22 =	vld.idx.msk [tilespmem:v16+s19+$0x0], $0xffff  }
0x47f: {  	v60 =	vld.idx.msk [tilespmem:v17+s19+$0x0], $0xffff;
	_ =	sdelay $0x4  }
0x480: {  	v22 =	vsub.f32 v20, v22;
	v23 =	vsub.f32 v21, v60;
	_ =	sdelay $0x1  }
0x481: {  	v22 =	vmul.f32 v22, v22;
	v23 =	vmul.f32 v23, v23;
	_ =	sdelay $0x1  }
0x482: {  	v22 =	vadd.f32 v23, v22;
	_ =	sdelay $0x1  }
0x483: {  	v18 =	vmul.f32 v22, v18;
	_ =	sdelay $0x1  }
0x484: {  	v22 =	vshra.s32 v18, $0x1;
	v61 =	vmul.f32 $5.000000000e-01, v18  }
0x485: {  	v22 =	vsub.s32 $0x5F3759DF, v22  }
0x486: {  	v62 =	vmul.f32 v22, v61;
	_ =	sdelay $0x1  }
0x487: {  	v24 =	vmul.f32 v22, v62;
	_ =	sdelay $0x1  }
0x488: {  	v24 =	vsub.f32 $1.500000000e+00, v24;
	_ =	sdelay $0x1  }
0x489: {  	v22 =	vmul.f32 v22, v24;
	_ =	sdelay $0x1  }
0x48a: {  	v24 =	vmul.f32 v22, v61;
	_ =	sdelay $0x1  }
0x48b: {  	v24 =	vmul.f32 v24, v22;
	_ =	sdelay $0x1  }
0x48c: {  	v24 =	vsub.f32 $1.500000000e+00, v24;
	_ =	sdelay $0x1  }
0x48d: {  	v22 =	vmul.f32 v24, v22;
	_ =	sdelay $0x1  }
0x48e: {  	v24 =	vmul.f32 v22, v61;
	_ =	sdelay $0x1  }
0x48f: {  	v24 =	vmul.f32 v24, v22;
	_ =	sdelay $0x1  }
0x490: {  	v24 =	vsub.f32 $1.500000000e+00, v24;
	_ =	sdelay $0x1  }
0x491: {  	v22 =	vmul.f32 v24, v22;
	_ =	sdelay $0x1  }
0x492: {  	v23 =	vmul.f32 v22, v61;
	_ =	sdelay $0x1  }
0x493: {  	v23 =	vmul.f32 v23, v22;
	_ =	sdelay $0x1  }
0x494: {  	v23 =	vsub.f32 $1.500000000e+00, v23;
	_ =	sdelay $0x1  }
0x495: {  	v63 =	vld [tilespmem:$0xF0];
	v22 =	vmul.f32 v23, v22;
	_ =	sdelay $0x1  }
0x496: {  	v18 =	vmul.f32 v22, v18;
	_ =	sdelay $0x1  }
0x497: {  	v18 =	vmul.f32 v18, v19  }
0x498: {  	vm1 =	veq.s32 v63, $0x0;
	[tilespmem:$0x1C3F0] =	vst v20  }
0x499: {  	s22 =	rddreg [dreg:$0x9];
	[tilespmem:$0x1C4F0] =	vst v21;
	v18 =	vsel vm1, $0x3F800000, v18  }
0x49a: {  	s23 =	rddreg [dreg:$0xa];
	[tilespmem:$0x1C5F0] =	vst v18  }
0x49b: {  	[hbm4b:s22+s2] =	stream.linear.scatter [tilespmem:s25], [sflag:$0x4], $0x8000, $0x38;
	[tilespmem:$0x1C600] =	vst v63  }
0x49c: {  	s24 =	rddreg [dreg:$0x13]  }
0x49d: {  	[hbm4b:s23+s2] =	stream.linear.scatter [tilespmem:s24], [sflag:$0x6], $0x100, $0x38;
	[tilespmem:$0x1C600] =	vst v63  }
0x49e: {  	_ =	swait.ge [sflag:s6], $0x100  }
0x49f: {  	s26 =	rddreg [dreg:$0xb];
	[sflag:s6] =	ssyncset.done $0x0  }
0x4a0: {  	s28 =	rddreg [dreg:$0x14];
	[sflag:s6] =	ssyncadd.s32 $0xFFFFFF00  }
0x4a1: {  	[hbm4b:s26+s2] =	stream.linear.scatter [tilespmem:s28], [sflag:$0x6], $0x100, $0x38;
	[tilespmem:$0x1C600] =	vst v63  }
0x4a2: {  	_ =	swait.ge [sflag:s6], $0x100  }
0x4a3: {  	s29 =	rddreg [dreg:$0xc];
	[sflag:s6] =	ssyncset.done $0x0  }
0x4a4: {  	s30 =	rddreg [dreg:$0x15];
	[sflag:s6] =	ssyncadd.s32 $0xFFFFFF00  }
0x4a5: {  	[hbm4b:s29+s2] =	stream.linear.scatter [tilespmem:s30], [sflag:$0x6], $0x100, $0x38;
	[tilespmem:$0x1C600] =	vst v63  }
0x4a6: {  	_ =	swait.ge [sflag:s6], $0x100  }
0x4a7: {  	[sflag:s6] =	ssyncset.done $0x0  }
0x4a8: {  	[sflag:s6] =	ssyncadd.s32 $0xFFFFFF00  }
0x4a9: {  	p0 =	sne.s32 s5, $0x1;
	_ =	swait.ge [sflag:s1], $0x8000  }
.Ltmp0:
0x4aa: {  	[sflag:s1] =	ssyncset.done $0x0;
	(pc) =	sbr.rel @p0 .LBB2_1-.Ltmp0, $4  }
0x4ab: {  	[sflag:s1] =	ssyncadd.s32 $0xFFFF8000  }
0x4ac: {  	_ =	swait.ge [sflag:s10], $0x8000  }
0x4ad: {  	[sflag:s10] =	ssyncset.done $0x0  }
0x4ae: {  	s5 =	sadd.s32 $0xFFFFFFFF, s5;
	[sflag:s10] =	ssyncadd.s32 $0xFFFF8000  }
0x4af: {  	_ =	sfence.sel $0x180000  }
0x4b0: {  	[bflag:$0x0] =	sbarrier.arrive $0xFFFF  }
0x4b1: {  	_ =	strace $0x90000047  }
0x4b2: {  	s0 =	stileid.u32;
	[bflag:$0x2] =	sbarrier.arrive $0xFFFF  }
0x4b3: {  	p0 =	sne.s32 s0, $0x0;
	s0 =	rddreg [dreg:$0x4]  }
0x4b4: {  	s0 =	sadd.s32 @!p0 $0x100000, s0  }
0x4b5: {  	[sflag:s0] =	ssyncadd.tile.s32 @!p0 $0x1;
	_ =	shalt  }
.Lfunc_end2:
_tile_overlayer_lowered:
.L_overlay_start_2:
0x4b6: {  	(tag) =	ssettag $0x2  }
0x4b7: {  	s0 =	rddreg [dreg:$0x0];
	s2 =	stileid.u32  }
0x4b8: {  	s1 =	rddreg [dreg:$0x1];
	p0 =	sne.s32 s2, $0x0  }
0x4b9: {  	s3 =	rddreg [dreg:$0x2];
	[bflag:$0x3] =	sbarrier.arrive $0xFFFF;
	s2 =	simm.s32 @!p0 $0x1C06  }
0x4ba: {  	[timem:s3], [sflag:s2] =	dma.local @!p0 [hbm:s0], s1  }
0x4bb: {  	s0 =	simm.s32 @!p0 $0x6  }
0x4bc: {  	_ =	swait.ge @!p0 [sflag:s0], s1  }
0x4bd: {  	s1 =	ssub.s32 @!p0 $0x0, s1;
	[sflag:s0] =	ssyncset.done @!p0 $0x0  }
0x4be: {  	[sflag:s0] =	ssyncadd.s32 @!p0 s1  }
0x4bf: {  	[bflag:$0x3] =	sbarrier.arrive $0xFFFF  }
0x4c0: {  	_ =	shalt  }

</sc_bundles>
